<compile_context>
chip_gen: v7x
topology: tpu7x:2x2x1
jax: 0.10.2.dev20260603
libtpu: 0.0.44.dev20260713+nightly
codegen_flags: <defaults>
</compile_context>

<pallas_src>
import functools

import jax
import jax.numpy as jnp
from jax import lax
from jax.experimental import pallas as pl
from jax.experimental.pallas import tpu as pltpu
from jax.experimental.pallas import tpu_sc as plsc

_LANES = 16
_SCALE = 8.0
_NBUF = 5


def _emb_call(V, D, NW, CH, n_units):
    mesh = plsc.VectorSubcoreMesh(core_axis_name="c", subcore_axis_name="s")
    num_cores = mesh.num_cores
    K = n_units // _NBUF
    DT = D // 8

    @functools.partial(
        pl.kernel,
        out_type=jax.ShapeDtypeStruct((n_units, DT, NW, 8, CH), jnp.float32),
        mesh=mesh,
        scratch_types=[
            pltpu.VMEM((n_units // 8, 8, CH), jnp.int32),
            [pltpu.VMEM((CH, D), jnp.float32) for _ in range(_NBUF)],
            [pltpu.VMEM((DT, 8, CH + 1), jnp.float32) for _ in range(_NBUF)],
            [pltpu.SemaphoreType.DMA for _ in range(_NBUF)],
            [pltpu.SemaphoreType.DMA for _ in range(_NBUF)],
        ],
        compiler_params=pltpu.CompilerParams(
            use_tc_tiling_on_sc=False, needs_layout_passes=False
        ),
    )
    def emb_kernel(idx_hbm, table_hbm, out_hbm, idx_v, rows_g, tbuf_s, gsem, ssem):
        wid = lax.axis_index("s") * num_cores + lax.axis_index("c")
        pltpu.sync_copy(idx_hbm.at[:, wid], idx_v)

        iota = lax.iota(jnp.int32, _LANES)
        dt_vecs = [(iota + q * _LANES) // 8 for q in range(D // _LANES)]
        dr_vecs = [(iota + q * _LANES) % 8 for q in range(D // _LANES)]

        def idx_row(u):
            return idx_v.at[u // 8, u % 8]

        def transpose_scale(b):
            @pl.loop(0, CH, unroll=4)
            def _r(r):
                bcol = jnp.full((_LANES,), r, jnp.int32)
                for q in range(D // _LANES):
                    v = rows_g[b][r, pl.ds(q * _LANES, _LANES)]
                    plsc.store_scatter(
                        tbuf_s[b], [dt_vecs[q], dr_vecs[q], bcol], v * _SCALE
                    )

        for b in range(_NBUF):
            pltpu.async_copy(table_hbm.at[idx_row(b)], rows_g[b], gsem[b])

        @pl.loop(0, K)
        def _block(k):
            for b in range(_NBUF):
                u = k * _NBUF + b
                pltpu.make_async_copy(
                    table_hbm.at[idx_row(u)], rows_g[b], gsem[b]
                ).wait()

                @pl.when(k > 0)
                def _wait_store():
                    pltpu.make_async_copy(
                        tbuf_s[b].at[:, :, pl.ds(0, CH)],
                        out_hbm.at[u - _NBUF, :, wid],
                        ssem[b],
                    ).wait()

                transpose_scale(b)
                pltpu.async_copy(
                    tbuf_s[b].at[:, :, pl.ds(0, CH)],
                    out_hbm.at[u, :, wid],
                    ssem[b],
                )

                @pl.when(k < K - 1)
                def _next_gather():
                    pltpu.async_copy(
                        table_hbm.at[idx_row(u + _NBUF)], rows_g[b], gsem[b]
                    )

        for b in range(_NBUF):
            pltpu.make_async_copy(
                tbuf_s[b].at[:, :, pl.ds(0, CH)],
                out_hbm.at[(K - 1) * _NBUF + b, :, wid],
                ssem[b],
            ).wait()

    return emb_kernel


def kernel(inputs, table):
    B0, B1 = inputs.shape
    V, D = table.shape
    NW = 32
    CH = 128

    idx_phys = (
        inputs.astype(jnp.int32)
        .reshape(NW, CH, B1 // 8, 8)
        .transpose(2, 0, 3, 1)
    )
    out5 = _emb_call(V, D, NW, CH, B1)(idx_phys, table)
    return out5.transpose(2, 4, 0, 1, 3).reshape(B0, B1, D)

# --- scband reference (transcript-rebuilt; emitter-appended) ---
"""Pipeline reference for scband-embeddings-13340168421636 (READ-ONLY COPY).

The authoritative reference and input builder live on the scoring server;
editing this copy changes nothing except your own understanding.
"""

import jax, jax.numpy as jnp
import numpy as np

VOCAB = 1000000
DIM = 64

def setup_inputs(seed: int = 0) -> dict:
    key = jax.random.key(seed)
    k_idx, k_tab = jax.random.split(key)
    inputs = jax.random.randint(k_idx, (4096, 200), 0, VOCAB, dtype=jnp.int64 if jax.config.jax_enable_x64 else jnp.int32)
    table = jax.random.normal(k_tab, (VOCAB, DIM), dtype=jnp.float32)
    return {"inputs": inputs, "table": table}

def reference(inputs, table):
    # embedding lookup scaled by sqrt(dim_model), matching nn.Embedding(...)(inputs) * sqrt(dim_model)
    emb = jnp.take(table, inputs, axis=0)
    return emb * jnp.sqrt(jnp.asarray(DIM, dtype=jnp.float32))

if __name__ == "__main__":
    import jax
    _d = setup_inputs()
    print(jax.jit(kernel)(*tuple(_d.values())))

</pallas_src>

<mosaic_0001>
#map = affine_map<(d0, d1) -> (0, 0, 0, 0)>
#map1 = affine_map<(d0, d1) -> (0, 0)>
#map2 = affine_map<(d0, d1) -> (0, 0, 0, 0, 0)>
module attributes {stable_mosaic.version = 14 : i64} {
  func.func @emb_kernel(%arg0: i32, %arg1: i32, %arg2: memref<25x32x8x128xi32, #tpu.memory_space<hbm>>, %arg3: memref<1000000x64xf32, #tpu.memory_space<hbm>>, %arg4: memref<200x8x32x8x128xf32, #tpu.memory_space<hbm>>, %arg5: memref<25x8x128xi32, #tpu.memory_space<vmem>>, %arg6: memref<128x64xf32, #tpu.memory_space<vmem>>, %arg7: memref<128x64xf32, #tpu.memory_space<vmem>>, %arg8: memref<128x64xf32, #tpu.memory_space<vmem>>, %arg9: memref<128x64xf32, #tpu.memory_space<vmem>>, %arg10: memref<128x64xf32, #tpu.memory_space<vmem>>, %arg11: memref<8x8x129xf32, #tpu.memory_space<vmem>>, %arg12: memref<8x8x129xf32, #tpu.memory_space<vmem>>, %arg13: memref<8x8x129xf32, #tpu.memory_space<vmem>>, %arg14: memref<8x8x129xf32, #tpu.memory_space<vmem>>, %arg15: memref<8x8x129xf32, #tpu.memory_space<vmem>>, %arg16: memref<!tpu.dma_semaphore, #tpu.memory_space<semaphore_mem>>, %arg17: memref<!tpu.dma_semaphore, #tpu.memory_space<semaphore_mem>>, %arg18: memref<!tpu.dma_semaphore, #tpu.memory_space<semaphore_mem>>, %arg19: memref<!tpu.dma_semaphore, #tpu.memory_space<semaphore_mem>>, %arg20: memref<!tpu.dma_semaphore, #tpu.memory_space<semaphore_mem>>, %arg21: memref<!tpu.dma_semaphore, #tpu.memory_space<semaphore_mem>>, %arg22: memref<!tpu.dma_semaphore, #tpu.memory_space<semaphore_mem>>, %arg23: memref<!tpu.dma_semaphore, #tpu.memory_space<semaphore_mem>>, %arg24: memref<!tpu.dma_semaphore, #tpu.memory_space<semaphore_mem>>, %arg25: memref<!tpu.dma_semaphore, #tpu.memory_space<semaphore_mem>>) attributes {dimension_semantics = [#tpu.dimension_semantics<core_parallel>, #tpu.dimension_semantics<subcore_parallel>], iteration_bounds = array<i64: 2, 16>, scalar_prefetch = 0 : i64, scratch_operands = 21 : i64, tpu.core_type = #tpu.core_type<sc_vector_subcore>, window_params = [{transform_indices = #map}, {transform_indices = #map1}, {transform_indices = #map2}]} {
    %mul3A = arith.constant 2 : i32
    %mul3A_0 = arith.muli %arg1, %mul3A : i32
    %add3A = arith.addi %mul3A_0, %arg0 : i32
    "tpu.region"() ({
      %run_scoped3A = tpu.sem_alloc : memref<!tpu.dma_semaphore, #tpu.memory_space<semaphore_mem>>
      %dma_start3A_364 = arith.constant 0 : i32
      %dma_start3A_365 = arith.constant 0 : i32
      %dma_start3A_366 = arith.constant 0 : i32
      %dma_start3A_367 = tpu.memref_slice %arg2[%dma_start3A_364, %add3A, %dma_start3A_365, %dma_start3A_366] : memref<25x32x8x128xi32, #tpu.memory_space<hbm>> -> memref<25x1x8x128xi32, #tpu.memory_space<hbm>>
      %dma_start3A_368 = tpu.memref_squeeze %dma_start3A_367 : memref<25x1x8x128xi32, #tpu.memory_space<hbm>> -> memref<25x8x128xi32, #tpu.memory_space<hbm>>
      %dma_start3A_369 = arith.constant 0 : i32
      %dma_start3A_370 = arith.constant 0 : i32
      %dma_start3A_371 = arith.constant 0 : i32
      %dma_start3A_372 = tpu.memref_slice %arg2[%dma_start3A_369, %add3A, %dma_start3A_370, %dma_start3A_371] : memref<25x32x8x128xi32, #tpu.memory_space<hbm>> -> memref<25x1x8x128xi32, #tpu.memory_space<hbm>>
      %dma_start3A_373 = tpu.memref_squeeze %dma_start3A_372 : memref<25x1x8x128xi32, #tpu.memory_space<hbm>> -> memref<25x8x128xi32, #tpu.memory_space<hbm>>
      tpu.enqueue_dma source(%dma_start3A_373 : memref<25x8x128xi32, #tpu.memory_space<hbm>>) target(%arg5 : memref<25x8x128xi32, #tpu.memory_space<vmem>>) target_semaphore(%run_scoped3A : memref<!tpu.dma_semaphore, #tpu.memory_space<semaphore_mem>>)
      %dma_wait3A_374 = arith.constant 0 : i32
      %dma_wait3A_375 = arith.constant 0 : i32
      %dma_wait3A_376 = arith.constant 0 : i32
      %dma_wait3A_377 = tpu.memref_slice %arg2[%dma_wait3A_374, %add3A, %dma_wait3A_375, %dma_wait3A_376] : memref<25x32x8x128xi32, #tpu.memory_space<hbm>> -> memref<25x1x8x128xi32, #tpu.memory_space<hbm>>
      %dma_wait3A_378 = tpu.memref_squeeze %dma_wait3A_377 : memref<25x1x8x128xi32, #tpu.memory_space<hbm>> -> memref<25x8x128xi32, #tpu.memory_space<hbm>>
      %dma_wait3A_379 = arith.constant 0 : i32
      %dma_wait3A_380 = arith.constant 0 : i32
      %dma_wait3A_381 = arith.constant 0 : i32
      %dma_wait3A_382 = tpu.memref_slice %arg2[%dma_wait3A_379, %add3A, %dma_wait3A_380, %dma_wait3A_381] : memref<25x32x8x128xi32, #tpu.memory_space<hbm>> -> memref<25x1x8x128xi32, #tpu.memory_space<hbm>>
      %dma_wait3A_383 = tpu.memref_squeeze %dma_wait3A_382 : memref<25x1x8x128xi32, #tpu.memory_space<hbm>> -> memref<25x8x128xi32, #tpu.memory_space<hbm>>
      tpu.wait_dma2 semaphore(%run_scoped3A : memref<!tpu.dma_semaphore, #tpu.memory_space<semaphore_mem>>) src(%dma_wait3A_383 : memref<25x8x128xi32, #tpu.memory_space<hbm>>) dst(%arg5 : memref<25x8x128xi32, #tpu.memory_space<vmem>>)
      tpu.yield
    }) : () -> ()
    %iota3A = tpu.iota {dimensions = array<i32: 0>} : vector<16xi32>
    %add3A_1 = arith.constant 0 : i32
    %add3A_2 = vector.broadcast %add3A_1 : i32 to vector<16xi32>
    %add3A_3 = arith.addi %iota3A, %add3A_2 : vector<16xi32>
    %jit3A = arith.constant 8 : i32
    %div3A = vector.broadcast %jit3A : i32 to vector<16xi32>
    %div3A_4 = arith.divsi %add3A_3, %div3A : vector<16xi32>
    %sign3A = arith.constant 0 : i32
    %sign3A_5 = vector.broadcast %sign3A : i32 to vector<16xi32>
    %sign3A_6 = arith.cmpi sgt, %add3A_3, %sign3A_5 : vector<16xi32>
    %sign3A_7 = arith.extui %sign3A_6 : vector<16xi1> to vector<16xi32>
    %sign3A_8 = arith.constant 0 : i32
    %sign3A_9 = vector.broadcast %sign3A_8 : i32 to vector<16xi32>
    %sign3A_10 = arith.cmpi slt, %add3A_3, %sign3A_9 : vector<16xi32>
    %sign3A_11 = arith.extui %sign3A_10 : vector<16xi1> to vector<16xi32>
    %sign3A_12 = arith.subi %sign3A_7, %sign3A_11 : vector<16xi32>
    %sign3A_13 = arith.constant 0 : i32
    %sign3A_14 = arith.cmpi sgt, %jit3A, %sign3A_13 : i32
    %sign3A_15 = arith.extui %sign3A_14 : i1 to i32
    %sign3A_16 = arith.constant 0 : i32
    %sign3A_17 = arith.cmpi slt, %jit3A, %sign3A_16 : i32
    %sign3A_18 = arith.extui %sign3A_17 : i1 to i32
    %sign3A_19 = arith.subi %sign3A_15, %sign3A_18 : i32
    %ne3A = vector.broadcast %sign3A_19 : i32 to vector<16xi32>
    %ne3A_20 = arith.cmpi ne, %sign3A_12, %ne3A : vector<16xi32>
    %rem3A = vector.broadcast %jit3A : i32 to vector<16xi32>
    %rem3A_21 = arith.remsi %add3A_3, %rem3A : vector<16xi32>
    %ne3A_22 = arith.constant 0 : i32
    %ne3A_23 = vector.broadcast %ne3A_22 : i32 to vector<16xi32>
    %ne3A_24 = arith.cmpi ne, %rem3A_21, %ne3A_23 : vector<16xi32>
    %and3A = arith.andi %ne3A_20, %ne3A_24 : vector<16xi1>
    %sub3A = arith.constant 1 : i32
    %sub3A_25 = vector.broadcast %sub3A : i32 to vector<16xi32>
    %sub3A_26 = arith.subi %div3A_4, %sub3A_25 : vector<16xi32>
    %select_n3A = arith.select %and3A, %sub3A_26, %div3A_4 : vector<16xi1>, vector<16xi32>
    %add3A_27 = arith.constant 16 : i32
    %add3A_28 = vector.broadcast %add3A_27 : i32 to vector<16xi32>
    %add3A_29 = arith.addi %iota3A, %add3A_28 : vector<16xi32>
    %jit3A_30 = arith.constant 8 : i32
    %div3A_31 = vector.broadcast %jit3A_30 : i32 to vector<16xi32>
    %div3A_32 = arith.divsi %add3A_29, %div3A_31 : vector<16xi32>
    %sign3A_33 = arith.constant 0 : i32
    %sign3A_34 = vector.broadcast %sign3A_33 : i32 to vector<16xi32>
    %sign3A_35 = arith.cmpi sgt, %add3A_29, %sign3A_34 : vector<16xi32>
    %sign3A_36 = arith.extui %sign3A_35 : vector<16xi1> to vector<16xi32>
    %sign3A_37 = arith.constant 0 : i32
    %sign3A_38 = vector.broadcast %sign3A_37 : i32 to vector<16xi32>
    %sign3A_39 = arith.cmpi slt, %add3A_29, %sign3A_38 : vector<16xi32>
    %sign3A_40 = arith.extui %sign3A_39 : vector<16xi1> to vector<16xi32>
    %sign3A_41 = arith.subi %sign3A_36, %sign3A_40 : vector<16xi32>
    %sign3A_42 = arith.constant 0 : i32
    %sign3A_43 = arith.cmpi sgt, %jit3A_30, %sign3A_42 : i32
    %sign3A_44 = arith.extui %sign3A_43 : i1 to i32
    %sign3A_45 = arith.constant 0 : i32
    %sign3A_46 = arith.cmpi slt, %jit3A_30, %sign3A_45 : i32
    %sign3A_47 = arith.extui %sign3A_46 : i1 to i32
    %sign3A_48 = arith.subi %sign3A_44, %sign3A_47 : i32
    %ne3A_49 = vector.broadcast %sign3A_48 : i32 to vector<16xi32>
    %ne3A_50 = arith.cmpi ne, %sign3A_41, %ne3A_49 : vector<16xi32>
    %rem3A_51 = vector.broadcast %jit3A_30 : i32 to vector<16xi32>
    %rem3A_52 = arith.remsi %add3A_29, %rem3A_51 : vector<16xi32>
    %ne3A_53 = arith.constant 0 : i32
    %ne3A_54 = vector.broadcast %ne3A_53 : i32 to vector<16xi32>
    %ne3A_55 = arith.cmpi ne, %rem3A_52, %ne3A_54 : vector<16xi32>
    %and3A_56 = arith.andi %ne3A_50, %ne3A_55 : vector<16xi1>
    %sub3A_57 = arith.constant 1 : i32
    %sub3A_58 = vector.broadcast %sub3A_57 : i32 to vector<16xi32>
    %sub3A_59 = arith.subi %div3A_32, %sub3A_58 : vector<16xi32>
    %select_n3A_60 = arith.select %and3A_56, %sub3A_59, %div3A_32 : vector<16xi1>, vector<16xi32>
    %add3A_61 = arith.constant 32 : i32
    %add3A_62 = vector.broadcast %add3A_61 : i32 to vector<16xi32>
    %add3A_63 = arith.addi %iota3A, %add3A_62 : vector<16xi32>
    %jit3A_64 = arith.constant 8 : i32
    %div3A_65 = vector.broadcast %jit3A_64 : i32 to vector<16xi32>
    %div3A_66 = arith.divsi %add3A_63, %div3A_65 : vector<16xi32>
    %sign3A_67 = arith.constant 0 : i32
    %sign3A_68 = vector.broadcast %sign3A_67 : i32 to vector<16xi32>
    %sign3A_69 = arith.cmpi sgt, %add3A_63, %sign3A_68 : vector<16xi32>
    %sign3A_70 = arith.extui %sign3A_69 : vector<16xi1> to vector<16xi32>
    %sign3A_71 = arith.constant 0 : i32
    %sign3A_72 = vector.broadcast %sign3A_71 : i32 to vector<16xi32>
    %sign3A_73 = arith.cmpi slt, %add3A_63, %sign3A_72 : vector<16xi32>
    %sign3A_74 = arith.extui %sign3A_73 : vector<16xi1> to vector<16xi32>
    %sign3A_75 = arith.subi %sign3A_70, %sign3A_74 : vector<16xi32>
    %sign3A_76 = arith.constant 0 : i32
    %sign3A_77 = arith.cmpi sgt, %jit3A_64, %sign3A_76 : i32
    %sign3A_78 = arith.extui %sign3A_77 : i1 to i32
    %sign3A_79 = arith.constant 0 : i32
    %sign3A_80 = arith.cmpi slt, %jit3A_64, %sign3A_79 : i32
    %sign3A_81 = arith.extui %sign3A_80 : i1 to i32
    %sign3A_82 = arith.subi %sign3A_78, %sign3A_81 : i32
    %ne3A_83 = vector.broadcast %sign3A_82 : i32 to vector<16xi32>
    %ne3A_84 = arith.cmpi ne, %sign3A_75, %ne3A_83 : vector<16xi32>
    %rem3A_85 = vector.broadcast %jit3A_64 : i32 to vector<16xi32>
    %rem3A_86 = arith.remsi %add3A_63, %rem3A_85 : vector<16xi32>
    %ne3A_87 = arith.constant 0 : i32
    %ne3A_88 = vector.broadcast %ne3A_87 : i32 to vector<16xi32>
    %ne3A_89 = arith.cmpi ne, %rem3A_86, %ne3A_88 : vector<16xi32>
    %and3A_90 = arith.andi %ne3A_84, %ne3A_89 : vector<16xi1>
    %sub3A_91 = arith.constant 1 : i32
    %sub3A_92 = vector.broadcast %sub3A_91 : i32 to vector<16xi32>
    %sub3A_93 = arith.subi %div3A_66, %sub3A_92 : vector<16xi32>
    %select_n3A_94 = arith.select %and3A_90, %sub3A_93, %div3A_66 : vector<16xi1>, vector<16xi32>
    %add3A_95 = arith.constant 48 : i32
    %add3A_96 = vector.broadcast %add3A_95 : i32 to vector<16xi32>
    %add3A_97 = arith.addi %iota3A, %add3A_96 : vector<16xi32>
    %jit3A_98 = arith.constant 8 : i32
    %div3A_99 = vector.broadcast %jit3A_98 : i32 to vector<16xi32>
    %div3A_100 = arith.divsi %add3A_97, %div3A_99 : vector<16xi32>
    %sign3A_101 = arith.constant 0 : i32
    %sign3A_102 = vector.broadcast %sign3A_101 : i32 to vector<16xi32>
    %sign3A_103 = arith.cmpi sgt, %add3A_97, %sign3A_102 : vector<16xi32>
    %sign3A_104 = arith.extui %sign3A_103 : vector<16xi1> to vector<16xi32>
    %sign3A_105 = arith.constant 0 : i32
    %sign3A_106 = vector.broadcast %sign3A_105 : i32 to vector<16xi32>
    %sign3A_107 = arith.cmpi slt, %add3A_97, %sign3A_106 : vector<16xi32>
    %sign3A_108 = arith.extui %sign3A_107 : vector<16xi1> to vector<16xi32>
    %sign3A_109 = arith.subi %sign3A_104, %sign3A_108 : vector<16xi32>
    %sign3A_110 = arith.constant 0 : i32
    %sign3A_111 = arith.cmpi sgt, %jit3A_98, %sign3A_110 : i32
    %sign3A_112 = arith.extui %sign3A_111 : i1 to i32
    %sign3A_113 = arith.constant 0 : i32
    %sign3A_114 = arith.cmpi slt, %jit3A_98, %sign3A_113 : i32
    %sign3A_115 = arith.extui %sign3A_114 : i1 to i32
    %sign3A_116 = arith.subi %sign3A_112, %sign3A_115 : i32
    %ne3A_117 = vector.broadcast %sign3A_116 : i32 to vector<16xi32>
    %ne3A_118 = arith.cmpi ne, %sign3A_109, %ne3A_117 : vector<16xi32>
    %rem3A_119 = vector.broadcast %jit3A_98 : i32 to vector<16xi32>
    %rem3A_120 = arith.remsi %add3A_97, %rem3A_119 : vector<16xi32>
    %ne3A_121 = arith.constant 0 : i32
    %ne3A_122 = vector.broadcast %ne3A_121 : i32 to vector<16xi32>
    %ne3A_123 = arith.cmpi ne, %rem3A_120, %ne3A_122 : vector<16xi32>
    %and3A_124 = arith.andi %ne3A_118, %ne3A_123 : vector<16xi1>
    %sub3A_125 = arith.constant 1 : i32
    %sub3A_126 = vector.broadcast %sub3A_125 : i32 to vector<16xi32>
    %sub3A_127 = arith.subi %div3A_100, %sub3A_126 : vector<16xi32>
    %select_n3A_128 = arith.select %and3A_124, %sub3A_127, %div3A_100 : vector<16xi1>, vector<16xi32>
    %add3A_129 = arith.constant 0 : i32
    %add3A_130 = vector.broadcast %add3A_129 : i32 to vector<16xi32>
    %add3A_131 = arith.addi %iota3A, %add3A_130 : vector<16xi32>
    %jit3A_132 = arith.constant 8 : i32
    %eq3A = arith.constant 0 : i32
    %eq3A_133 = arith.cmpi eq, %jit3A_132, %eq3A : i32
    %jit3A_134 = arith.constant 1 : i32
    %select_n3A_135 = arith.select %eq3A_133, %jit3A_134, %jit3A_132 : i32
    %rem3A_136 = vector.broadcast %select_n3A_135 : i32 to vector<16xi32>
    %rem3A_137 = arith.remsi %add3A_131, %rem3A_136 : vector<16xi32>
    %ne3A_138 = arith.constant 0 : i32
    %ne3A_139 = vector.broadcast %ne3A_138 : i32 to vector<16xi32>
    %ne3A_140 = arith.cmpi ne, %rem3A_137, %ne3A_139 : vector<16xi32>
    %lt3A = arith.constant 0 : i32
    %lt3A_141 = vector.broadcast %lt3A : i32 to vector<16xi32>
    %lt3A_142 = arith.cmpi slt, %rem3A_137, %lt3A_141 : vector<16xi32>
    %lt3A_143 = arith.constant 0 : i32
    %lt3A_144 = arith.cmpi slt, %select_n3A_135, %lt3A_143 : i32
    %ne3A_145 = vector.broadcast %lt3A_144 : i1 to vector<16xi1>
    %ne3A_146 = vector.broadcast %ne3A_145 : vector<16xi1> to vector<16xi1>
    %ne3A_147 = arith.xori %lt3A_142, %ne3A_146 : vector<16xi1>
    %and3A_148 = arith.andi %ne3A_147, %ne3A_140 : vector<16xi1>
    %add3A_149 = vector.broadcast %select_n3A_135 : i32 to vector<16xi32>
    %add3A_150 = arith.addi %rem3A_137, %add3A_149 : vector<16xi32>
    %select_n3A_151 = arith.select %and3A_148, %add3A_150, %rem3A_137 : vector<16xi1>, vector<16xi32>
    %add3A_152 = arith.constant 16 : i32
    %add3A_153 = vector.broadcast %add3A_152 : i32 to vector<16xi32>
    %add3A_154 = arith.addi %iota3A, %add3A_153 : vector<16xi32>
    %jit3A_155 = arith.constant 8 : i32
    %eq3A_156 = arith.constant 0 : i32
    %eq3A_157 = arith.cmpi eq, %jit3A_155, %eq3A_156 : i32
    %jit3A_158 = arith.constant 1 : i32
    %select_n3A_159 = arith.select %eq3A_157, %jit3A_158, %jit3A_155 : i32
    %rem3A_160 = vector.broadcast %select_n3A_159 : i32 to vector<16xi32>
    %rem3A_161 = arith.remsi %add3A_154, %rem3A_160 : vector<16xi32>
    %ne3A_162 = arith.constant 0 : i32
    %ne3A_163 = vector.broadcast %ne3A_162 : i32 to vector<16xi32>
    %ne3A_164 = arith.cmpi ne, %rem3A_161, %ne3A_163 : vector<16xi32>
    %lt3A_165 = arith.constant 0 : i32
    %lt3A_166 = vector.broadcast %lt3A_165 : i32 to vector<16xi32>
    %lt3A_167 = arith.cmpi slt, %rem3A_161, %lt3A_166 : vector<16xi32>
    %lt3A_168 = arith.constant 0 : i32
    %lt3A_169 = arith.cmpi slt, %select_n3A_159, %lt3A_168 : i32
    %ne3A_170 = vector.broadcast %lt3A_169 : i1 to vector<16xi1>
    %ne3A_171 = vector.broadcast %ne3A_170 : vector<16xi1> to vector<16xi1>
    %ne3A_172 = arith.xori %lt3A_167, %ne3A_171 : vector<16xi1>
    %and3A_173 = arith.andi %ne3A_172, %ne3A_164 : vector<16xi1>
    %add3A_174 = vector.broadcast %select_n3A_159 : i32 to vector<16xi32>
    %add3A_175 = arith.addi %rem3A_161, %add3A_174 : vector<16xi32>
    %select_n3A_176 = arith.select %and3A_173, %add3A_175, %rem3A_161 : vector<16xi1>, vector<16xi32>
    %add3A_177 = arith.constant 32 : i32
    %add3A_178 = vector.broadcast %add3A_177 : i32 to vector<16xi32>
    %add3A_179 = arith.addi %iota3A, %add3A_178 : vector<16xi32>
    %jit3A_180 = arith.constant 8 : i32
    %eq3A_181 = arith.constant 0 : i32
    %eq3A_182 = arith.cmpi eq, %jit3A_180, %eq3A_181 : i32
    %jit3A_183 = arith.constant 1 : i32
    %select_n3A_184 = arith.select %eq3A_182, %jit3A_183, %jit3A_180 : i32
    %rem3A_185 = vector.broadcast %select_n3A_184 : i32 to vector<16xi32>
    %rem3A_186 = arith.remsi %add3A_179, %rem3A_185 : vector<16xi32>
    %ne3A_187 = arith.constant 0 : i32
    %ne3A_188 = vector.broadcast %ne3A_187 : i32 to vector<16xi32>
    %ne3A_189 = arith.cmpi ne, %rem3A_186, %ne3A_188 : vector<16xi32>
    %lt3A_190 = arith.constant 0 : i32
    %lt3A_191 = vector.broadcast %lt3A_190 : i32 to vector<16xi32>
    %lt3A_192 = arith.cmpi slt, %rem3A_186, %lt3A_191 : vector<16xi32>
    %lt3A_193 = arith.constant 0 : i32
    %lt3A_194 = arith.cmpi slt, %select_n3A_184, %lt3A_193 : i32
    %ne3A_195 = vector.broadcast %lt3A_194 : i1 to vector<16xi1>
    %ne3A_196 = vector.broadcast %ne3A_195 : vector<16xi1> to vector<16xi1>
    %ne3A_197 = arith.xori %lt3A_192, %ne3A_196 : vector<16xi1>
    %and3A_198 = arith.andi %ne3A_197, %ne3A_189 : vector<16xi1>
    %add3A_199 = vector.broadcast %select_n3A_184 : i32 to vector<16xi32>
    %add3A_200 = arith.addi %rem3A_186, %add3A_199 : vector<16xi32>
    %select_n3A_201 = arith.select %and3A_198, %add3A_200, %rem3A_186 : vector<16xi1>, vector<16xi32>
    %add3A_202 = arith.constant 48 : i32
    %add3A_203 = vector.broadcast %add3A_202 : i32 to vector<16xi32>
    %add3A_204 = arith.addi %iota3A, %add3A_203 : vector<16xi32>
    %jit3A_205 = arith.constant 8 : i32
    %eq3A_206 = arith.constant 0 : i32
    %eq3A_207 = arith.cmpi eq, %jit3A_205, %eq3A_206 : i32
    %jit3A_208 = arith.constant 1 : i32
    %select_n3A_209 = arith.select %eq3A_207, %jit3A_208, %jit3A_205 : i32
    %rem3A_210 = vector.broadcast %select_n3A_209 : i32 to vector<16xi32>
    %rem3A_211 = arith.remsi %add3A_204, %rem3A_210 : vector<16xi32>
    %ne3A_212 = arith.constant 0 : i32
    %ne3A_213 = vector.broadcast %ne3A_212 : i32 to vector<16xi32>
    %ne3A_214 = arith.cmpi ne, %rem3A_211, %ne3A_213 : vector<16xi32>
    %lt3A_215 = arith.constant 0 : i32
    %lt3A_216 = vector.broadcast %lt3A_215 : i32 to vector<16xi32>
    %lt3A_217 = arith.cmpi slt, %rem3A_211, %lt3A_216 : vector<16xi32>
    %lt3A_218 = arith.constant 0 : i32
    %lt3A_219 = arith.cmpi slt, %select_n3A_209, %lt3A_218 : i32
    %ne3A_220 = vector.broadcast %lt3A_219 : i1 to vector<16xi1>
    %ne3A_221 = vector.broadcast %ne3A_220 : vector<16xi1> to vector<16xi1>
    %ne3A_222 = arith.xori %lt3A_217, %ne3A_221 : vector<16xi1>
    %and3A_223 = arith.andi %ne3A_222, %ne3A_214 : vector<16xi1>
    %add3A_224 = vector.broadcast %select_n3A_209 : i32 to vector<16xi32>
    %add3A_225 = arith.addi %rem3A_211, %add3A_224 : vector<16xi32>
    %select_n3A_226 = arith.select %and3A_223, %add3A_225, %rem3A_211 : vector<16xi1>, vector<16xi32>
    %dma_start3A = arith.constant 0 : i32
    %dma_start3A_227 = arith.constant 0 : i32
    %dma_start3A_228 = arith.constant 0 : i32
    %dma_start3A_229 = tpu.memref_slice %arg5[%dma_start3A, %dma_start3A_227, %dma_start3A_228] : memref<25x8x128xi32, #tpu.memory_space<vmem>> -> memref<1x1x128xi32, #tpu.memory_space<vmem>>
    %dma_start3A_230 = tpu.memref_squeeze %dma_start3A_229 : memref<1x1x128xi32, #tpu.memory_space<vmem>> -> memref<128xi32, #tpu.memory_space<vmem>>
    %dma_start3A_231 = arith.constant 0 : i32
    %dma_start3A_232 = arith.constant 0 : i32
    %dma_start3A_233 = tpu.memref_slice %arg3[%dma_start3A_231, %dma_start3A_232] : memref<1000000x64xf32, #tpu.memory_space<hbm>> -> memref<1000000x64xf32, #tpu.memory_space<hbm>>
    tpu.enqueue_indirect_dma source(%dma_start3A_233 : memref<1000000x64xf32, #tpu.memory_space<hbm>>) target(%arg6 : memref<128x64xf32, #tpu.memory_space<vmem>>) offsets(%dma_start3A_230 : memref<128xi32, #tpu.memory_space<vmem>>) semaphore(%arg16 : memref<!tpu.dma_semaphore, #tpu.memory_space<semaphore_mem>>)
    %dma_start3A_234 = arith.constant 0 : i32
    %dma_start3A_235 = arith.constant 1 : i32
    %dma_start3A_236 = arith.constant 0 : i32
    %dma_start3A_237 = tpu.memref_slice %arg5[%dma_start3A_234, %dma_start3A_235, %dma_start3A_236] : memref<25x8x128xi32, #tpu.memory_space<vmem>> -> memref<1x1x128xi32, #tpu.memory_space<vmem>>
    %dma_start3A_238 = tpu.memref_squeeze %dma_start3A_237 : memref<1x1x128xi32, #tpu.memory_space<vmem>> -> memref<128xi32, #tpu.memory_space<vmem>>
    %dma_start3A_239 = arith.constant 0 : i32
    %dma_start3A_240 = arith.constant 0 : i32
    %dma_start3A_241 = tpu.memref_slice %arg3[%dma_start3A_239, %dma_start3A_240] : memref<1000000x64xf32, #tpu.memory_space<hbm>> -> memref<1000000x64xf32, #tpu.memory_space<hbm>>
    tpu.enqueue_indirect_dma source(%dma_start3A_241 : memref<1000000x64xf32, #tpu.memory_space<hbm>>) target(%arg7 : memref<128x64xf32, #tpu.memory_space<vmem>>) offsets(%dma_start3A_238 : memref<128xi32, #tpu.memory_space<vmem>>) semaphore(%arg17 : memref<!tpu.dma_semaphore, #tpu.memory_space<semaphore_mem>>)
    %dma_start3A_242 = arith.constant 0 : i32
    %dma_start3A_243 = arith.constant 2 : i32
    %dma_start3A_244 = arith.constant 0 : i32
    %dma_start3A_245 = tpu.memref_slice %arg5[%dma_start3A_242, %dma_start3A_243, %dma_start3A_244] : memref<25x8x128xi32, #tpu.memory_space<vmem>> -> memref<1x1x128xi32, #tpu.memory_space<vmem>>
    %dma_start3A_246 = tpu.memref_squeeze %dma_start3A_245 : memref<1x1x128xi32, #tpu.memory_space<vmem>> -> memref<128xi32, #tpu.memory_space<vmem>>
    %dma_start3A_247 = arith.constant 0 : i32
    %dma_start3A_248 = arith.constant 0 : i32
    %dma_start3A_249 = tpu.memref_slice %arg3[%dma_start3A_247, %dma_start3A_248] : memref<1000000x64xf32, #tpu.memory_space<hbm>> -> memref<1000000x64xf32, #tpu.memory_space<hbm>>
    tpu.enqueue_indirect_dma source(%dma_start3A_249 : memref<1000000x64xf32, #tpu.memory_space<hbm>>) target(%arg8 : memref<128x64xf32, #tpu.memory_space<vmem>>) offsets(%dma_start3A_246 : memref<128xi32, #tpu.memory_space<vmem>>) semaphore(%arg18 : memref<!tpu.dma_semaphore, #tpu.memory_space<semaphore_mem>>)
    %dma_start3A_250 = arith.constant 0 : i32
    %dma_start3A_251 = arith.constant 3 : i32
    %dma_start3A_252 = arith.constant 0 : i32
    %dma_start3A_253 = tpu.memref_slice %arg5[%dma_start3A_250, %dma_start3A_251, %dma_start3A_252] : memref<25x8x128xi32, #tpu.memory_space<vmem>> -> memref<1x1x128xi32, #tpu.memory_space<vmem>>
    %dma_start3A_254 = tpu.memref_squeeze %dma_start3A_253 : memref<1x1x128xi32, #tpu.memory_space<vmem>> -> memref<128xi32, #tpu.memory_space<vmem>>
    %dma_start3A_255 = arith.constant 0 : i32
    %dma_start3A_256 = arith.constant 0 : i32
    %dma_start3A_257 = tpu.memref_slice %arg3[%dma_start3A_255, %dma_start3A_256] : memref<1000000x64xf32, #tpu.memory_space<hbm>> -> memref<1000000x64xf32, #tpu.memory_space<hbm>>
    tpu.enqueue_indirect_dma source(%dma_start3A_257 : memref<1000000x64xf32, #tpu.memory_space<hbm>>) target(%arg9 : memref<128x64xf32, #tpu.memory_space<vmem>>) offsets(%dma_start3A_254 : memref<128xi32, #tpu.memory_space<vmem>>) semaphore(%arg19 : memref<!tpu.dma_semaphore, #tpu.memory_space<semaphore_mem>>)
    %dma_start3A_258 = arith.constant 0 : i32
    %dma_start3A_259 = arith.constant 4 : i32
    %dma_start3A_260 = arith.constant 0 : i32
    %dma_start3A_261 = tpu.memref_slice %arg5[%dma_start3A_258, %dma_start3A_259, %dma_start3A_260] : memref<25x8x128xi32, #tpu.memory_space<vmem>> -> memref<1x1x128xi32, #tpu.memory_space<vmem>>
    %dma_start3A_262 = tpu.memref_squeeze %dma_start3A_261 : memref<1x1x128xi32, #tpu.memory_space<vmem>> -> memref<128xi32, #tpu.memory_space<vmem>>
    %dma_start3A_263 = arith.constant 0 : i32
    %dma_start3A_264 = arith.constant 0 : i32
    %dma_start3A_265 = tpu.memref_slice %arg3[%dma_start3A_263, %dma_start3A_264] : memref<1000000x64xf32, #tpu.memory_space<hbm>> -> memref<1000000x64xf32, #tpu.memory_space<hbm>>
    tpu.enqueue_indirect_dma source(%dma_start3A_265 : memref<1000000x64xf32, #tpu.memory_space<hbm>>) target(%arg10 : memref<128x64xf32, #tpu.memory_space<vmem>>) offsets(%dma_start3A_262 : memref<128xi32, #tpu.memory_space<vmem>>) semaphore(%arg20 : memref<!tpu.dma_semaphore, #tpu.memory_space<semaphore_mem>>)
    %scan3A = arith.constant 0 : i32
    %scan3A_266 = arith.constant 40 : i32
    %scan3A_267 = arith.addi %scan3A, %scan3A_266 : i32
    %scan3A_268 = arith.constant 1 : i32
    scf.for %scan3A_364 = %scan3A to %scan3A_267 step %scan3A_268  : i32 {
      %mul3A_365 = arith.constant 1 : i32
      %mul3A_366 = arith.muli %scan3A_364, %mul3A_365 : i32
      %add3A_367 = arith.constant 0 : i32
      %add3A_368 = arith.addi %add3A_367, %mul3A_366 : i32
      %mul3A_369 = arith.constant 5 : i32
      %mul3A_370 = arith.muli %add3A_368, %mul3A_369 : i32
      %add3A_371 = arith.constant 0 : i32
      %add3A_372 = arith.addi %mul3A_370, %add3A_371 : i32
      %jit3A_373 = arith.constant 8 : i32
      %div3A_374 = arith.divsi %add3A_372, %jit3A_373 : i32
      %sign3A_375 = arith.constant 0 : i32
      %sign3A_376 = arith.cmpi sgt, %add3A_372, %sign3A_375 : i32
      %sign3A_377 = arith.extui %sign3A_376 : i1 to i32
      %sign3A_378 = arith.constant 0 : i32
      %sign3A_379 = arith.cmpi slt, %add3A_372, %sign3A_378 : i32
      %sign3A_380 = arith.extui %sign3A_379 : i1 to i32
      %sign3A_381 = arith.subi %sign3A_377, %sign3A_380 : i32
      %sign3A_382 = arith.constant 0 : i32
      %sign3A_383 = arith.cmpi sgt, %jit3A_373, %sign3A_382 : i32
      %sign3A_384 = arith.extui %sign3A_383 : i1 to i32
      %sign3A_385 = arith.constant 0 : i32
      %sign3A_386 = arith.cmpi slt, %jit3A_373, %sign3A_385 : i32
      %sign3A_387 = arith.extui %sign3A_386 : i1 to i32
      %sign3A_388 = arith.subi %sign3A_384, %sign3A_387 : i32
      %ne3A_389 = arith.cmpi ne, %sign3A_381, %sign3A_388 : i32
      %rem3A_390 = arith.remsi %add3A_372, %jit3A_373 : i32
      %ne3A_391 = arith.constant 0 : i32
      %ne3A_392 = arith.cmpi ne, %rem3A_390, %ne3A_391 : i32
      %and3A_393 = arith.andi %ne3A_389, %ne3A_392 : i1
      %sub3A_394 = arith.constant 1 : i32
      %sub3A_395 = arith.subi %div3A_374, %sub3A_394 : i32
      %select_n3A_396 = arith.select %and3A_393, %sub3A_395, %div3A_374 : i32
      %jit3A_397 = arith.constant 8 : i32
      %eq3A_398 = arith.constant 0 : i32
      %eq3A_399 = arith.cmpi eq, %jit3A_397, %eq3A_398 : i32
      %jit3A_400 = arith.constant 1 : i32
      %select_n3A_401 = arith.select %eq3A_399, %jit3A_400, %jit3A_397 : i32
      %rem3A_402 = arith.remsi %add3A_372, %select_n3A_401 : i32
      %ne3A_403 = arith.constant 0 : i32
      %ne3A_404 = arith.cmpi ne, %rem3A_402, %ne3A_403 : i32
      %lt3A_405 = arith.constant 0 : i32
      %lt3A_406 = arith.cmpi slt, %rem3A_402, %lt3A_405 : i32
      %lt3A_407 = arith.constant 0 : i32
      %lt3A_408 = arith.cmpi slt, %select_n3A_401, %lt3A_407 : i32
      %ne3A_409 = arith.xori %lt3A_406, %lt3A_408 : i1
      %and3A_410 = arith.andi %ne3A_409, %ne3A_404 : i1
      %add3A_411 = arith.addi %rem3A_402, %select_n3A_401 : i32
      %select_n3A_412 = arith.select %and3A_410, %add3A_411, %rem3A_402 : i32
      %dma_wait3A_413 = arith.constant 0 : i32
      %dma_wait3A_414 = tpu.memref_slice %arg5[%select_n3A_396, %select_n3A_412, %dma_wait3A_413] : memref<25x8x128xi32, #tpu.memory_space<vmem>> -> memref<1x1x128xi32, #tpu.memory_space<vmem>>
      %dma_wait3A_415 = tpu.memref_squeeze %dma_wait3A_414 : memref<1x1x128xi32, #tpu.memory_space<vmem>> -> memref<128xi32, #tpu.memory_space<vmem>>
      %dma_wait3A_416 = arith.constant 0 : i32
      %dma_wait3A_417 = arith.constant 0 : i32
      %dma_wait3A_418 = tpu.memref_slice %arg3[%dma_wait3A_416, %dma_wait3A_417] : memref<1000000x64xf32, #tpu.memory_space<hbm>> -> memref<1000000x64xf32, #tpu.memory_space<hbm>>
      tpu.wait_indirect_dma semaphore(%arg16 : memref<!tpu.dma_semaphore, #tpu.memory_space<semaphore_mem>>) src(%dma_wait3A_418 : memref<1000000x64xf32, #tpu.memory_space<hbm>>) dst(%arg6 : memref<128x64xf32, #tpu.memory_space<vmem>>)
      %gt3A = arith.constant 0 : i32
      %gt3A_419 = arith.cmpi sgt, %add3A_368, %gt3A : i32
      %convert_element_type3A = arith.extui %gt3A_419 : i1 to i32
      %cond3A = arith.constant 0 : i32
      %cond3A_420 = arith.cmpi ne, %convert_element_type3A, %cond3A : i32
      scf.if %cond3A_420 {
        %sub3A_781 = arith.constant 5 : i32
        %sub3A_782 = arith.subi %add3A_372, %sub3A_781 : i32
        %dma_wait3A_783 = arith.constant 0 : i32
        %dma_wait3A_784 = arith.constant 0 : i32
        %dma_wait3A_785 = arith.constant 0 : i32
        %dma_wait3A_786 = tpu.memref_slice %arg11[%dma_wait3A_783, %dma_wait3A_784, %dma_wait3A_785] : memref<8x8x129xf32, #tpu.memory_space<vmem>> -> memref<8x8x128xf32, #tpu.memory_space<vmem>>
        %dma_wait3A_787 = arith.constant 0 : i32
        %dma_wait3A_788 = arith.constant 0 : i32
        %dma_wait3A_789 = arith.constant 0 : i32
        %dma_wait3A_790 = tpu.memref_slice %arg4[%sub3A_782, %dma_wait3A_787, %add3A, %dma_wait3A_788, %dma_wait3A_789] : memref<200x8x32x8x128xf32, #tpu.memory_space<hbm>> -> memref<1x8x1x8x128xf32, #tpu.memory_space<hbm>>
        %dma_wait3A_791 = tpu.memref_squeeze %dma_wait3A_790 : memref<1x8x1x8x128xf32, #tpu.memory_space<hbm>> -> memref<8x8x128xf32, #tpu.memory_space<hbm>>
        %dma_wait3A_792 = arith.constant 0 : i32
        %dma_wait3A_793 = arith.constant 0 : i32
        %dma_wait3A_794 = arith.constant 0 : i32
        %dma_wait3A_795 = tpu.memref_slice %arg4[%sub3A_782, %dma_wait3A_792, %add3A, %dma_wait3A_793, %dma_wait3A_794] : memref<200x8x32x8x128xf32, #tpu.memory_space<hbm>> -> memref<1x8x1x8x128xf32, #tpu.memory_space<hbm>>
        %dma_wait3A_796 = tpu.memref_squeeze %dma_wait3A_795 : memref<1x8x1x8x128xf32, #tpu.memory_space<hbm>> -> memref<8x8x128xf32, #tpu.memory_space<hbm>>
        %dma_wait3A_797 = arith.constant 0 : i32
        %dma_wait3A_798 = arith.constant 0 : i32
        %dma_wait3A_799 = arith.constant 0 : i32
        %dma_wait3A_800 = tpu.memref_slice %arg11[%dma_wait3A_797, %dma_wait3A_798, %dma_wait3A_799] : memref<8x8x129xf32, #tpu.memory_space<vmem>> -> memref<8x8x128xf32, #tpu.memory_space<vmem>>
        tpu.wait_dma2 semaphore(%arg21 : memref<!tpu.dma_semaphore, #tpu.memory_space<semaphore_mem>>) src(%dma_wait3A_800 : memref<8x8x128xf32, #tpu.memory_space<vmem>>) dst(%dma_wait3A_796 : memref<8x8x128xf32, #tpu.memory_space<hbm>>)
      } else {
      }
      %scan3A_421 = arith.constant 0 : i32
      %scan3A_422 = arith.constant 128 : i32
      %scan3A_423 = arith.addi %scan3A_421, %scan3A_422 : i32
      %scan3A_424 = arith.constant 4 : i32
      scf.for %scan3A_781 = %scan3A_421 to %scan3A_423 step %scan3A_424  : i32 {
        %mul3A_782 = arith.constant 1 : i32
        %mul3A_783 = arith.muli %scan3A_781, %mul3A_782 : i32
        %add3A_784 = arith.constant 0 : i32
        %add3A_785 = arith.addi %add3A_784, %mul3A_783 : i32
        %broadcast_in_dim3A = vector.broadcast %add3A_785 : i32 to vector<16xi32>
        %get3A = arith.index_cast %add3A_785 : i32 to index
        %get3A_786 = arith.constant 0 : index
        %get3A_787 = tpu.vector_load %arg6[%get3A, %get3A_786] {strides = array<i32>} : memref<128x64xf32, #tpu.memory_space<vmem>>, vector<16xf32>,
        %mul3A_788 = arith.constant 8.000000e+00 : f32
        %mul3A_789 = vector.broadcast %mul3A_788 : f32 to vector<16xf32>
        %mul3A_790 = arith.mulf %get3A_787, %mul3A_789 : vector<16xf32>
        tpu.vector_store_idx %arg11[%select_n3A, %select_n3A_151, %broadcast_in_dim3A], %mul3A_790 : memref<8x8x129xf32, #tpu.memory_space<vmem>>[vector<16xi32>, vector<16xi32>, vector<16xi32>], vector<16xf32>,
        %get3A_791 = arith.index_cast %add3A_785 : i32 to index
        %get3A_792 = arith.constant 16 : index
        %get3A_793 = tpu.vector_load %arg6[%get3A_791, %get3A_792] {strides = array<i32>} : memref<128x64xf32, #tpu.memory_space<vmem>>, vector<16xf32>,
        %mul3A_794 = arith.constant 8.000000e+00 : f32
        %mul3A_795 = vector.broadcast %mul3A_794 : f32 to vector<16xf32>
        %mul3A_796 = arith.mulf %get3A_793, %mul3A_795 : vector<16xf32>
        tpu.vector_store_idx %arg11[%select_n3A_60, %select_n3A_176, %broadcast_in_dim3A], %mul3A_796 : memref<8x8x129xf32, #tpu.memory_space<vmem>>[vector<16xi32>, vector<16xi32>, vector<16xi32>], vector<16xf32>,
        %get3A_797 = arith.index_cast %add3A_785 : i32 to index
        %get3A_798 = arith.constant 32 : index
        %get3A_799 = tpu.vector_load %arg6[%get3A_797, %get3A_798] {strides = array<i32>} : memref<128x64xf32, #tpu.memory_space<vmem>>, vector<16xf32>,
        %mul3A_800 = arith.constant 8.000000e+00 : f32
        %mul3A_801 = vector.broadcast %mul3A_800 : f32 to vector<16xf32>
        %mul3A_802 = arith.mulf %get3A_799, %mul3A_801 : vector<16xf32>
        tpu.vector_store_idx %arg11[%select_n3A_94, %select_n3A_201, %broadcast_in_dim3A], %mul3A_802 : memref<8x8x129xf32, #tpu.memory_space<vmem>>[vector<16xi32>, vector<16xi32>, vector<16xi32>], vector<16xf32>,
        %get3A_803 = arith.index_cast %add3A_785 : i32 to index
        %get3A_804 = arith.constant 48 : index
        %get3A_805 = tpu.vector_load %arg6[%get3A_803, %get3A_804] {strides = array<i32>} : memref<128x64xf32, #tpu.memory_space<vmem>>, vector<16xf32>,
        %mul3A_806 = arith.constant 8.000000e+00 : f32
        %mul3A_807 = vector.broadcast %mul3A_806 : f32 to vector<16xf32>
        %mul3A_808 = arith.mulf %get3A_805, %mul3A_807 : vector<16xf32>
        tpu.vector_store_idx %arg11[%select_n3A_128, %select_n3A_226, %broadcast_in_dim3A], %mul3A_808 : memref<8x8x129xf32, #tpu.memory_space<vmem>>[vector<16xi32>, vector<16xi32>, vector<16xi32>], vector<16xf32>,
        %scan3A_809 = arith.constant 1 : i32
        %scan3A_810 = arith.addi %scan3A_781, %scan3A_809 : i32
        %mul3A_811 = arith.constant 1 : i32
        %mul3A_812 = arith.muli %scan3A_810, %mul3A_811 : i32
        %add3A_813 = arith.constant 0 : i32
        %add3A_814 = arith.addi %add3A_813, %mul3A_812 : i32
        %broadcast_in_dim3A_815 = vector.broadcast %add3A_814 : i32 to vector<16xi32>
        %get3A_816 = arith.index_cast %add3A_814 : i32 to index
        %get3A_817 = arith.constant 0 : index
        %get3A_818 = tpu.vector_load %arg6[%get3A_816, %get3A_817] {strides = array<i32>} : memref<128x64xf32, #tpu.memory_space<vmem>>, vector<16xf32>,
        %mul3A_819 = arith.constant 8.000000e+00 : f32
        %mul3A_820 = vector.broadcast %mul3A_819 : f32 to vector<16xf32>
        %mul3A_821 = arith.mulf %get3A_818, %mul3A_820 : vector<16xf32>
        tpu.vector_store_idx %arg11[%select_n3A, %select_n3A_151, %broadcast_in_dim3A_815], %mul3A_821 : memref<8x8x129xf32, #tpu.memory_space<vmem>>[vector<16xi32>, vector<16xi32>, vector<16xi32>], vector<16xf32>,
        %get3A_822 = arith.index_cast %add3A_814 : i32 to index
        %get3A_823 = arith.constant 16 : index
        %get3A_824 = tpu.vector_load %arg6[%get3A_822, %get3A_823] {strides = array<i32>} : memref<128x64xf32, #tpu.memory_space<vmem>>, vector<16xf32>,
        %mul3A_825 = arith.constant 8.000000e+00 : f32
        %mul3A_826 = vector.broadcast %mul3A_825 : f32 to vector<16xf32>
        %mul3A_827 = arith.mulf %get3A_824, %mul3A_826 : vector<16xf32>
        tpu.vector_store_idx %arg11[%select_n3A_60, %select_n3A_176, %broadcast_in_dim3A_815], %mul3A_827 : memref<8x8x129xf32, #tpu.memory_space<vmem>>[vector<16xi32>, vector<16xi32>, vector<16xi32>], vector<16xf32>,
        %get3A_828 = arith.index_cast %add3A_814 : i32 to index
        %get3A_829 = arith.constant 32 : index
        %get3A_830 = tpu.vector_load %arg6[%get3A_828, %get3A_829] {strides = array<i32>} : memref<128x64xf32, #tpu.memory_space<vmem>>, vector<16xf32>,
        %mul3A_831 = arith.constant 8.000000e+00 : f32
        %mul3A_832 = vector.broadcast %mul3A_831 : f32 to vector<16xf32>
        %mul3A_833 = arith.mulf %get3A_830, %mul3A_832 : vector<16xf32>
        tpu.vector_store_idx %arg11[%select_n3A_94, %select_n3A_201, %broadcast_in_dim3A_815], %mul3A_833 : memref<8x8x129xf32, #tpu.memory_space<vmem>>[vector<16xi32>, vector<16xi32>, vector<16xi32>], vector<16xf32>,
        %get3A_834 = arith.index_cast %add3A_814 : i32 to index
        %get3A_835 = arith.constant 48 : index
        %get3A_836 = tpu.vector_load %arg6[%get3A_834, %get3A_835] {strides = array<i32>} : memref<128x64xf32, #tpu.memory_space<vmem>>, vector<16xf32>,
        %mul3A_837 = arith.constant 8.000000e+00 : f32
        %mul3A_838 = vector.broadcast %mul3A_837 : f32 to vector<16xf32>
        %mul3A_839 = arith.mulf %get3A_836, %mul3A_838 : vector<16xf32>
        tpu.vector_store_idx %arg11[%select_n3A_128, %select_n3A_226, %broadcast_in_dim3A_815], %mul3A_839 : memref<8x8x129xf32, #tpu.memory_space<vmem>>[vector<16xi32>, vector<16xi32>, vector<16xi32>], vector<16xf32>,
        %scan3A_840 = arith.constant 2 : i32
        %scan3A_841 = arith.addi %scan3A_781, %scan3A_840 : i32
        %mul3A_842 = arith.constant 1 : i32
        %mul3A_843 = arith.muli %scan3A_841, %mul3A_842 : i32
        %add3A_844 = arith.constant 0 : i32
        %add3A_845 = arith.addi %add3A_844, %mul3A_843 : i32
        %broadcast_in_dim3A_846 = vector.broadcast %add3A_845 : i32 to vector<16xi32>
        %get3A_847 = arith.index_cast %add3A_845 : i32 to index
        %get3A_848 = arith.constant 0 : index
        %get3A_849 = tpu.vector_load %arg6[%get3A_847, %get3A_848] {strides = array<i32>} : memref<128x64xf32, #tpu.memory_space<vmem>>, vector<16xf32>,
        %mul3A_850 = arith.constant 8.000000e+00 : f32
        %mul3A_851 = vector.broadcast %mul3A_850 : f32 to vector<16xf32>
        %mul3A_852 = arith.mulf %get3A_849, %mul3A_851 : vector<16xf32>
        tpu.vector_store_idx %arg11[%select_n3A, %select_n3A_151, %broadcast_in_dim3A_846], %mul3A_852 : memref<8x8x129xf32, #tpu.memory_space<vmem>>[vector<16xi32>, vector<16xi32>, vector<16xi32>], vector<16xf32>,
        %get3A_853 = arith.index_cast %add3A_845 : i32 to index
        %get3A_854 = arith.constant 16 : index
        %get3A_855 = tpu.vector_load %arg6[%get3A_853, %get3A_854] {strides = array<i32>} : memref<128x64xf32, #tpu.memory_space<vmem>>, vector<16xf32>,
        %mul3A_856 = arith.constant 8.000000e+00 : f32
        %mul3A_857 = vector.broadcast %mul3A_856 : f32 to vector<16xf32>
        %mul3A_858 = arith.mulf %get3A_855, %mul3A_857 : vector<16xf32>
        tpu.vector_store_idx %arg11[%select_n3A_60, %select_n3A_176, %broadcast_in_dim3A_846], %mul3A_858 : memref<8x8x129xf32, #tpu.memory_space<vmem>>[vector<16xi32>, vector<16xi32>, vector<16xi32>], vector<16xf32>,
        %get3A_859 = arith.index_cast %add3A_845 : i32 to index
        %get3A_860 = arith.constant 32 : index
        %get3A_861 = tpu.vector_load %arg6[%get3A_859, %get3A_860] {strides = array<i32>} : memref<128x64xf32, #tpu.memory_space<vmem>>, vector<16xf32>,
        %mul3A_862 = arith.constant 8.000000e+00 : f32
        %mul3A_863 = vector.broadcast %mul3A_862 : f32 to vector<16xf32>
        %mul3A_864 = arith.mulf %get3A_861, %mul3A_863 : vector<16xf32>
        tpu.vector_store_idx %arg11[%select_n3A_94, %select_n3A_201, %broadcast_in_dim3A_846], %mul3A_864 : memref<8x8x129xf32, #tpu.memory_space<vmem>>[vector<16xi32>, vector<16xi32>, vector<16xi32>], vector<16xf32>,
        %get3A_865 = arith.index_cast %add3A_845 : i32 to index
        %get3A_866 = arith.constant 48 : index
        %get3A_867 = tpu.vector_load %arg6[%get3A_865, %get3A_866] {strides = array<i32>} : memref<128x64xf32, #tpu.memory_space<vmem>>, vector<16xf32>,
        %mul3A_868 = arith.constant 8.000000e+00 : f32
        %mul3A_869 = vector.broadcast %mul3A_868 : f32 to vector<16xf32>
        %mul3A_870 = arith.mulf %get3A_867, %mul3A_869 : vector<16xf32>
        tpu.vector_store_idx %arg11[%select_n3A_128, %select_n3A_226, %broadcast_in_dim3A_846], %mul3A_870 : memref<8x8x129xf32, #tpu.memory_space<vmem>>[vector<16xi32>, vector<16xi32>, vector<16xi32>], vector<16xf32>,
        %scan3A_871 = arith.constant 3 : i32
        %scan3A_872 = arith.addi %scan3A_781, %scan3A_871 : i32
        %mul3A_873 = arith.constant 1 : i32
        %mul3A_874 = arith.muli %scan3A_872, %mul3A_873 : i32
        %add3A_875 = arith.constant 0 : i32
        %add3A_876 = arith.addi %add3A_875, %mul3A_874 : i32
        %broadcast_in_dim3A_877 = vector.broadcast %add3A_876 : i32 to vector<16xi32>
        %get3A_878 = arith.index_cast %add3A_876 : i32 to index
        %get3A_879 = arith.constant 0 : index
        %get3A_880 = tpu.vector_load %arg6[%get3A_878, %get3A_879] {strides = array<i32>} : memref<128x64xf32, #tpu.memory_space<vmem>>, vector<16xf32>,
        %mul3A_881 = arith.constant 8.000000e+00 : f32
        %mul3A_882 = vector.broadcast %mul3A_881 : f32 to vector<16xf32>
        %mul3A_883 = arith.mulf %get3A_880, %mul3A_882 : vector<16xf32>
        tpu.vector_store_idx %arg11[%select_n3A, %select_n3A_151, %broadcast_in_dim3A_877], %mul3A_883 : memref<8x8x129xf32, #tpu.memory_space<vmem>>[vector<16xi32>, vector<16xi32>, vector<16xi32>], vector<16xf32>,
        %get3A_884 = arith.index_cast %add3A_876 : i32 to index
        %get3A_885 = arith.constant 16 : index
        %get3A_886 = tpu.vector_load %arg6[%get3A_884, %get3A_885] {strides = array<i32>} : memref<128x64xf32, #tpu.memory_space<vmem>>, vector<16xf32>,
        %mul3A_887 = arith.constant 8.000000e+00 : f32
        %mul3A_888 = vector.broadcast %mul3A_887 : f32 to vector<16xf32>
        %mul3A_889 = arith.mulf %get3A_886, %mul3A_888 : vector<16xf32>
        tpu.vector_store_idx %arg11[%select_n3A_60, %select_n3A_176, %broadcast_in_dim3A_877], %mul3A_889 : memref<8x8x129xf32, #tpu.memory_space<vmem>>[vector<16xi32>, vector<16xi32>, vector<16xi32>], vector<16xf32>,
        %get3A_890 = arith.index_cast %add3A_876 : i32 to index
        %get3A_891 = arith.constant 32 : index
        %get3A_892 = tpu.vector_load %arg6[%get3A_890, %get3A_891] {strides = array<i32>} : memref<128x64xf32, #tpu.memory_space<vmem>>, vector<16xf32>,
        %mul3A_893 = arith.constant 8.000000e+00 : f32
        %mul3A_894 = vector.broadcast %mul3A_893 : f32 to vector<16xf32>
        %mul3A_895 = arith.mulf %get3A_892, %mul3A_894 : vector<16xf32>
        tpu.vector_store_idx %arg11[%select_n3A_94, %select_n3A_201, %broadcast_in_dim3A_877], %mul3A_895 : memref<8x8x129xf32, #tpu.memory_space<vmem>>[vector<16xi32>, vector<16xi32>, vector<16xi32>], vector<16xf32>,
        %get3A_896 = arith.index_cast %add3A_876 : i32 to index
        %get3A_897 = arith.constant 48 : index
        %get3A_898 = tpu.vector_load %arg6[%get3A_896, %get3A_897] {strides = array<i32>} : memref<128x64xf32, #tpu.memory_space<vmem>>, vector<16xf32>,
        %mul3A_899 = arith.constant 8.000000e+00 : f32
        %mul3A_900 = vector.broadcast %mul3A_899 : f32 to vector<16xf32>
        %mul3A_901 = arith.mulf %get3A_898, %mul3A_900 : vector<16xf32>
        tpu.vector_store_idx %arg11[%select_n3A_128, %select_n3A_226, %broadcast_in_dim3A_877], %mul3A_901 : memref<8x8x129xf32, #tpu.memory_space<vmem>>[vector<16xi32>, vector<16xi32>, vector<16xi32>], vector<16xf32>,
      }
      %scan3A_425 = arith.constant 128 : i32
      %dma_start3A_426 = arith.constant 0 : i32
      %dma_start3A_427 = arith.constant 0 : i32
      %dma_start3A_428 = arith.constant 0 : i32
      %dma_start3A_429 = tpu.memref_slice %arg11[%dma_start3A_426, %dma_start3A_427, %dma_start3A_428] : memref<8x8x129xf32, #tpu.memory_space<vmem>> -> memref<8x8x128xf32, #tpu.memory_space<vmem>>
      %dma_start3A_430 = arith.constant 0 : i32
      %dma_start3A_431 = arith.constant 0 : i32
      %dma_start3A_432 = arith.constant 0 : i32
      %dma_start3A_433 = tpu.memref_slice %arg4[%add3A_372, %dma_start3A_430, %add3A, %dma_start3A_431, %dma_start3A_432] : memref<200x8x32x8x128xf32, #tpu.memory_space<hbm>> -> memref<1x8x1x8x128xf32, #tpu.memory_space<hbm>>
      %dma_start3A_434 = tpu.memref_squeeze %dma_start3A_433 : memref<1x8x1x8x128xf32, #tpu.memory_space<hbm>> -> memref<8x8x128xf32, #tpu.memory_space<hbm>>
      %dma_start3A_435 = arith.constant 0 : i32
      %dma_start3A_436 = arith.constant 0 : i32
      %dma_start3A_437 = arith.constant 0 : i32
      %dma_start3A_438 = tpu.memref_slice %arg4[%add3A_372, %dma_start3A_435, %add3A, %dma_start3A_436, %dma_start3A_437] : memref<200x8x32x8x128xf32, #tpu.memory_space<hbm>> -> memref<1x8x1x8x128xf32, #tpu.memory_space<hbm>>
      %dma_start3A_439 = tpu.memref_squeeze %dma_start3A_438 : memref<1x8x1x8x128xf32, #tpu.memory_space<hbm>> -> memref<8x8x128xf32, #tpu.memory_space<hbm>>
      %dma_start3A_440 = arith.constant 0 : i32
      %dma_start3A_441 = arith.constant 0 : i32
      %dma_start3A_442 = arith.constant 0 : i32
      %dma_start3A_443 = tpu.memref_slice %arg11[%dma_start3A_440, %dma_start3A_441, %dma_start3A_442] : memref<8x8x129xf32, #tpu.memory_space<vmem>> -> memref<8x8x128xf32, #tpu.memory_space<vmem>>
      tpu.enqueue_dma source(%dma_start3A_443 : memref<8x8x128xf32, #tpu.memory_space<vmem>>) target(%dma_start3A_439 : memref<8x8x128xf32, #tpu.memory_space<hbm>>) target_semaphore(%arg21 : memref<!tpu.dma_semaphore, #tpu.memory_space<semaphore_mem>>)
      %lt3A_444 = arith.constant 39 : i32
      %lt3A_445 = arith.cmpi slt, %add3A_368, %lt3A_444 : i32
      %convert_element_type3A_446 = arith.extui %lt3A_445 : i1 to i32
      %cond3A_447 = arith.constant 0 : i32
      %cond3A_448 = arith.cmpi ne, %convert_element_type3A_446, %cond3A_447 : i32
      scf.if %cond3A_448 {
        %add3A_781 = arith.constant 5 : i32
        %add3A_782 = arith.addi %add3A_372, %add3A_781 : i32
        %jit3A_783 = arith.constant 8 : i32
        %div3A_784 = arith.divsi %add3A_782, %jit3A_783 : i32
        %sign3A_785 = arith.constant 0 : i32
        %sign3A_786 = arith.cmpi sgt, %add3A_782, %sign3A_785 : i32
        %sign3A_787 = arith.extui %sign3A_786 : i1 to i32
        %sign3A_788 = arith.constant 0 : i32
        %sign3A_789 = arith.cmpi slt, %add3A_782, %sign3A_788 : i32
        %sign3A_790 = arith.extui %sign3A_789 : i1 to i32
        %sign3A_791 = arith.subi %sign3A_787, %sign3A_790 : i32
        %sign3A_792 = arith.constant 0 : i32
        %sign3A_793 = arith.cmpi sgt, %jit3A_783, %sign3A_792 : i32
        %sign3A_794 = arith.extui %sign3A_793 : i1 to i32
        %sign3A_795 = arith.constant 0 : i32
        %sign3A_796 = arith.cmpi slt, %jit3A_783, %sign3A_795 : i32
        %sign3A_797 = arith.extui %sign3A_796 : i1 to i32
        %sign3A_798 = arith.subi %sign3A_794, %sign3A_797 : i32
        %ne3A_799 = arith.cmpi ne, %sign3A_791, %sign3A_798 : i32
        %rem3A_800 = arith.remsi %add3A_782, %jit3A_783 : i32
        %ne3A_801 = arith.constant 0 : i32
        %ne3A_802 = arith.cmpi ne, %rem3A_800, %ne3A_801 : i32
        %and3A_803 = arith.andi %ne3A_799, %ne3A_802 : i1
        %sub3A_804 = arith.constant 1 : i32
        %sub3A_805 = arith.subi %div3A_784, %sub3A_804 : i32
        %select_n3A_806 = arith.select %and3A_803, %sub3A_805, %div3A_784 : i32
        %jit3A_807 = arith.constant 8 : i32
        %eq3A_808 = arith.constant 0 : i32
        %eq3A_809 = arith.cmpi eq, %jit3A_807, %eq3A_808 : i32
        %jit3A_810 = arith.constant 1 : i32
        %select_n3A_811 = arith.select %eq3A_809, %jit3A_810, %jit3A_807 : i32
        %rem3A_812 = arith.remsi %add3A_782, %select_n3A_811 : i32
        %ne3A_813 = arith.constant 0 : i32
        %ne3A_814 = arith.cmpi ne, %rem3A_812, %ne3A_813 : i32
        %lt3A_815 = arith.constant 0 : i32
        %lt3A_816 = arith.cmpi slt, %rem3A_812, %lt3A_815 : i32
        %lt3A_817 = arith.constant 0 : i32
        %lt3A_818 = arith.cmpi slt, %select_n3A_811, %lt3A_817 : i32
        %ne3A_819 = arith.xori %lt3A_816, %lt3A_818 : i1
        %and3A_820 = arith.andi %ne3A_819, %ne3A_814 : i1
        %add3A_821 = arith.addi %rem3A_812, %select_n3A_811 : i32
        %select_n3A_822 = arith.select %and3A_820, %add3A_821, %rem3A_812 : i32
        %dma_start3A_823 = arith.constant 0 : i32
        %dma_start3A_824 = tpu.memref_slice %arg5[%select_n3A_806, %select_n3A_822, %dma_start3A_823] : memref<25x8x128xi32, #tpu.memory_space<vmem>> -> memref<1x1x128xi32, #tpu.memory_space<vmem>>
        %dma_start3A_825 = tpu.memref_squeeze %dma_start3A_824 : memref<1x1x128xi32, #tpu.memory_space<vmem>> -> memref<128xi32, #tpu.memory_space<vmem>>
        %dma_start3A_826 = arith.constant 0 : i32
        %dma_start3A_827 = arith.constant 0 : i32
        %dma_start3A_828 = tpu.memref_slice %arg3[%dma_start3A_826, %dma_start3A_827] : memref<1000000x64xf32, #tpu.memory_space<hbm>> -> memref<1000000x64xf32, #tpu.memory_space<hbm>>
        tpu.enqueue_indirect_dma source(%dma_start3A_828 : memref<1000000x64xf32, #tpu.memory_space<hbm>>) target(%arg6 : memref<128x64xf32, #tpu.memory_space<vmem>>) offsets(%dma_start3A_825 : memref<128xi32, #tpu.memory_space<vmem>>) semaphore(%arg16 : memref<!tpu.dma_semaphore, #tpu.memory_space<semaphore_mem>>)
      } else {
      }
      %mul3A_449 = arith.constant 5 : i32
      %mul3A_450 = arith.muli %add3A_368, %mul3A_449 : i32
      %add3A_451 = arith.constant 1 : i32
      %add3A_452 = arith.addi %mul3A_450, %add3A_451 : i32
      %jit3A_453 = arith.constant 8 : i32
      %div3A_454 = arith.divsi %add3A_452, %jit3A_453 : i32
      %sign3A_455 = arith.constant 0 : i32
      %sign3A_456 = arith.cmpi sgt, %add3A_452, %sign3A_455 : i32
      %sign3A_457 = arith.extui %sign3A_456 : i1 to i32
      %sign3A_458 = arith.constant 0 : i32
      %sign3A_459 = arith.cmpi slt, %add3A_452, %sign3A_458 : i32
      %sign3A_460 = arith.extui %sign3A_459 : i1 to i32
      %sign3A_461 = arith.subi %sign3A_457, %sign3A_460 : i32
      %sign3A_462 = arith.constant 0 : i32
      %sign3A_463 = arith.cmpi sgt, %jit3A_453, %sign3A_462 : i32
      %sign3A_464 = arith.extui %sign3A_463 : i1 to i32
      %sign3A_465 = arith.constant 0 : i32
      %sign3A_466 = arith.cmpi slt, %jit3A_453, %sign3A_465 : i32
      %sign3A_467 = arith.extui %sign3A_466 : i1 to i32
      %sign3A_468 = arith.subi %sign3A_464, %sign3A_467 : i32
      %ne3A_469 = arith.cmpi ne, %sign3A_461, %sign3A_468 : i32
      %rem3A_470 = arith.remsi %add3A_452, %jit3A_453 : i32
      %ne3A_471 = arith.constant 0 : i32
      %ne3A_472 = arith.cmpi ne, %rem3A_470, %ne3A_471 : i32
      %and3A_473 = arith.andi %ne3A_469, %ne3A_472 : i1
      %sub3A_474 = arith.constant 1 : i32
      %sub3A_475 = arith.subi %div3A_454, %sub3A_474 : i32
      %select_n3A_476 = arith.select %and3A_473, %sub3A_475, %div3A_454 : i32
      %jit3A_477 = arith.constant 8 : i32
      %eq3A_478 = arith.constant 0 : i32
      %eq3A_479 = arith.cmpi eq, %jit3A_477, %eq3A_478 : i32
      %jit3A_480 = arith.constant 1 : i32
      %select_n3A_481 = arith.select %eq3A_479, %jit3A_480, %jit3A_477 : i32
      %rem3A_482 = arith.remsi %add3A_452, %select_n3A_481 : i32
      %ne3A_483 = arith.constant 0 : i32
      %ne3A_484 = arith.cmpi ne, %rem3A_482, %ne3A_483 : i32
      %lt3A_485 = arith.constant 0 : i32
      %lt3A_486 = arith.cmpi slt, %rem3A_482, %lt3A_485 : i32
      %lt3A_487 = arith.constant 0 : i32
      %lt3A_488 = arith.cmpi slt, %select_n3A_481, %lt3A_487 : i32
      %ne3A_489 = arith.xori %lt3A_486, %lt3A_488 : i1
      %and3A_490 = arith.andi %ne3A_489, %ne3A_484 : i1
      %add3A_491 = arith.addi %rem3A_482, %select_n3A_481 : i32
      %select_n3A_492 = arith.select %and3A_490, %add3A_491, %rem3A_482 : i32
      %dma_wait3A_493 = arith.constant 0 : i32
      %dma_wait3A_494 = tpu.memref_slice %arg5[%select_n3A_476, %select_n3A_492, %dma_wait3A_493] : memref<25x8x128xi32, #tpu.memory_space<vmem>> -> memref<1x1x128xi32, #tpu.memory_space<vmem>>
      %dma_wait3A_495 = tpu.memref_squeeze %dma_wait3A_494 : memref<1x1x128xi32, #tpu.memory_space<vmem>> -> memref<128xi32, #tpu.memory_space<vmem>>
      %dma_wait3A_496 = arith.constant 0 : i32
      %dma_wait3A_497 = arith.constant 0 : i32
      %dma_wait3A_498 = tpu.memref_slice %arg3[%dma_wait3A_496, %dma_wait3A_497] : memref<1000000x64xf32, #tpu.memory_space<hbm>> -> memref<1000000x64xf32, #tpu.memory_space<hbm>>
      tpu.wait_indirect_dma semaphore(%arg17 : memref<!tpu.dma_semaphore, #tpu.memory_space<semaphore_mem>>) src(%dma_wait3A_498 : memref<1000000x64xf32, #tpu.memory_space<hbm>>) dst(%arg7 : memref<128x64xf32, #tpu.memory_space<vmem>>)
      %gt3A_499 = arith.constant 0 : i32
      %gt3A_500 = arith.cmpi sgt, %add3A_368, %gt3A_499 : i32
      %convert_element_type3A_501 = arith.extui %gt3A_500 : i1 to i32
      %cond3A_502 = arith.constant 0 : i32
      %cond3A_503 = arith.cmpi ne, %convert_element_type3A_501, %cond3A_502 : i32
      scf.if %cond3A_503 {
        %sub3A_781 = arith.constant 5 : i32
        %sub3A_782 = arith.subi %add3A_452, %sub3A_781 : i32
        %dma_wait3A_783 = arith.constant 0 : i32
        %dma_wait3A_784 = arith.constant 0 : i32
        %dma_wait3A_785 = arith.constant 0 : i32
        %dma_wait3A_786 = tpu.memref_slice %arg12[%dma_wait3A_783, %dma_wait3A_784, %dma_wait3A_785] : memref<8x8x129xf32, #tpu.memory_space<vmem>> -> memref<8x8x128xf32, #tpu.memory_space<vmem>>
        %dma_wait3A_787 = arith.constant 0 : i32
        %dma_wait3A_788 = arith.constant 0 : i32
        %dma_wait3A_789 = arith.constant 0 : i32
        %dma_wait3A_790 = tpu.memref_slice %arg4[%sub3A_782, %dma_wait3A_787, %add3A, %dma_wait3A_788, %dma_wait3A_789] : memref<200x8x32x8x128xf32, #tpu.memory_space<hbm>> -> memref<1x8x1x8x128xf32, #tpu.memory_space<hbm>>
        %dma_wait3A_791 = tpu.memref_squeeze %dma_wait3A_790 : memref<1x8x1x8x128xf32, #tpu.memory_space<hbm>> -> memref<8x8x128xf32, #tpu.memory_space<hbm>>
        %dma_wait3A_792 = arith.constant 0 : i32
        %dma_wait3A_793 = arith.constant 0 : i32
        %dma_wait3A_794 = arith.constant 0 : i32
        %dma_wait3A_795 = tpu.memref_slice %arg4[%sub3A_782, %dma_wait3A_792, %add3A, %dma_wait3A_793, %dma_wait3A_794] : memref<200x8x32x8x128xf32, #tpu.memory_space<hbm>> -> memref<1x8x1x8x128xf32, #tpu.memory_space<hbm>>
        %dma_wait3A_796 = tpu.memref_squeeze %dma_wait3A_795 : memref<1x8x1x8x128xf32, #tpu.memory_space<hbm>> -> memref<8x8x128xf32, #tpu.memory_space<hbm>>
        %dma_wait3A_797 = arith.constant 0 : i32
        %dma_wait3A_798 = arith.constant 0 : i32
        %dma_wait3A_799 = arith.constant 0 : i32
        %dma_wait3A_800 = tpu.memref_slice %arg12[%dma_wait3A_797, %dma_wait3A_798, %dma_wait3A_799] : memref<8x8x129xf32, #tpu.memory_space<vmem>> -> memref<8x8x128xf32, #tpu.memory_space<vmem>>
        tpu.wait_dma2 semaphore(%arg22 : memref<!tpu.dma_semaphore, #tpu.memory_space<semaphore_mem>>) src(%dma_wait3A_800 : memref<8x8x128xf32, #tpu.memory_space<vmem>>) dst(%dma_wait3A_796 : memref<8x8x128xf32, #tpu.memory_space<hbm>>)
      } else {
      }
      %scan3A_504 = arith.constant 0 : i32
      %scan3A_505 = arith.constant 128 : i32
      %scan3A_506 = arith.addi %scan3A_504, %scan3A_505 : i32
      %scan3A_507 = arith.constant 4 : i32
      scf.for %scan3A_781 = %scan3A_504 to %scan3A_506 step %scan3A_507  : i32 {
        %mul3A_782 = arith.constant 1 : i32
        %mul3A_783 = arith.muli %scan3A_781, %mul3A_782 : i32
        %add3A_784 = arith.constant 0 : i32
        %add3A_785 = arith.addi %add3A_784, %mul3A_783 : i32
        %broadcast_in_dim3A = vector.broadcast %add3A_785 : i32 to vector<16xi32>
        %get3A = arith.index_cast %add3A_785 : i32 to index
        %get3A_786 = arith.constant 0 : index
        %get3A_787 = tpu.vector_load %arg7[%get3A, %get3A_786] {strides = array<i32>} : memref<128x64xf32, #tpu.memory_space<vmem>>, vector<16xf32>,
        %mul3A_788 = arith.constant 8.000000e+00 : f32
        %mul3A_789 = vector.broadcast %mul3A_788 : f32 to vector<16xf32>
        %mul3A_790 = arith.mulf %get3A_787, %mul3A_789 : vector<16xf32>
        tpu.vector_store_idx %arg12[%select_n3A, %select_n3A_151, %broadcast_in_dim3A], %mul3A_790 : memref<8x8x129xf32, #tpu.memory_space<vmem>>[vector<16xi32>, vector<16xi32>, vector<16xi32>], vector<16xf32>,
        %get3A_791 = arith.index_cast %add3A_785 : i32 to index
        %get3A_792 = arith.constant 16 : index
        %get3A_793 = tpu.vector_load %arg7[%get3A_791, %get3A_792] {strides = array<i32>} : memref<128x64xf32, #tpu.memory_space<vmem>>, vector<16xf32>,
        %mul3A_794 = arith.constant 8.000000e+00 : f32
        %mul3A_795 = vector.broadcast %mul3A_794 : f32 to vector<16xf32>
        %mul3A_796 = arith.mulf %get3A_793, %mul3A_795 : vector<16xf32>
        tpu.vector_store_idx %arg12[%select_n3A_60, %select_n3A_176, %broadcast_in_dim3A], %mul3A_796 : memref<8x8x129xf32, #tpu.memory_space<vmem>>[vector<16xi32>, vector<16xi32>, vector<16xi32>], vector<16xf32>,
        %get3A_797 = arith.index_cast %add3A_785 : i32 to index
        %get3A_798 = arith.constant 32 : index
        %get3A_799 = tpu.vector_load %arg7[%get3A_797, %get3A_798] {strides = array<i32>} : memref<128x64xf32, #tpu.memory_space<vmem>>, vector<16xf32>,
        %mul3A_800 = arith.constant 8.000000e+00 : f32
        %mul3A_801 = vector.broadcast %mul3A_800 : f32 to vector<16xf32>
        %mul3A_802 = arith.mulf %get3A_799, %mul3A_801 : vector<16xf32>
        tpu.vector_store_idx %arg12[%select_n3A_94, %select_n3A_201, %broadcast_in_dim3A], %mul3A_802 : memref<8x8x129xf32, #tpu.memory_space<vmem>>[vector<16xi32>, vector<16xi32>, vector<16xi32>], vector<16xf32>,
        %get3A_803 = arith.index_cast %add3A_785 : i32 to index
        %get3A_804 = arith.constant 48 : index
        %get3A_805 = tpu.vector_load %arg7[%get3A_803, %get3A_804] {strides = array<i32>} : memref<128x64xf32, #tpu.memory_space<vmem>>, vector<16xf32>,
        %mul3A_806 = arith.constant 8.000000e+00 : f32
        %mul3A_807 = vector.broadcast %mul3A_806 : f32 to vector<16xf32>
        %mul3A_808 = arith.mulf %get3A_805, %mul3A_807 : vector<16xf32>
        tpu.vector_store_idx %arg12[%select_n3A_128, %select_n3A_226, %broadcast_in_dim3A], %mul3A_808 : memref<8x8x129xf32, #tpu.memory_space<vmem>>[vector<16xi32>, vector<16xi32>, vector<16xi32>], vector<16xf32>,
        %scan3A_809 = arith.constant 1 : i32
        %scan3A_810 = arith.addi %scan3A_781, %scan3A_809 : i32
        %mul3A_811 = arith.constant 1 : i32
        %mul3A_812 = arith.muli %scan3A_810, %mul3A_811 : i32
        %add3A_813 = arith.constant 0 : i32
        %add3A_814 = arith.addi %add3A_813, %mul3A_812 : i32
        %broadcast_in_dim3A_815 = vector.broadcast %add3A_814 : i32 to vector<16xi32>
        %get3A_816 = arith.index_cast %add3A_814 : i32 to index
        %get3A_817 = arith.constant 0 : index
        %get3A_818 = tpu.vector_load %arg7[%get3A_816, %get3A_817] {strides = array<i32>} : memref<128x64xf32, #tpu.memory_space<vmem>>, vector<16xf32>,
        %mul3A_819 = arith.constant 8.000000e+00 : f32
        %mul3A_820 = vector.broadcast %mul3A_819 : f32 to vector<16xf32>
        %mul3A_821 = arith.mulf %get3A_818, %mul3A_820 : vector<16xf32>
        tpu.vector_store_idx %arg12[%select_n3A, %select_n3A_151, %broadcast_in_dim3A_815], %mul3A_821 : memref<8x8x129xf32, #tpu.memory_space<vmem>>[vector<16xi32>, vector<16xi32>, vector<16xi32>], vector<16xf32>,
        %get3A_822 = arith.index_cast %add3A_814 : i32 to index
        %get3A_823 = arith.constant 16 : index
        %get3A_824 = tpu.vector_load %arg7[%get3A_822, %get3A_823] {strides = array<i32>} : memref<128x64xf32, #tpu.memory_space<vmem>>, vector<16xf32>,
        %mul3A_825 = arith.constant 8.000000e+00 : f32
        %mul3A_826 = vector.broadcast %mul3A_825 : f32 to vector<16xf32>
        %mul3A_827 = arith.mulf %get3A_824, %mul3A_826 : vector<16xf32>
        tpu.vector_store_idx %arg12[%select_n3A_60, %select_n3A_176, %broadcast_in_dim3A_815], %mul3A_827 : memref<8x8x129xf32, #tpu.memory_space<vmem>>[vector<16xi32>, vector<16xi32>, vector<16xi32>], vector<16xf32>,
        %get3A_828 = arith.index_cast %add3A_814 : i32 to index
        %get3A_829 = arith.constant 32 : index
        %get3A_830 = tpu.vector_load %arg7[%get3A_828, %get3A_829] {strides = array<i32>} : memref<128x64xf32, #tpu.memory_space<vmem>>, vector<16xf32>,
        %mul3A_831 = arith.constant 8.000000e+00 : f32
        %mul3A_832 = vector.broadcast %mul3A_831 : f32 to vector<16xf32>
        %mul3A_833 = arith.mulf %get3A_830, %mul3A_832 : vector<16xf32>
        tpu.vector_store_idx %arg12[%select_n3A_94, %select_n3A_201, %broadcast_in_dim3A_815], %mul3A_833 : memref<8x8x129xf32, #tpu.memory_space<vmem>>[vector<16xi32>, vector<16xi32>, vector<16xi32>], vector<16xf32>,
        %get3A_834 = arith.index_cast %add3A_814 : i32 to index
        %get3A_835 = arith.constant 48 : index
        %get3A_836 = tpu.vector_load %arg7[%get3A_834, %get3A_835] {strides = array<i32>} : memref<128x64xf32, #tpu.memory_space<vmem>>, vector<16xf32>,
        %mul3A_837 = arith.constant 8.000000e+00 : f32
        %mul3A_838 = vector.broadcast %mul3A_837 : f32 to vector<16xf32>
        %mul3A_839 = arith.mulf %get3A_836, %mul3A_838 : vector<16xf32>
        tpu.vector_store_idx %arg12[%select_n3A_128, %select_n3A_226, %broadcast_in_dim3A_815], %mul3A_839 : memref<8x8x129xf32, #tpu.memory_space<vmem>>[vector<16xi32>, vector<16xi32>, vector<16xi32>], vector<16xf32>,
        %scan3A_840 = arith.constant 2 : i32
        %scan3A_841 = arith.addi %scan3A_781, %scan3A_840 : i32
        %mul3A_842 = arith.constant 1 : i32
        %mul3A_843 = arith.muli %scan3A_841, %mul3A_842 : i32
        %add3A_844 = arith.constant 0 : i32
        %add3A_845 = arith.addi %add3A_844, %mul3A_843 : i32
        %broadcast_in_dim3A_846 = vector.broadcast %add3A_845 : i32 to vector<16xi32>
        %get3A_847 = arith.index_cast %add3A_845 : i32 to index
        %get3A_848 = arith.constant 0 : index
        %get3A_849 = tpu.vector_load %arg7[%get3A_847, %get3A_848] {strides = array<i32>} : memref<128x64xf32, #tpu.memory_space<vmem>>, vector<16xf32>,
        %mul3A_850 = arith.constant 8.000000e+00 : f32
        %mul3A_851 = vector.broadcast %mul3A_850 : f32 to vector<16xf32>
        %mul3A_852 = arith.mulf %get3A_849, %mul3A_851 : vector<16xf32>
        tpu.vector_store_idx %arg12[%select_n3A, %select_n3A_151, %broadcast_in_dim3A_846], %mul3A_852 : memref<8x8x129xf32, #tpu.memory_space<vmem>>[vector<16xi32>, vector<16xi32>, vector<16xi32>], vector<16xf32>,
        %get3A_853 = arith.index_cast %add3A_845 : i32 to index
        %get3A_854 = arith.constant 16 : index
        %get3A_855 = tpu.vector_load %arg7[%get3A_853, %get3A_854] {strides = array<i32>} : memref<128x64xf32, #tpu.memory_space<vmem>>, vector<16xf32>,
        %mul3A_856 = arith.constant 8.000000e+00 : f32
        %mul3A_857 = vector.broadcast %mul3A_856 : f32 to vector<16xf32>
        %mul3A_858 = arith.mulf %get3A_855, %mul3A_857 : vector<16xf32>
        tpu.vector_store_idx %arg12[%select_n3A_60, %select_n3A_176, %broadcast_in_dim3A_846], %mul3A_858 : memref<8x8x129xf32, #tpu.memory_space<vmem>>[vector<16xi32>, vector<16xi32>, vector<16xi32>], vector<16xf32>,
        %get3A_859 = arith.index_cast %add3A_845 : i32 to index
        %get3A_860 = arith.constant 32 : index
        %get3A_861 = tpu.vector_load %arg7[%get3A_859, %get3A_860] {strides = array<i32>} : memref<128x64xf32, #tpu.memory_space<vmem>>, vector<16xf32>,
        %mul3A_862 = arith.constant 8.000000e+00 : f32
        %mul3A_863 = vector.broadcast %mul3A_862 : f32 to vector<16xf32>
        %mul3A_864 = arith.mulf %get3A_861, %mul3A_863 : vector<16xf32>
        tpu.vector_store_idx %arg12[%select_n3A_94, %select_n3A_201, %broadcast_in_dim3A_846], %mul3A_864 : memref<8x8x129xf32, #tpu.memory_space<vmem>>[vector<16xi32>, vector<16xi32>, vector<16xi32>], vector<16xf32>,
        %get3A_865 = arith.index_cast %add3A_845 : i32 to index
        %get3A_866 = arith.constant 48 : index
        %get3A_867 = tpu.vector_load %arg7[%get3A_865, %get3A_866] {strides = array<i32>} : memref<128x64xf32, #tpu.memory_space<vmem>>, vector<16xf32>,
        %mul3A_868 = arith.constant 8.000000e+00 : f32
        %mul3A_869 = vector.broadcast %mul3A_868 : f32 to vector<16xf32>
        %mul3A_870 = arith.mulf %get3A_867, %mul3A_869 : vector<16xf32>
        tpu.vector_store_idx %arg12[%select_n3A_128, %select_n3A_226, %broadcast_in_dim3A_846], %mul3A_870 : memref<8x8x129xf32, #tpu.memory_space<vmem>>[vector<16xi32>, vector<16xi32>, vector<16xi32>], vector<16xf32>,
        %scan3A_871 = arith.constant 3 : i32
        %scan3A_872 = arith.addi %scan3A_781, %scan3A_871 : i32
        %mul3A_873 = arith.constant 1 : i32
        %mul3A_874 = arith.muli %scan3A_872, %mul3A_873 : i32
        %add3A_875 = arith.constant 0 : i32
        %add3A_876 = arith.addi %add3A_875, %mul3A_874 : i32
        %broadcast_in_dim3A_877 = vector.broadcast %add3A_876 : i32 to vector<16xi32>
        %get3A_878 = arith.index_cast %add3A_876 : i32 to index
        %get3A_879 = arith.constant 0 : index
        %get3A_880 = tpu.vector_load %arg7[%get3A_878, %get3A_879] {strides = array<i32>} : memref<128x64xf32, #tpu.memory_space<vmem>>, vector<16xf32>,
        %mul3A_881 = arith.constant 8.000000e+00 : f32
        %mul3A_882 = vector.broadcast %mul3A_881 : f32 to vector<16xf32>
        %mul3A_883 = arith.mulf %get3A_880, %mul3A_882 : vector<16xf32>
        tpu.vector_store_idx %arg12[%select_n3A, %select_n3A_151, %broadcast_in_dim3A_877], %mul3A_883 : memref<8x8x129xf32, #tpu.memory_space<vmem>>[vector<16xi32>, vector<16xi32>, vector<16xi32>], vector<16xf32>,
        %get3A_884 = arith.index_cast %add3A_876 : i32 to index
        %get3A_885 = arith.constant 16 : index
        %get3A_886 = tpu.vector_load %arg7[%get3A_884, %get3A_885] {strides = array<i32>} : memref<128x64xf32, #tpu.memory_space<vmem>>, vector<16xf32>,
        %mul3A_887 = arith.constant 8.000000e+00 : f32
        %mul3A_888 = vector.broadcast %mul3A_887 : f32 to vector<16xf32>
        %mul3A_889 = arith.mulf %get3A_886, %mul3A_888 : vector<16xf32>
        tpu.vector_store_idx %arg12[%select_n3A_60, %select_n3A_176, %broadcast_in_dim3A_877], %mul3A_889 : memref<8x8x129xf32, #tpu.memory_space<vmem>>[vector<16xi32>, vector<16xi32>, vector<16xi32>], vector<16xf32>,
        %get3A_890 = arith.index_cast %add3A_876 : i32 to index
        %get3A_891 = arith.constant 32 : index
        %get3A_892 = tpu.vector_load %arg7[%get3A_890, %get3A_891] {strides = array<i32>} : memref<128x64xf32, #tpu.memory_space<vmem>>, vector<16xf32>,
        %mul3A_893 = arith.constant 8.000000e+00 : f32
        %mul3A_894 = vector.broadcast %mul3A_893 : f32 to vector<16xf32>
        %mul3A_895 = arith.mulf %get3A_892, %mul3A_894 : vector<16xf32>
        tpu.vector_store_idx %arg12[%select_n3A_94, %select_n3A_201, %broadcast_in_dim3A_877], %mul3A_895 : memref<8x8x129xf32, #tpu.memory_space<vmem>>[vector<16xi32>, vector<16xi32>, vector<16xi32>], vector<16xf32>,
        %get3A_896 = arith.index_cast %add3A_876 : i32 to index
        %get3A_897 = arith.constant 48 : index
        %get3A_898 = tpu.vector_load %arg7[%get3A_896, %get3A_897] {strides = array<i32>} : memref<128x64xf32, #tpu.memory_space<vmem>>, vector<16xf32>,
        %mul3A_899 = arith.constant 8.000000e+00 : f32
        %mul3A_900 = vector.broadcast %mul3A_899 : f32 to vector<16xf32>
        %mul3A_901 = arith.mulf %get3A_898, %mul3A_900 : vector<16xf32>
        tpu.vector_store_idx %arg12[%select_n3A_128, %select_n3A_226, %broadcast_in_dim3A_877], %mul3A_901 : memref<8x8x129xf32, #tpu.memory_space<vmem>>[vector<16xi32>, vector<16xi32>, vector<16xi32>], vector<16xf32>,
      }
      %scan3A_508 = arith.constant 128 : i32
      %dma_start3A_509 = arith.constant 0 : i32
      %dma_start3A_510 = arith.constant 0 : i32
      %dma_start3A_511 = arith.constant 0 : i32
      %dma_start3A_512 = tpu.memref_slice %arg12[%dma_start3A_509, %dma_start3A_510, %dma_start3A_511] : memref<8x8x129xf32, #tpu.memory_space<vmem>> -> memref<8x8x128xf32, #tpu.memory_space<vmem>>
      %dma_start3A_513 = arith.constant 0 : i32
      %dma_start3A_514 = arith.constant 0 : i32
      %dma_start3A_515 = arith.constant 0 : i32
      %dma_start3A_516 = tpu.memref_slice %arg4[%add3A_452, %dma_start3A_513, %add3A, %dma_start3A_514, %dma_start3A_515] : memref<200x8x32x8x128xf32, #tpu.memory_space<hbm>> -> memref<1x8x1x8x128xf32, #tpu.memory_space<hbm>>
      %dma_start3A_517 = tpu.memref_squeeze %dma_start3A_516 : memref<1x8x1x8x128xf32, #tpu.memory_space<hbm>> -> memref<8x8x128xf32, #tpu.memory_space<hbm>>
      %dma_start3A_518 = arith.constant 0 : i32
      %dma_start3A_519 = arith.constant 0 : i32
      %dma_start3A_520 = arith.constant 0 : i32
      %dma_start3A_521 = tpu.memref_slice %arg4[%add3A_452, %dma_start3A_518, %add3A, %dma_start3A_519, %dma_start3A_520] : memref<200x8x32x8x128xf32, #tpu.memory_space<hbm>> -> memref<1x8x1x8x128xf32, #tpu.memory_space<hbm>>
      %dma_start3A_522 = tpu.memref_squeeze %dma_start3A_521 : memref<1x8x1x8x128xf32, #tpu.memory_space<hbm>> -> memref<8x8x128xf32, #tpu.memory_space<hbm>>
      %dma_start3A_523 = arith.constant 0 : i32
      %dma_start3A_524 = arith.constant 0 : i32
      %dma_start3A_525 = arith.constant 0 : i32
      %dma_start3A_526 = tpu.memref_slice %arg12[%dma_start3A_523, %dma_start3A_524, %dma_start3A_525] : memref<8x8x129xf32, #tpu.memory_space<vmem>> -> memref<8x8x128xf32, #tpu.memory_space<vmem>>
      tpu.enqueue_dma source(%dma_start3A_526 : memref<8x8x128xf32, #tpu.memory_space<vmem>>) target(%dma_start3A_522 : memref<8x8x128xf32, #tpu.memory_space<hbm>>) target_semaphore(%arg22 : memref<!tpu.dma_semaphore, #tpu.memory_space<semaphore_mem>>)
      %lt3A_527 = arith.constant 39 : i32
      %lt3A_528 = arith.cmpi slt, %add3A_368, %lt3A_527 : i32
      %convert_element_type3A_529 = arith.extui %lt3A_528 : i1 to i32
      %cond3A_530 = arith.constant 0 : i32
      %cond3A_531 = arith.cmpi ne, %convert_element_type3A_529, %cond3A_530 : i32
      scf.if %cond3A_531 {
        %add3A_781 = arith.constant 5 : i32
        %add3A_782 = arith.addi %add3A_452, %add3A_781 : i32
        %jit3A_783 = arith.constant 8 : i32
        %div3A_784 = arith.divsi %add3A_782, %jit3A_783 : i32
        %sign3A_785 = arith.constant 0 : i32
        %sign3A_786 = arith.cmpi sgt, %add3A_782, %sign3A_785 : i32
        %sign3A_787 = arith.extui %sign3A_786 : i1 to i32
        %sign3A_788 = arith.constant 0 : i32
        %sign3A_789 = arith.cmpi slt, %add3A_782, %sign3A_788 : i32
        %sign3A_790 = arith.extui %sign3A_789 : i1 to i32
        %sign3A_791 = arith.subi %sign3A_787, %sign3A_790 : i32
        %sign3A_792 = arith.constant 0 : i32
        %sign3A_793 = arith.cmpi sgt, %jit3A_783, %sign3A_792 : i32
        %sign3A_794 = arith.extui %sign3A_793 : i1 to i32
        %sign3A_795 = arith.constant 0 : i32
        %sign3A_796 = arith.cmpi slt, %jit3A_783, %sign3A_795 : i32
        %sign3A_797 = arith.extui %sign3A_796 : i1 to i32
        %sign3A_798 = arith.subi %sign3A_794, %sign3A_797 : i32
        %ne3A_799 = arith.cmpi ne, %sign3A_791, %sign3A_798 : i32
        %rem3A_800 = arith.remsi %add3A_782, %jit3A_783 : i32
        %ne3A_801 = arith.constant 0 : i32
        %ne3A_802 = arith.cmpi ne, %rem3A_800, %ne3A_801 : i32
        %and3A_803 = arith.andi %ne3A_799, %ne3A_802 : i1
        %sub3A_804 = arith.constant 1 : i32
        %sub3A_805 = arith.subi %div3A_784, %sub3A_804 : i32
        %select_n3A_806 = arith.select %and3A_803, %sub3A_805, %div3A_784 : i32
        %jit3A_807 = arith.constant 8 : i32
        %eq3A_808 = arith.constant 0 : i32
        %eq3A_809 = arith.cmpi eq, %jit3A_807, %eq3A_808 : i32
        %jit3A_810 = arith.constant 1 : i32
        %select_n3A_811 = arith.select %eq3A_809, %jit3A_810, %jit3A_807 : i32
        %rem3A_812 = arith.remsi %add3A_782, %select_n3A_811 : i32
        %ne3A_813 = arith.constant 0 : i32
        %ne3A_814 = arith.cmpi ne, %rem3A_812, %ne3A_813 : i32
        %lt3A_815 = arith.constant 0 : i32
        %lt3A_816 = arith.cmpi slt, %rem3A_812, %lt3A_815 : i32
        %lt3A_817 = arith.constant 0 : i32
        %lt3A_818 = arith.cmpi slt, %select_n3A_811, %lt3A_817 : i32
        %ne3A_819 = arith.xori %lt3A_816, %lt3A_818 : i1
        %and3A_820 = arith.andi %ne3A_819, %ne3A_814 : i1
        %add3A_821 = arith.addi %rem3A_812, %select_n3A_811 : i32
        %select_n3A_822 = arith.select %and3A_820, %add3A_821, %rem3A_812 : i32
        %dma_start3A_823 = arith.constant 0 : i32
        %dma_start3A_824 = tpu.memref_slice %arg5[%select_n3A_806, %select_n3A_822, %dma_start3A_823] : memref<25x8x128xi32, #tpu.memory_space<vmem>> -> memref<1x1x128xi32, #tpu.memory_space<vmem>>
        %dma_start3A_825 = tpu.memref_squeeze %dma_start3A_824 : memref<1x1x128xi32, #tpu.memory_space<vmem>> -> memref<128xi32, #tpu.memory_space<vmem>>
        %dma_start3A_826 = arith.constant 0 : i32
        %dma_start3A_827 = arith.constant 0 : i32
        %dma_start3A_828 = tpu.memref_slice %arg3[%dma_start3A_826, %dma_start3A_827] : memref<1000000x64xf32, #tpu.memory_space<hbm>> -> memref<1000000x64xf32, #tpu.memory_space<hbm>>
        tpu.enqueue_indirect_dma source(%dma_start3A_828 : memref<1000000x64xf32, #tpu.memory_space<hbm>>) target(%arg7 : memref<128x64xf32, #tpu.memory_space<vmem>>) offsets(%dma_start3A_825 : memref<128xi32, #tpu.memory_space<vmem>>) semaphore(%arg17 : memref<!tpu.dma_semaphore, #tpu.memory_space<semaphore_mem>>)
      } else {
      }
      %mul3A_532 = arith.constant 5 : i32
      %mul3A_533 = arith.muli %add3A_368, %mul3A_532 : i32
      %add3A_534 = arith.constant 2 : i32
      %add3A_535 = arith.addi %mul3A_533, %add3A_534 : i32
      %jit3A_536 = arith.constant 8 : i32
      %div3A_537 = arith.divsi %add3A_535, %jit3A_536 : i32
      %sign3A_538 = arith.constant 0 : i32
      %sign3A_539 = arith.cmpi sgt, %add3A_535, %sign3A_538 : i32
      %sign3A_540 = arith.extui %sign3A_539 : i1 to i32
      %sign3A_541 = arith.constant 0 : i32
      %sign3A_542 = arith.cmpi slt, %add3A_535, %sign3A_541 : i32
      %sign3A_543 = arith.extui %sign3A_542 : i1 to i32
      %sign3A_544 = arith.subi %sign3A_540, %sign3A_543 : i32
      %sign3A_545 = arith.constant 0 : i32
      %sign3A_546 = arith.cmpi sgt, %jit3A_536, %sign3A_545 : i32
      %sign3A_547 = arith.extui %sign3A_546 : i1 to i32
      %sign3A_548 = arith.constant 0 : i32
      %sign3A_549 = arith.cmpi slt, %jit3A_536, %sign3A_548 : i32
      %sign3A_550 = arith.extui %sign3A_549 : i1 to i32
      %sign3A_551 = arith.subi %sign3A_547, %sign3A_550 : i32
      %ne3A_552 = arith.cmpi ne, %sign3A_544, %sign3A_551 : i32
      %rem3A_553 = arith.remsi %add3A_535, %jit3A_536 : i32
      %ne3A_554 = arith.constant 0 : i32
      %ne3A_555 = arith.cmpi ne, %rem3A_553, %ne3A_554 : i32
      %and3A_556 = arith.andi %ne3A_552, %ne3A_555 : i1
      %sub3A_557 = arith.constant 1 : i32
      %sub3A_558 = arith.subi %div3A_537, %sub3A_557 : i32
      %select_n3A_559 = arith.select %and3A_556, %sub3A_558, %div3A_537 : i32
      %jit3A_560 = arith.constant 8 : i32
      %eq3A_561 = arith.constant 0 : i32
      %eq3A_562 = arith.cmpi eq, %jit3A_560, %eq3A_561 : i32
      %jit3A_563 = arith.constant 1 : i32
      %select_n3A_564 = arith.select %eq3A_562, %jit3A_563, %jit3A_560 : i32
      %rem3A_565 = arith.remsi %add3A_535, %select_n3A_564 : i32
      %ne3A_566 = arith.constant 0 : i32
      %ne3A_567 = arith.cmpi ne, %rem3A_565, %ne3A_566 : i32
      %lt3A_568 = arith.constant 0 : i32
      %lt3A_569 = arith.cmpi slt, %rem3A_565, %lt3A_568 : i32
      %lt3A_570 = arith.constant 0 : i32
      %lt3A_571 = arith.cmpi slt, %select_n3A_564, %lt3A_570 : i32
      %ne3A_572 = arith.xori %lt3A_569, %lt3A_571 : i1
      %and3A_573 = arith.andi %ne3A_572, %ne3A_567 : i1
      %add3A_574 = arith.addi %rem3A_565, %select_n3A_564 : i32
      %select_n3A_575 = arith.select %and3A_573, %add3A_574, %rem3A_565 : i32
      %dma_wait3A_576 = arith.constant 0 : i32
      %dma_wait3A_577 = tpu.memref_slice %arg5[%select_n3A_559, %select_n3A_575, %dma_wait3A_576] : memref<25x8x128xi32, #tpu.memory_space<vmem>> -> memref<1x1x128xi32, #tpu.memory_space<vmem>>
      %dma_wait3A_578 = tpu.memref_squeeze %dma_wait3A_577 : memref<1x1x128xi32, #tpu.memory_space<vmem>> -> memref<128xi32, #tpu.memory_space<vmem>>
      %dma_wait3A_579 = arith.constant 0 : i32
      %dma_wait3A_580 = arith.constant 0 : i32
      %dma_wait3A_581 = tpu.memref_slice %arg3[%dma_wait3A_579, %dma_wait3A_580] : memref<1000000x64xf32, #tpu.memory_space<hbm>> -> memref<1000000x64xf32, #tpu.memory_space<hbm>>
      tpu.wait_indirect_dma semaphore(%arg18 : memref<!tpu.dma_semaphore, #tpu.memory_space<semaphore_mem>>) src(%dma_wait3A_581 : memref<1000000x64xf32, #tpu.memory_space<hbm>>) dst(%arg8 : memref<128x64xf32, #tpu.memory_space<vmem>>)
      %gt3A_582 = arith.constant 0 : i32
      %gt3A_583 = arith.cmpi sgt, %add3A_368, %gt3A_582 : i32
      %convert_element_type3A_584 = arith.extui %gt3A_583 : i1 to i32
      %cond3A_585 = arith.constant 0 : i32
      %cond3A_586 = arith.cmpi ne, %convert_element_type3A_584, %cond3A_585 : i32
      scf.if %cond3A_586 {
        %sub3A_781 = arith.constant 5 : i32
        %sub3A_782 = arith.subi %add3A_535, %sub3A_781 : i32
        %dma_wait3A_783 = arith.constant 0 : i32
        %dma_wait3A_784 = arith.constant 0 : i32
        %dma_wait3A_785 = arith.constant 0 : i32
        %dma_wait3A_786 = tpu.memref_slice %arg13[%dma_wait3A_783, %dma_wait3A_784, %dma_wait3A_785] : memref<8x8x129xf32, #tpu.memory_space<vmem>> -> memref<8x8x128xf32, #tpu.memory_space<vmem>>
        %dma_wait3A_787 = arith.constant 0 : i32
        %dma_wait3A_788 = arith.constant 0 : i32
        %dma_wait3A_789 = arith.constant 0 : i32
        %dma_wait3A_790 = tpu.memref_slice %arg4[%sub3A_782, %dma_wait3A_787, %add3A, %dma_wait3A_788, %dma_wait3A_789] : memref<200x8x32x8x128xf32, #tpu.memory_space<hbm>> -> memref<1x8x1x8x128xf32, #tpu.memory_space<hbm>>
        %dma_wait3A_791 = tpu.memref_squeeze %dma_wait3A_790 : memref<1x8x1x8x128xf32, #tpu.memory_space<hbm>> -> memref<8x8x128xf32, #tpu.memory_space<hbm>>
        %dma_wait3A_792 = arith.constant 0 : i32
        %dma_wait3A_793 = arith.constant 0 : i32
        %dma_wait3A_794 = arith.constant 0 : i32
        %dma_wait3A_795 = tpu.memref_slice %arg4[%sub3A_782, %dma_wait3A_792, %add3A, %dma_wait3A_793, %dma_wait3A_794] : memref<200x8x32x8x128xf32, #tpu.memory_space<hbm>> -> memref<1x8x1x8x128xf32, #tpu.memory_space<hbm>>
        %dma_wait3A_796 = tpu.memref_squeeze %dma_wait3A_795 : memref<1x8x1x8x128xf32, #tpu.memory_space<hbm>> -> memref<8x8x128xf32, #tpu.memory_space<hbm>>
        %dma_wait3A_797 = arith.constant 0 : i32
        %dma_wait3A_798 = arith.constant 0 : i32
        %dma_wait3A_799 = arith.constant 0 : i32
        %dma_wait3A_800 = tpu.memref_slice %arg13[%dma_wait3A_797, %dma_wait3A_798, %dma_wait3A_799] : memref<8x8x129xf32, #tpu.memory_space<vmem>> -> memref<8x8x128xf32, #tpu.memory_space<vmem>>
        tpu.wait_dma2 semaphore(%arg23 : memref<!tpu.dma_semaphore, #tpu.memory_space<semaphore_mem>>) src(%dma_wait3A_800 : memref<8x8x128xf32, #tpu.memory_space<vmem>>) dst(%dma_wait3A_796 : memref<8x8x128xf32, #tpu.memory_space<hbm>>)
      } else {
      }
      %scan3A_587 = arith.constant 0 : i32
      %scan3A_588 = arith.constant 128 : i32
      %scan3A_589 = arith.addi %scan3A_587, %scan3A_588 : i32
      %scan3A_590 = arith.constant 4 : i32
      scf.for %scan3A_781 = %scan3A_587 to %scan3A_589 step %scan3A_590  : i32 {
        %mul3A_782 = arith.constant 1 : i32
        %mul3A_783 = arith.muli %scan3A_781, %mul3A_782 : i32
        %add3A_784 = arith.constant 0 : i32
        %add3A_785 = arith.addi %add3A_784, %mul3A_783 : i32
        %broadcast_in_dim3A = vector.broadcast %add3A_785 : i32 to vector<16xi32>
        %get3A = arith.index_cast %add3A_785 : i32 to index
        %get3A_786 = arith.constant 0 : index
        %get3A_787 = tpu.vector_load %arg8[%get3A, %get3A_786] {strides = array<i32>} : memref<128x64xf32, #tpu.memory_space<vmem>>, vector<16xf32>,
        %mul3A_788 = arith.constant 8.000000e+00 : f32
        %mul3A_789 = vector.broadcast %mul3A_788 : f32 to vector<16xf32>
        %mul3A_790 = arith.mulf %get3A_787, %mul3A_789 : vector<16xf32>
        tpu.vector_store_idx %arg13[%select_n3A, %select_n3A_151, %broadcast_in_dim3A], %mul3A_790 : memref<8x8x129xf32, #tpu.memory_space<vmem>>[vector<16xi32>, vector<16xi32>, vector<16xi32>], vector<16xf32>,
        %get3A_791 = arith.index_cast %add3A_785 : i32 to index
        %get3A_792 = arith.constant 16 : index
        %get3A_793 = tpu.vector_load %arg8[%get3A_791, %get3A_792] {strides = array<i32>} : memref<128x64xf32, #tpu.memory_space<vmem>>, vector<16xf32>,
        %mul3A_794 = arith.constant 8.000000e+00 : f32
        %mul3A_795 = vector.broadcast %mul3A_794 : f32 to vector<16xf32>
        %mul3A_796 = arith.mulf %get3A_793, %mul3A_795 : vector<16xf32>
        tpu.vector_store_idx %arg13[%select_n3A_60, %select_n3A_176, %broadcast_in_dim3A], %mul3A_796 : memref<8x8x129xf32, #tpu.memory_space<vmem>>[vector<16xi32>, vector<16xi32>, vector<16xi32>], vector<16xf32>,
        %get3A_797 = arith.index_cast %add3A_785 : i32 to index
        %get3A_798 = arith.constant 32 : index
        %get3A_799 = tpu.vector_load %arg8[%get3A_797, %get3A_798] {strides = array<i32>} : memref<128x64xf32, #tpu.memory_space<vmem>>, vector<16xf32>,
        %mul3A_800 = arith.constant 8.000000e+00 : f32
        %mul3A_801 = vector.broadcast %mul3A_800 : f32 to vector<16xf32>
        %mul3A_802 = arith.mulf %get3A_799, %mul3A_801 : vector<16xf32>
        tpu.vector_store_idx %arg13[%select_n3A_94, %select_n3A_201, %broadcast_in_dim3A], %mul3A_802 : memref<8x8x129xf32, #tpu.memory_space<vmem>>[vector<16xi32>, vector<16xi32>, vector<16xi32>], vector<16xf32>,
        %get3A_803 = arith.index_cast %add3A_785 : i32 to index
        %get3A_804 = arith.constant 48 : index
        %get3A_805 = tpu.vector_load %arg8[%get3A_803, %get3A_804] {strides = array<i32>} : memref<128x64xf32, #tpu.memory_space<vmem>>, vector<16xf32>,
        %mul3A_806 = arith.constant 8.000000e+00 : f32
        %mul3A_807 = vector.broadcast %mul3A_806 : f32 to vector<16xf32>
        %mul3A_808 = arith.mulf %get3A_805, %mul3A_807 : vector<16xf32>
        tpu.vector_store_idx %arg13[%select_n3A_128, %select_n3A_226, %broadcast_in_dim3A], %mul3A_808 : memref<8x8x129xf32, #tpu.memory_space<vmem>>[vector<16xi32>, vector<16xi32>, vector<16xi32>], vector<16xf32>,
        %scan3A_809 = arith.constant 1 : i32
        %scan3A_810 = arith.addi %scan3A_781, %scan3A_809 : i32
        %mul3A_811 = arith.constant 1 : i32
        %mul3A_812 = arith.muli %scan3A_810, %mul3A_811 : i32
        %add3A_813 = arith.constant 0 : i32
        %add3A_814 = arith.addi %add3A_813, %mul3A_812 : i32
        %broadcast_in_dim3A_815 = vector.broadcast %add3A_814 : i32 to vector<16xi32>
        %get3A_816 = arith.index_cast %add3A_814 : i32 to index
        %get3A_817 = arith.constant 0 : index
        %get3A_818 = tpu.vector_load %arg8[%get3A_816, %get3A_817] {strides = array<i32>} : memref<128x64xf32, #tpu.memory_space<vmem>>, vector<16xf32>,
        %mul3A_819 = arith.constant 8.000000e+00 : f32
        %mul3A_820 = vector.broadcast %mul3A_819 : f32 to vector<16xf32>
        %mul3A_821 = arith.mulf %get3A_818, %mul3A_820 : vector<16xf32>
        tpu.vector_store_idx %arg13[%select_n3A, %select_n3A_151, %broadcast_in_dim3A_815], %mul3A_821 : memref<8x8x129xf32, #tpu.memory_space<vmem>>[vector<16xi32>, vector<16xi32>, vector<16xi32>], vector<16xf32>,
        %get3A_822 = arith.index_cast %add3A_814 : i32 to index
        %get3A_823 = arith.constant 16 : index
        %get3A_824 = tpu.vector_load %arg8[%get3A_822, %get3A_823] {strides = array<i32>} : memref<128x64xf32, #tpu.memory_space<vmem>>, vector<16xf32>,
        %mul3A_825 = arith.constant 8.000000e+00 : f32
        %mul3A_826 = vector.broadcast %mul3A_825 : f32 to vector<16xf32>
        %mul3A_827 = arith.mulf %get3A_824, %mul3A_826 : vector<16xf32>
        tpu.vector_store_idx %arg13[%select_n3A_60, %select_n3A_176, %broadcast_in_dim3A_815], %mul3A_827 : memref<8x8x129xf32, #tpu.memory_space<vmem>>[vector<16xi32>, vector<16xi32>, vector<16xi32>], vector<16xf32>,
        %get3A_828 = arith.index_cast %add3A_814 : i32 to index
        %get3A_829 = arith.constant 32 : index
        %get3A_830 = tpu.vector_load %arg8[%get3A_828, %get3A_829] {strides = array<i32>} : memref<128x64xf32, #tpu.memory_space<vmem>>, vector<16xf32>,
        %mul3A_831 = arith.constant 8.000000e+00 : f32
        %mul3A_832 = vector.broadcast %mul3A_831 : f32 to vector<16xf32>
        %mul3A_833 = arith.mulf %get3A_830, %mul3A_832 : vector<16xf32>
        tpu.vector_store_idx %arg13[%select_n3A_94, %select_n3A_201, %broadcast_in_dim3A_815], %mul3A_833 : memref<8x8x129xf32, #tpu.memory_space<vmem>>[vector<16xi32>, vector<16xi32>, vector<16xi32>], vector<16xf32>,
        %get3A_834 = arith.index_cast %add3A_814 : i32 to index
        %get3A_835 = arith.constant 48 : index
        %get3A_836 = tpu.vector_load %arg8[%get3A_834, %get3A_835] {strides = array<i32>} : memref<128x64xf32, #tpu.memory_space<vmem>>, vector<16xf32>,
        %mul3A_837 = arith.constant 8.000000e+00 : f32
        %mul3A_838 = vector.broadcast %mul3A_837 : f32 to vector<16xf32>
        %mul3A_839 = arith.mulf %get3A_836, %mul3A_838 : vector<16xf32>
        tpu.vector_store_idx %arg13[%select_n3A_128, %select_n3A_226, %broadcast_in_dim3A_815], %mul3A_839 : memref<8x8x129xf32, #tpu.memory_space<vmem>>[vector<16xi32>, vector<16xi32>, vector<16xi32>], vector<16xf32>,
        %scan3A_840 = arith.constant 2 : i32
        %scan3A_841 = arith.addi %scan3A_781, %scan3A_840 : i32
        %mul3A_842 = arith.constant 1 : i32
        %mul3A_843 = arith.muli %scan3A_841, %mul3A_842 : i32
        %add3A_844 = arith.constant 0 : i32
        %add3A_845 = arith.addi %add3A_844, %mul3A_843 : i32
        %broadcast_in_dim3A_846 = vector.broadcast %add3A_845 : i32 to vector<16xi32>
        %get3A_847 = arith.index_cast %add3A_845 : i32 to index
        %get3A_848 = arith.constant 0 : index
        %get3A_849 = tpu.vector_load %arg8[%get3A_847, %get3A_848] {strides = array<i32>} : memref<128x64xf32, #tpu.memory_space<vmem>>, vector<16xf32>,
        %mul3A_850 = arith.constant 8.000000e+00 : f32
        %mul3A_851 = vector.broadcast %mul3A_850 : f32 to vector<16xf32>
        %mul3A_852 = arith.mulf %get3A_849, %mul3A_851 : vector<16xf32>
        tpu.vector_store_idx %arg13[%select_n3A, %select_n3A_151, %broadcast_in_dim3A_846], %mul3A_852 : memref<8x8x129xf32, #tpu.memory_space<vmem>>[vector<16xi32>, vector<16xi32>, vector<16xi32>], vector<16xf32>,
        %get3A_853 = arith.index_cast %add3A_845 : i32 to index
        %get3A_854 = arith.constant 16 : index
        %get3A_855 = tpu.vector_load %arg8[%get3A_853, %get3A_854] {strides = array<i32>} : memref<128x64xf32, #tpu.memory_space<vmem>>, vector<16xf32>,
        %mul3A_856 = arith.constant 8.000000e+00 : f32
        %mul3A_857 = vector.broadcast %mul3A_856 : f32 to vector<16xf32>
        %mul3A_858 = arith.mulf %get3A_855, %mul3A_857 : vector<16xf32>
        tpu.vector_store_idx %arg13[%select_n3A_60, %select_n3A_176, %broadcast_in_dim3A_846], %mul3A_858 : memref<8x8x129xf32, #tpu.memory_space<vmem>>[vector<16xi32>, vector<16xi32>, vector<16xi32>], vector<16xf32>,
        %get3A_859 = arith.index_cast %add3A_845 : i32 to index
        %get3A_860 = arith.constant 32 : index
        %get3A_861 = tpu.vector_load %arg8[%get3A_859, %get3A_860] {strides = array<i32>} : memref<128x64xf32, #tpu.memory_space<vmem>>, vector<16xf32>,
        %mul3A_862 = arith.constant 8.000000e+00 : f32
        %mul3A_863 = vector.broadcast %mul3A_862 : f32 to vector<16xf32>
        %mul3A_864 = arith.mulf %get3A_861, %mul3A_863 : vector<16xf32>
        tpu.vector_store_idx %arg13[%select_n3A_94, %select_n3A_201, %broadcast_in_dim3A_846], %mul3A_864 : memref<8x8x129xf32, #tpu.memory_space<vmem>>[vector<16xi32>, vector<16xi32>, vector<16xi32>], vector<16xf32>,
        %get3A_865 = arith.index_cast %add3A_845 : i32 to index
        %get3A_866 = arith.constant 48 : index
        %get3A_867 = tpu.vector_load %arg8[%get3A_865, %get3A_866] {strides = array<i32>} : memref<128x64xf32, #tpu.memory_space<vmem>>, vector<16xf32>,
        %mul3A_868 = arith.constant 8.000000e+00 : f32
        %mul3A_869 = vector.broadcast %mul3A_868 : f32 to vector<16xf32>
        %mul3A_870 = arith.mulf %get3A_867, %mul3A_869 : vector<16xf32>
        tpu.vector_store_idx %arg13[%select_n3A_128, %select_n3A_226, %broadcast_in_dim3A_846], %mul3A_870 : memref<8x8x129xf32, #tpu.memory_space<vmem>>[vector<16xi32>, vector<16xi32>, vector<16xi32>], vector<16xf32>,
        %scan3A_871 = arith.constant 3 : i32
        %scan3A_872 = arith.addi %scan3A_781, %scan3A_871 : i32
        %mul3A_873 = arith.constant 1 : i32
        %mul3A_874 = arith.muli %scan3A_872, %mul3A_873 : i32
        %add3A_875 = arith.constant 0 : i32
        %add3A_876 = arith.addi %add3A_875, %mul3A_874 : i32
        %broadcast_in_dim3A_877 = vector.broadcast %add3A_876 : i32 to vector<16xi32>
        %get3A_878 = arith.index_cast %add3A_876 : i32 to index
        %get3A_879 = arith.constant 0 : index
        %get3A_880 = tpu.vector_load %arg8[%get3A_878, %get3A_879] {strides = array<i32>} : memref<128x64xf32, #tpu.memory_space<vmem>>, vector<16xf32>,
        %mul3A_881 = arith.constant 8.000000e+00 : f32
        %mul3A_882 = vector.broadcast %mul3A_881 : f32 to vector<16xf32>
        %mul3A_883 = arith.mulf %get3A_880, %mul3A_882 : vector<16xf32>
        tpu.vector_store_idx %arg13[%select_n3A, %select_n3A_151, %broadcast_in_dim3A_877], %mul3A_883 : memref<8x8x129xf32, #tpu.memory_space<vmem>>[vector<16xi32>, vector<16xi32>, vector<16xi32>], vector<16xf32>,
        %get3A_884 = arith.index_cast %add3A_876 : i32 to index
        %get3A_885 = arith.constant 16 : index
        %get3A_886 = tpu.vector_load %arg8[%get3A_884, %get3A_885] {strides = array<i32>} : memref<128x64xf32, #tpu.memory_space<vmem>>, vector<16xf32>,
        %mul3A_887 = arith.constant 8.000000e+00 : f32
        %mul3A_888 = vector.broadcast %mul3A_887 : f32 to vector<16xf32>
        %mul3A_889 = arith.mulf %get3A_886, %mul3A_888 : vector<16xf32>
        tpu.vector_store_idx %arg13[%select_n3A_60, %select_n3A_176, %broadcast_in_dim3A_877], %mul3A_889 : memref<8x8x129xf32, #tpu.memory_space<vmem>>[vector<16xi32>, vector<16xi32>, vector<16xi32>], vector<16xf32>,
        %get3A_890 = arith.index_cast %add3A_876 : i32 to index
        %get3A_891 = arith.constant 32 : index
        %get3A_892 = tpu.vector_load %arg8[%get3A_890, %get3A_891] {strides = array<i32>} : memref<128x64xf32, #tpu.memory_space<vmem>>, vector<16xf32>,
        %mul3A_893 = arith.constant 8.000000e+00 : f32
        %mul3A_894 = vector.broadcast %mul3A_893 : f32 to vector<16xf32>
        %mul3A_895 = arith.mulf %get3A_892, %mul3A_894 : vector<16xf32>
        tpu.vector_store_idx %arg13[%select_n3A_94, %select_n3A_201, %broadcast_in_dim3A_877], %mul3A_895 : memref<8x8x129xf32, #tpu.memory_space<vmem>>[vector<16xi32>, vector<16xi32>, vector<16xi32>], vector<16xf32>,
        %get3A_896 = arith.index_cast %add3A_876 : i32 to index
        %get3A_897 = arith.constant 48 : index
        %get3A_898 = tpu.vector_load %arg8[%get3A_896, %get3A_897] {strides = array<i32>} : memref<128x64xf32, #tpu.memory_space<vmem>>, vector<16xf32>,
        %mul3A_899 = arith.constant 8.000000e+00 : f32
        %mul3A_900 = vector.broadcast %mul3A_899 : f32 to vector<16xf32>
        %mul3A_901 = arith.mulf %get3A_898, %mul3A_900 : vector<16xf32>
        tpu.vector_store_idx %arg13[%select_n3A_128, %select_n3A_226, %broadcast_in_dim3A_877], %mul3A_901 : memref<8x8x129xf32, #tpu.memory_space<vmem>>[vector<16xi32>, vector<16xi32>, vector<16xi32>], vector<16xf32>,
      }
      %scan3A_591 = arith.constant 128 : i32
      %dma_start3A_592 = arith.constant 0 : i32
      %dma_start3A_593 = arith.constant 0 : i32
      %dma_start3A_594 = arith.constant 0 : i32
      %dma_start3A_595 = tpu.memref_slice %arg13[%dma_start3A_592, %dma_start3A_593, %dma_start3A_594] : memref<8x8x129xf32, #tpu.memory_space<vmem>> -> memref<8x8x128xf32, #tpu.memory_space<vmem>>
      %dma_start3A_596 = arith.constant 0 : i32
      %dma_start3A_597 = arith.constant 0 : i32
      %dma_start3A_598 = arith.constant 0 : i32
      %dma_start3A_599 = tpu.memref_slice %arg4[%add3A_535, %dma_start3A_596, %add3A, %dma_start3A_597, %dma_start3A_598] : memref<200x8x32x8x128xf32, #tpu.memory_space<hbm>> -> memref<1x8x1x8x128xf32, #tpu.memory_space<hbm>>
      %dma_start3A_600 = tpu.memref_squeeze %dma_start3A_599 : memref<1x8x1x8x128xf32, #tpu.memory_space<hbm>> -> memref<8x8x128xf32, #tpu.memory_space<hbm>>
      %dma_start3A_601 = arith.constant 0 : i32
      %dma_start3A_602 = arith.constant 0 : i32
      %dma_start3A_603 = arith.constant 0 : i32
      %dma_start3A_604 = tpu.memref_slice %arg4[%add3A_535, %dma_start3A_601, %add3A, %dma_start3A_602, %dma_start3A_603] : memref<200x8x32x8x128xf32, #tpu.memory_space<hbm>> -> memref<1x8x1x8x128xf32, #tpu.memory_space<hbm>>
      %dma_start3A_605 = tpu.memref_squeeze %dma_start3A_604 : memref<1x8x1x8x128xf32, #tpu.memory_space<hbm>> -> memref<8x8x128xf32, #tpu.memory_space<hbm>>
      %dma_start3A_606 = arith.constant 0 : i32
      %dma_start3A_607 = arith.constant 0 : i32
      %dma_start3A_608 = arith.constant 0 : i32
      %dma_start3A_609 = tpu.memref_slice %arg13[%dma_start3A_606, %dma_start3A_607, %dma_start3A_608] : memref<8x8x129xf32, #tpu.memory_space<vmem>> -> memref<8x8x128xf32, #tpu.memory_space<vmem>>
      tpu.enqueue_dma source(%dma_start3A_609 : memref<8x8x128xf32, #tpu.memory_space<vmem>>) target(%dma_start3A_605 : memref<8x8x128xf32, #tpu.memory_space<hbm>>) target_semaphore(%arg23 : memref<!tpu.dma_semaphore, #tpu.memory_space<semaphore_mem>>)
      %lt3A_610 = arith.constant 39 : i32
      %lt3A_611 = arith.cmpi slt, %add3A_368, %lt3A_610 : i32
      %convert_element_type3A_612 = arith.extui %lt3A_611 : i1 to i32
      %cond3A_613 = arith.constant 0 : i32
      %cond3A_614 = arith.cmpi ne, %convert_element_type3A_612, %cond3A_613 : i32
      scf.if %cond3A_614 {
        %add3A_781 = arith.constant 5 : i32
        %add3A_782 = arith.addi %add3A_535, %add3A_781 : i32
        %jit3A_783 = arith.constant 8 : i32
        %div3A_784 = arith.divsi %add3A_782, %jit3A_783 : i32
        %sign3A_785 = arith.constant 0 : i32
        %sign3A_786 = arith.cmpi sgt, %add3A_782, %sign3A_785 : i32
        %sign3A_787 = arith.extui %sign3A_786 : i1 to i32
        %sign3A_788 = arith.constant 0 : i32
        %sign3A_789 = arith.cmpi slt, %add3A_782, %sign3A_788 : i32
        %sign3A_790 = arith.extui %sign3A_789 : i1 to i32
        %sign3A_791 = arith.subi %sign3A_787, %sign3A_790 : i32
        %sign3A_792 = arith.constant 0 : i32
        %sign3A_793 = arith.cmpi sgt, %jit3A_783, %sign3A_792 : i32
        %sign3A_794 = arith.extui %sign3A_793 : i1 to i32
        %sign3A_795 = arith.constant 0 : i32
        %sign3A_796 = arith.cmpi slt, %jit3A_783, %sign3A_795 : i32
        %sign3A_797 = arith.extui %sign3A_796 : i1 to i32
        %sign3A_798 = arith.subi %sign3A_794, %sign3A_797 : i32
        %ne3A_799 = arith.cmpi ne, %sign3A_791, %sign3A_798 : i32
        %rem3A_800 = arith.remsi %add3A_782, %jit3A_783 : i32
        %ne3A_801 = arith.constant 0 : i32
        %ne3A_802 = arith.cmpi ne, %rem3A_800, %ne3A_801 : i32
        %and3A_803 = arith.andi %ne3A_799, %ne3A_802 : i1
        %sub3A_804 = arith.constant 1 : i32
        %sub3A_805 = arith.subi %div3A_784, %sub3A_804 : i32
        %select_n3A_806 = arith.select %and3A_803, %sub3A_805, %div3A_784 : i32
        %jit3A_807 = arith.constant 8 : i32
        %eq3A_808 = arith.constant 0 : i32
        %eq3A_809 = arith.cmpi eq, %jit3A_807, %eq3A_808 : i32
        %jit3A_810 = arith.constant 1 : i32
        %select_n3A_811 = arith.select %eq3A_809, %jit3A_810, %jit3A_807 : i32
        %rem3A_812 = arith.remsi %add3A_782, %select_n3A_811 : i32
        %ne3A_813 = arith.constant 0 : i32
        %ne3A_814 = arith.cmpi ne, %rem3A_812, %ne3A_813 : i32
        %lt3A_815 = arith.constant 0 : i32
        %lt3A_816 = arith.cmpi slt, %rem3A_812, %lt3A_815 : i32
        %lt3A_817 = arith.constant 0 : i32
        %lt3A_818 = arith.cmpi slt, %select_n3A_811, %lt3A_817 : i32
        %ne3A_819 = arith.xori %lt3A_816, %lt3A_818 : i1
        %and3A_820 = arith.andi %ne3A_819, %ne3A_814 : i1
        %add3A_821 = arith.addi %rem3A_812, %select_n3A_811 : i32
        %select_n3A_822 = arith.select %and3A_820, %add3A_821, %rem3A_812 : i32
        %dma_start3A_823 = arith.constant 0 : i32
        %dma_start3A_824 = tpu.memref_slice %arg5[%select_n3A_806, %select_n3A_822, %dma_start3A_823] : memref<25x8x128xi32, #tpu.memory_space<vmem>> -> memref<1x1x128xi32, #tpu.memory_space<vmem>>
        %dma_start3A_825 = tpu.memref_squeeze %dma_start3A_824 : memref<1x1x128xi32, #tpu.memory_space<vmem>> -> memref<128xi32, #tpu.memory_space<vmem>>
        %dma_start3A_826 = arith.constant 0 : i32
        %dma_start3A_827 = arith.constant 0 : i32
        %dma_start3A_828 = tpu.memref_slice %arg3[%dma_start3A_826, %dma_start3A_827] : memref<1000000x64xf32, #tpu.memory_space<hbm>> -> memref<1000000x64xf32, #tpu.memory_space<hbm>>
        tpu.enqueue_indirect_dma source(%dma_start3A_828 : memref<1000000x64xf32, #tpu.memory_space<hbm>>) target(%arg8 : memref<128x64xf32, #tpu.memory_space<vmem>>) offsets(%dma_start3A_825 : memref<128xi32, #tpu.memory_space<vmem>>) semaphore(%arg18 : memref<!tpu.dma_semaphore, #tpu.memory_space<semaphore_mem>>)
      } else {
      }
      %mul3A_615 = arith.constant 5 : i32
      %mul3A_616 = arith.muli %add3A_368, %mul3A_615 : i32
      %add3A_617 = arith.constant 3 : i32
      %add3A_618 = arith.addi %mul3A_616, %add3A_617 : i32
      %jit3A_619 = arith.constant 8 : i32
      %div3A_620 = arith.divsi %add3A_618, %jit3A_619 : i32
      %sign3A_621 = arith.constant 0 : i32
      %sign3A_622 = arith.cmpi sgt, %add3A_618, %sign3A_621 : i32
      %sign3A_623 = arith.extui %sign3A_622 : i1 to i32
      %sign3A_624 = arith.constant 0 : i32
      %sign3A_625 = arith.cmpi slt, %add3A_618, %sign3A_624 : i32
      %sign3A_626 = arith.extui %sign3A_625 : i1 to i32
      %sign3A_627 = arith.subi %sign3A_623, %sign3A_626 : i32
      %sign3A_628 = arith.constant 0 : i32
      %sign3A_629 = arith.cmpi sgt, %jit3A_619, %sign3A_628 : i32
      %sign3A_630 = arith.extui %sign3A_629 : i1 to i32
      %sign3A_631 = arith.constant 0 : i32
      %sign3A_632 = arith.cmpi slt, %jit3A_619, %sign3A_631 : i32
      %sign3A_633 = arith.extui %sign3A_632 : i1 to i32
      %sign3A_634 = arith.subi %sign3A_630, %sign3A_633 : i32
      %ne3A_635 = arith.cmpi ne, %sign3A_627, %sign3A_634 : i32
      %rem3A_636 = arith.remsi %add3A_618, %jit3A_619 : i32
      %ne3A_637 = arith.constant 0 : i32
      %ne3A_638 = arith.cmpi ne, %rem3A_636, %ne3A_637 : i32
      %and3A_639 = arith.andi %ne3A_635, %ne3A_638 : i1
      %sub3A_640 = arith.constant 1 : i32
      %sub3A_641 = arith.subi %div3A_620, %sub3A_640 : i32
      %select_n3A_642 = arith.select %and3A_639, %sub3A_641, %div3A_620 : i32
      %jit3A_643 = arith.constant 8 : i32
      %eq3A_644 = arith.constant 0 : i32
      %eq3A_645 = arith.cmpi eq, %jit3A_643, %eq3A_644 : i32
      %jit3A_646 = arith.constant 1 : i32
      %select_n3A_647 = arith.select %eq3A_645, %jit3A_646, %jit3A_643 : i32
      %rem3A_648 = arith.remsi %add3A_618, %select_n3A_647 : i32
      %ne3A_649 = arith.constant 0 : i32
      %ne3A_650 = arith.cmpi ne, %rem3A_648, %ne3A_649 : i32
      %lt3A_651 = arith.constant 0 : i32
      %lt3A_652 = arith.cmpi slt, %rem3A_648, %lt3A_651 : i32
      %lt3A_653 = arith.constant 0 : i32
      %lt3A_654 = arith.cmpi slt, %select_n3A_647, %lt3A_653 : i32
      %ne3A_655 = arith.xori %lt3A_652, %lt3A_654 : i1
      %and3A_656 = arith.andi %ne3A_655, %ne3A_650 : i1
      %add3A_657 = arith.addi %rem3A_648, %select_n3A_647 : i32
      %select_n3A_658 = arith.select %and3A_656, %add3A_657, %rem3A_648 : i32
      %dma_wait3A_659 = arith.constant 0 : i32
      %dma_wait3A_660 = tpu.memref_slice %arg5[%select_n3A_642, %select_n3A_658, %dma_wait3A_659] : memref<25x8x128xi32, #tpu.memory_space<vmem>> -> memref<1x1x128xi32, #tpu.memory_space<vmem>>
      %dma_wait3A_661 = tpu.memref_squeeze %dma_wait3A_660 : memref<1x1x128xi32, #tpu.memory_space<vmem>> -> memref<128xi32, #tpu.memory_space<vmem>>
      %dma_wait3A_662 = arith.constant 0 : i32
      %dma_wait3A_663 = arith.constant 0 : i32
      %dma_wait3A_664 = tpu.memref_slice %arg3[%dma_wait3A_662, %dma_wait3A_663] : memref<1000000x64xf32, #tpu.memory_space<hbm>> -> memref<1000000x64xf32, #tpu.memory_space<hbm>>
      tpu.wait_indirect_dma semaphore(%arg19 : memref<!tpu.dma_semaphore, #tpu.memory_space<semaphore_mem>>) src(%dma_wait3A_664 : memref<1000000x64xf32, #tpu.memory_space<hbm>>) dst(%arg9 : memref<128x64xf32, #tpu.memory_space<vmem>>)
      %gt3A_665 = arith.constant 0 : i32
      %gt3A_666 = arith.cmpi sgt, %add3A_368, %gt3A_665 : i32
      %convert_element_type3A_667 = arith.extui %gt3A_666 : i1 to i32
      %cond3A_668 = arith.constant 0 : i32
      %cond3A_669 = arith.cmpi ne, %convert_element_type3A_667, %cond3A_668 : i32
      scf.if %cond3A_669 {
        %sub3A_781 = arith.constant 5 : i32
        %sub3A_782 = arith.subi %add3A_618, %sub3A_781 : i32
        %dma_wait3A_783 = arith.constant 0 : i32
        %dma_wait3A_784 = arith.constant 0 : i32
        %dma_wait3A_785 = arith.constant 0 : i32
        %dma_wait3A_786 = tpu.memref_slice %arg14[%dma_wait3A_783, %dma_wait3A_784, %dma_wait3A_785] : memref<8x8x129xf32, #tpu.memory_space<vmem>> -> memref<8x8x128xf32, #tpu.memory_space<vmem>>
        %dma_wait3A_787 = arith.constant 0 : i32
        %dma_wait3A_788 = arith.constant 0 : i32
        %dma_wait3A_789 = arith.constant 0 : i32
        %dma_wait3A_790 = tpu.memref_slice %arg4[%sub3A_782, %dma_wait3A_787, %add3A, %dma_wait3A_788, %dma_wait3A_789] : memref<200x8x32x8x128xf32, #tpu.memory_space<hbm>> -> memref<1x8x1x8x128xf32, #tpu.memory_space<hbm>>
        %dma_wait3A_791 = tpu.memref_squeeze %dma_wait3A_790 : memref<1x8x1x8x128xf32, #tpu.memory_space<hbm>> -> memref<8x8x128xf32, #tpu.memory_space<hbm>>
        %dma_wait3A_792 = arith.constant 0 : i32
        %dma_wait3A_793 = arith.constant 0 : i32
        %dma_wait3A_794 = arith.constant 0 : i32
        %dma_wait3A_795 = tpu.memref_slice %arg4[%sub3A_782, %dma_wait3A_792, %add3A, %dma_wait3A_793, %dma_wait3A_794] : memref<200x8x32x8x128xf32, #tpu.memory_space<hbm>> -> memref<1x8x1x8x128xf32, #tpu.memory_space<hbm>>
        %dma_wait3A_796 = tpu.memref_squeeze %dma_wait3A_795 : memref<1x8x1x8x128xf32, #tpu.memory_space<hbm>> -> memref<8x8x128xf32, #tpu.memory_space<hbm>>
        %dma_wait3A_797 = arith.constant 0 : i32
        %dma_wait3A_798 = arith.constant 0 : i32
        %dma_wait3A_799 = arith.constant 0 : i32
        %dma_wait3A_800 = tpu.memref_slice %arg14[%dma_wait3A_797, %dma_wait3A_798, %dma_wait3A_799] : memref<8x8x129xf32, #tpu.memory_space<vmem>> -> memref<8x8x128xf32, #tpu.memory_space<vmem>>
        tpu.wait_dma2 semaphore(%arg24 : memref<!tpu.dma_semaphore, #tpu.memory_space<semaphore_mem>>) src(%dma_wait3A_800 : memref<8x8x128xf32, #tpu.memory_space<vmem>>) dst(%dma_wait3A_796 : memref<8x8x128xf32, #tpu.memory_space<hbm>>)
      } else {
      }
      %scan3A_670 = arith.constant 0 : i32
      %scan3A_671 = arith.constant 128 : i32
      %scan3A_672 = arith.addi %scan3A_670, %scan3A_671 : i32
      %scan3A_673 = arith.constant 4 : i32
      scf.for %scan3A_781 = %scan3A_670 to %scan3A_672 step %scan3A_673  : i32 {
        %mul3A_782 = arith.constant 1 : i32
        %mul3A_783 = arith.muli %scan3A_781, %mul3A_782 : i32
        %add3A_784 = arith.constant 0 : i32
        %add3A_785 = arith.addi %add3A_784, %mul3A_783 : i32
        %broadcast_in_dim3A = vector.broadcast %add3A_785 : i32 to vector<16xi32>
        %get3A = arith.index_cast %add3A_785 : i32 to index
        %get3A_786 = arith.constant 0 : index
        %get3A_787 = tpu.vector_load %arg9[%get3A, %get3A_786] {strides = array<i32>} : memref<128x64xf32, #tpu.memory_space<vmem>>, vector<16xf32>,
        %mul3A_788 = arith.constant 8.000000e+00 : f32
        %mul3A_789 = vector.broadcast %mul3A_788 : f32 to vector<16xf32>
        %mul3A_790 = arith.mulf %get3A_787, %mul3A_789 : vector<16xf32>
        tpu.vector_store_idx %arg14[%select_n3A, %select_n3A_151, %broadcast_in_dim3A], %mul3A_790 : memref<8x8x129xf32, #tpu.memory_space<vmem>>[vector<16xi32>, vector<16xi32>, vector<16xi32>], vector<16xf32>,
        %get3A_791 = arith.index_cast %add3A_785 : i32 to index
        %get3A_792 = arith.constant 16 : index
        %get3A_793 = tpu.vector_load %arg9[%get3A_791, %get3A_792] {strides = array<i32>} : memref<128x64xf32, #tpu.memory_space<vmem>>, vector<16xf32>,
        %mul3A_794 = arith.constant 8.000000e+00 : f32
        %mul3A_795 = vector.broadcast %mul3A_794 : f32 to vector<16xf32>
        %mul3A_796 = arith.mulf %get3A_793, %mul3A_795 : vector<16xf32>
        tpu.vector_store_idx %arg14[%select_n3A_60, %select_n3A_176, %broadcast_in_dim3A], %mul3A_796 : memref<8x8x129xf32, #tpu.memory_space<vmem>>[vector<16xi32>, vector<16xi32>, vector<16xi32>], vector<16xf32>,
        %get3A_797 = arith.index_cast %add3A_785 : i32 to index
        %get3A_798 = arith.constant 32 : index
        %get3A_799 = tpu.vector_load %arg9[%get3A_797, %get3A_798] {strides = array<i32>} : memref<128x64xf32, #tpu.memory_space<vmem>>, vector<16xf32>,
        %mul3A_800 = arith.constant 8.000000e+00 : f32
        %mul3A_801 = vector.broadcast %mul3A_800 : f32 to vector<16xf32>
        %mul3A_802 = arith.mulf %get3A_799, %mul3A_801 : vector<16xf32>
        tpu.vector_store_idx %arg14[%select_n3A_94, %select_n3A_201, %broadcast_in_dim3A], %mul3A_802 : memref<8x8x129xf32, #tpu.memory_space<vmem>>[vector<16xi32>, vector<16xi32>, vector<16xi32>], vector<16xf32>,
        %get3A_803 = arith.index_cast %add3A_785 : i32 to index
        %get3A_804 = arith.constant 48 : index
        %get3A_805 = tpu.vector_load %arg9[%get3A_803, %get3A_804] {strides = array<i32>} : memref<128x64xf32, #tpu.memory_space<vmem>>, vector<16xf32>,
        %mul3A_806 = arith.constant 8.000000e+00 : f32
        %mul3A_807 = vector.broadcast %mul3A_806 : f32 to vector<16xf32>
        %mul3A_808 = arith.mulf %get3A_805, %mul3A_807 : vector<16xf32>
        tpu.vector_store_idx %arg14[%select_n3A_128, %select_n3A_226, %broadcast_in_dim3A], %mul3A_808 : memref<8x8x129xf32, #tpu.memory_space<vmem>>[vector<16xi32>, vector<16xi32>, vector<16xi32>], vector<16xf32>,
        %scan3A_809 = arith.constant 1 : i32
        %scan3A_810 = arith.addi %scan3A_781, %scan3A_809 : i32
        %mul3A_811 = arith.constant 1 : i32
        %mul3A_812 = arith.muli %scan3A_810, %mul3A_811 : i32
        %add3A_813 = arith.constant 0 : i32
        %add3A_814 = arith.addi %add3A_813, %mul3A_812 : i32
        %broadcast_in_dim3A_815 = vector.broadcast %add3A_814 : i32 to vector<16xi32>
        %get3A_816 = arith.index_cast %add3A_814 : i32 to index
        %get3A_817 = arith.constant 0 : index
        %get3A_818 = tpu.vector_load %arg9[%get3A_816, %get3A_817] {strides = array<i32>} : memref<128x64xf32, #tpu.memory_space<vmem>>, vector<16xf32>,
        %mul3A_819 = arith.constant 8.000000e+00 : f32
        %mul3A_820 = vector.broadcast %mul3A_819 : f32 to vector<16xf32>
        %mul3A_821 = arith.mulf %get3A_818, %mul3A_820 : vector<16xf32>
        tpu.vector_store_idx %arg14[%select_n3A, %select_n3A_151, %broadcast_in_dim3A_815], %mul3A_821 : memref<8x8x129xf32, #tpu.memory_space<vmem>>[vector<16xi32>, vector<16xi32>, vector<16xi32>], vector<16xf32>,
        %get3A_822 = arith.index_cast %add3A_814 : i32 to index
        %get3A_823 = arith.constant 16 : index
        %get3A_824 = tpu.vector_load %arg9[%get3A_822, %get3A_823] {strides = array<i32>} : memref<128x64xf32, #tpu.memory_space<vmem>>, vector<16xf32>,
        %mul3A_825 = arith.constant 8.000000e+00 : f32
        %mul3A_826 = vector.broadcast %mul3A_825 : f32 to vector<16xf32>
        %mul3A_827 = arith.mulf %get3A_824, %mul3A_826 : vector<16xf32>
        tpu.vector_store_idx %arg14[%select_n3A_60, %select_n3A_176, %broadcast_in_dim3A_815], %mul3A_827 : memref<8x8x129xf32, #tpu.memory_space<vmem>>[vector<16xi32>, vector<16xi32>, vector<16xi32>], vector<16xf32>,
        %get3A_828 = arith.index_cast %add3A_814 : i32 to index
        %get3A_829 = arith.constant 32 : index
        %get3A_830 = tpu.vector_load %arg9[%get3A_828, %get3A_829] {strides = array<i32>} : memref<128x64xf32, #tpu.memory_space<vmem>>, vector<16xf32>,
        %mul3A_831 = arith.constant 8.000000e+00 : f32
        %mul3A_832 = vector.broadcast %mul3A_831 : f32 to vector<16xf32>
        %mul3A_833 = arith.mulf %get3A_830, %mul3A_832 : vector<16xf32>
        tpu.vector_store_idx %arg14[%select_n3A_94, %select_n3A_201, %broadcast_in_dim3A_815], %mul3A_833 : memref<8x8x129xf32, #tpu.memory_space<vmem>>[vector<16xi32>, vector<16xi32>, vector<16xi32>], vector<16xf32>,
        %get3A_834 = arith.index_cast %add3A_814 : i32 to index
        %get3A_835 = arith.constant 48 : index
        %get3A_836 = tpu.vector_load %arg9[%get3A_834, %get3A_835] {strides = array<i32>} : memref<128x64xf32, #tpu.memory_space<vmem>>, vector<16xf32>,
        %mul3A_837 = arith.constant 8.000000e+00 : f32
        %mul3A_838 = vector.broadcast %mul3A_837 : f32 to vector<16xf32>
        %mul3A_839 = arith.mulf %get3A_836, %mul3A_838 : vector<16xf32>
        tpu.vector_store_idx %arg14[%select_n3A_128, %select_n3A_226, %broadcast_in_dim3A_815], %mul3A_839 : memref<8x8x129xf32, #tpu.memory_space<vmem>>[vector<16xi32>, vector<16xi32>, vector<16xi32>], vector<16xf32>,
        %scan3A_840 = arith.constant 2 : i32
        %scan3A_841 = arith.addi %scan3A_781, %scan3A_840 : i32
        %mul3A_842 = arith.constant 1 : i32
        %mul3A_843 = arith.muli %scan3A_841, %mul3A_842 : i32
        %add3A_844 = arith.constant 0 : i32
        %add3A_845 = arith.addi %add3A_844, %mul3A_843 : i32
        %broadcast_in_dim3A_846 = vector.broadcast %add3A_845 : i32 to vector<16xi32>
        %get3A_847 = arith.index_cast %add3A_845 : i32 to index
        %get3A_848 = arith.constant 0 : index
        %get3A_849 = tpu.vector_load %arg9[%get3A_847, %get3A_848] {strides = array<i32>} : memref<128x64xf32, #tpu.memory_space<vmem>>, vector<16xf32>,
        %mul3A_850 = arith.constant 8.000000e+00 : f32
        %mul3A_851 = vector.broadcast %mul3A_850 : f32 to vector<16xf32>
        %mul3A_852 = arith.mulf %get3A_849, %mul3A_851 : vector<16xf32>
        tpu.vector_store_idx %arg14[%select_n3A, %select_n3A_151, %broadcast_in_dim3A_846], %mul3A_852 : memref<8x8x129xf32, #tpu.memory_space<vmem>>[vector<16xi32>, vector<16xi32>, vector<16xi32>], vector<16xf32>,
        %get3A_853 = arith.index_cast %add3A_845 : i32 to index
        %get3A_854 = arith.constant 16 : index
        %get3A_855 = tpu.vector_load %arg9[%get3A_853, %get3A_854] {strides = array<i32>} : memref<128x64xf32, #tpu.memory_space<vmem>>, vector<16xf32>,
        %mul3A_856 = arith.constant 8.000000e+00 : f32
        %mul3A_857 = vector.broadcast %mul3A_856 : f32 to vector<16xf32>
        %mul3A_858 = arith.mulf %get3A_855, %mul3A_857 : vector<16xf32>
        tpu.vector_store_idx %arg14[%select_n3A_60, %select_n3A_176, %broadcast_in_dim3A_846], %mul3A_858 : memref<8x8x129xf32, #tpu.memory_space<vmem>>[vector<16xi32>, vector<16xi32>, vector<16xi32>], vector<16xf32>,
        %get3A_859 = arith.index_cast %add3A_845 : i32 to index
        %get3A_860 = arith.constant 32 : index
        %get3A_861 = tpu.vector_load %arg9[%get3A_859, %get3A_860] {strides = array<i32>} : memref<128x64xf32, #tpu.memory_space<vmem>>, vector<16xf32>,
        %mul3A_862 = arith.constant 8.000000e+00 : f32
        %mul3A_863 = vector.broadcast %mul3A_862 : f32 to vector<16xf32>
        %mul3A_864 = arith.mulf %get3A_861, %mul3A_863 : vector<16xf32>
        tpu.vector_store_idx %arg14[%select_n3A_94, %select_n3A_201, %broadcast_in_dim3A_846], %mul3A_864 : memref<8x8x129xf32, #tpu.memory_space<vmem>>[vector<16xi32>, vector<16xi32>, vector<16xi32>], vector<16xf32>,
        %get3A_865 = arith.index_cast %add3A_845 : i32 to index
        %get3A_866 = arith.constant 48 : index
        %get3A_867 = tpu.vector_load %arg9[%get3A_865, %get3A_866] {strides = array<i32>} : memref<128x64xf32, #tpu.memory_space<vmem>>, vector<16xf32>,
        %mul3A_868 = arith.constant 8.000000e+00 : f32
        %mul3A_869 = vector.broadcast %mul3A_868 : f32 to vector<16xf32>
        %mul3A_870 = arith.mulf %get3A_867, %mul3A_869 : vector<16xf32>
        tpu.vector_store_idx %arg14[%select_n3A_128, %select_n3A_226, %broadcast_in_dim3A_846], %mul3A_870 : memref<8x8x129xf32, #tpu.memory_space<vmem>>[vector<16xi32>, vector<16xi32>, vector<16xi32>], vector<16xf32>,
        %scan3A_871 = arith.constant 3 : i32
        %scan3A_872 = arith.addi %scan3A_781, %scan3A_871 : i32
        %mul3A_873 = arith.constant 1 : i32
        %mul3A_874 = arith.muli %scan3A_872, %mul3A_873 : i32
        %add3A_875 = arith.constant 0 : i32
        %add3A_876 = arith.addi %add3A_875, %mul3A_874 : i32
        %broadcast_in_dim3A_877 = vector.broadcast %add3A_876 : i32 to vector<16xi32>
        %get3A_878 = arith.index_cast %add3A_876 : i32 to index
        %get3A_879 = arith.constant 0 : index
        %get3A_880 = tpu.vector_load %arg9[%get3A_878, %get3A_879] {strides = array<i32>} : memref<128x64xf32, #tpu.memory_space<vmem>>, vector<16xf32>,
        %mul3A_881 = arith.constant 8.000000e+00 : f32
        %mul3A_882 = vector.broadcast %mul3A_881 : f32 to vector<16xf32>
        %mul3A_883 = arith.mulf %get3A_880, %mul3A_882 : vector<16xf32>
        tpu.vector_store_idx %arg14[%select_n3A, %select_n3A_151, %broadcast_in_dim3A_877], %mul3A_883 : memref<8x8x129xf32, #tpu.memory_space<vmem>>[vector<16xi32>, vector<16xi32>, vector<16xi32>], vector<16xf32>,
        %get3A_884 = arith.index_cast %add3A_876 : i32 to index
        %get3A_885 = arith.constant 16 : index
        %get3A_886 = tpu.vector_load %arg9[%get3A_884, %get3A_885] {strides = array<i32>} : memref<128x64xf32, #tpu.memory_space<vmem>>, vector<16xf32>,
        %mul3A_887 = arith.constant 8.000000e+00 : f32
        %mul3A_888 = vector.broadcast %mul3A_887 : f32 to vector<16xf32>
        %mul3A_889 = arith.mulf %get3A_886, %mul3A_888 : vector<16xf32>
        tpu.vector_store_idx %arg14[%select_n3A_60, %select_n3A_176, %broadcast_in_dim3A_877], %mul3A_889 : memref<8x8x129xf32, #tpu.memory_space<vmem>>[vector<16xi32>, vector<16xi32>, vector<16xi32>], vector<16xf32>,
        %get3A_890 = arith.index_cast %add3A_876 : i32 to index
        %get3A_891 = arith.constant 32 : index
        %get3A_892 = tpu.vector_load %arg9[%get3A_890, %get3A_891] {strides = array<i32>} : memref<128x64xf32, #tpu.memory_space<vmem>>, vector<16xf32>,
        %mul3A_893 = arith.constant 8.000000e+00 : f32
        %mul3A_894 = vector.broadcast %mul3A_893 : f32 to vector<16xf32>
        %mul3A_895 = arith.mulf %get3A_892, %mul3A_894 : vector<16xf32>
        tpu.vector_store_idx %arg14[%select_n3A_94, %select_n3A_201, %broadcast_in_dim3A_877], %mul3A_895 : memref<8x8x129xf32, #tpu.memory_space<vmem>>[vector<16xi32>, vector<16xi32>, vector<16xi32>], vector<16xf32>,
        %get3A_896 = arith.index_cast %add3A_876 : i32 to index
        %get3A_897 = arith.constant 48 : index
        %get3A_898 = tpu.vector_load %arg9[%get3A_896, %get3A_897] {strides = array<i32>} : memref<128x64xf32, #tpu.memory_space<vmem>>, vector<16xf32>,
        %mul3A_899 = arith.constant 8.000000e+00 : f32
        %mul3A_900 = vector.broadcast %mul3A_899 : f32 to vector<16xf32>
        %mul3A_901 = arith.mulf %get3A_898, %mul3A_900 : vector<16xf32>
        tpu.vector_store_idx %arg14[%select_n3A_128, %select_n3A_226, %broadcast_in_dim3A_877], %mul3A_901 : memref<8x8x129xf32, #tpu.memory_space<vmem>>[vector<16xi32>, vector<16xi32>, vector<16xi32>], vector<16xf32>,
      }
      %scan3A_674 = arith.constant 128 : i32
      %dma_start3A_675 = arith.constant 0 : i32
      %dma_start3A_676 = arith.constant 0 : i32
      %dma_start3A_677 = arith.constant 0 : i32
      %dma_start3A_678 = tpu.memref_slice %arg14[%dma_start3A_675, %dma_start3A_676, %dma_start3A_677] : memref<8x8x129xf32, #tpu.memory_space<vmem>> -> memref<8x8x128xf32, #tpu.memory_space<vmem>>
      %dma_start3A_679 = arith.constant 0 : i32
      %dma_start3A_680 = arith.constant 0 : i32
      %dma_start3A_681 = arith.constant 0 : i32
      %dma_start3A_682 = tpu.memref_slice %arg4[%add3A_618, %dma_start3A_679, %add3A, %dma_start3A_680, %dma_start3A_681] : memref<200x8x32x8x128xf32, #tpu.memory_space<hbm>> -> memref<1x8x1x8x128xf32, #tpu.memory_space<hbm>>
      %dma_start3A_683 = tpu.memref_squeeze %dma_start3A_682 : memref<1x8x1x8x128xf32, #tpu.memory_space<hbm>> -> memref<8x8x128xf32, #tpu.memory_space<hbm>>
      %dma_start3A_684 = arith.constant 0 : i32
      %dma_start3A_685 = arith.constant 0 : i32
      %dma_start3A_686 = arith.constant 0 : i32
      %dma_start3A_687 = tpu.memref_slice %arg4[%add3A_618, %dma_start3A_684, %add3A, %dma_start3A_685, %dma_start3A_686] : memref<200x8x32x8x128xf32, #tpu.memory_space<hbm>> -> memref<1x8x1x8x128xf32, #tpu.memory_space<hbm>>
      %dma_start3A_688 = tpu.memref_squeeze %dma_start3A_687 : memref<1x8x1x8x128xf32, #tpu.memory_space<hbm>> -> memref<8x8x128xf32, #tpu.memory_space<hbm>>
      %dma_start3A_689 = arith.constant 0 : i32
      %dma_start3A_690 = arith.constant 0 : i32
      %dma_start3A_691 = arith.constant 0 : i32
      %dma_start3A_692 = tpu.memref_slice %arg14[%dma_start3A_689, %dma_start3A_690, %dma_start3A_691] : memref<8x8x129xf32, #tpu.memory_space<vmem>> -> memref<8x8x128xf32, #tpu.memory_space<vmem>>
      tpu.enqueue_dma source(%dma_start3A_692 : memref<8x8x128xf32, #tpu.memory_space<vmem>>) target(%dma_start3A_688 : memref<8x8x128xf32, #tpu.memory_space<hbm>>) target_semaphore(%arg24 : memref<!tpu.dma_semaphore, #tpu.memory_space<semaphore_mem>>)
      %lt3A_693 = arith.constant 39 : i32
      %lt3A_694 = arith.cmpi slt, %add3A_368, %lt3A_693 : i32
      %convert_element_type3A_695 = arith.extui %lt3A_694 : i1 to i32
      %cond3A_696 = arith.constant 0 : i32
      %cond3A_697 = arith.cmpi ne, %convert_element_type3A_695, %cond3A_696 : i32
      scf.if %cond3A_697 {
        %add3A_781 = arith.constant 5 : i32
        %add3A_782 = arith.addi %add3A_618, %add3A_781 : i32
        %jit3A_783 = arith.constant 8 : i32
        %div3A_784 = arith.divsi %add3A_782, %jit3A_783 : i32
        %sign3A_785 = arith.constant 0 : i32
        %sign3A_786 = arith.cmpi sgt, %add3A_782, %sign3A_785 : i32
        %sign3A_787 = arith.extui %sign3A_786 : i1 to i32
        %sign3A_788 = arith.constant 0 : i32
        %sign3A_789 = arith.cmpi slt, %add3A_782, %sign3A_788 : i32
        %sign3A_790 = arith.extui %sign3A_789 : i1 to i32
        %sign3A_791 = arith.subi %sign3A_787, %sign3A_790 : i32
        %sign3A_792 = arith.constant 0 : i32
        %sign3A_793 = arith.cmpi sgt, %jit3A_783, %sign3A_792 : i32
        %sign3A_794 = arith.extui %sign3A_793 : i1 to i32
        %sign3A_795 = arith.constant 0 : i32
        %sign3A_796 = arith.cmpi slt, %jit3A_783, %sign3A_795 : i32
        %sign3A_797 = arith.extui %sign3A_796 : i1 to i32
        %sign3A_798 = arith.subi %sign3A_794, %sign3A_797 : i32
        %ne3A_799 = arith.cmpi ne, %sign3A_791, %sign3A_798 : i32
        %rem3A_800 = arith.remsi %add3A_782, %jit3A_783 : i32
        %ne3A_801 = arith.constant 0 : i32
        %ne3A_802 = arith.cmpi ne, %rem3A_800, %ne3A_801 : i32
        %and3A_803 = arith.andi %ne3A_799, %ne3A_802 : i1
        %sub3A_804 = arith.constant 1 : i32
        %sub3A_805 = arith.subi %div3A_784, %sub3A_804 : i32
        %select_n3A_806 = arith.select %and3A_803, %sub3A_805, %div3A_784 : i32
        %jit3A_807 = arith.constant 8 : i32
        %eq3A_808 = arith.constant 0 : i32
        %eq3A_809 = arith.cmpi eq, %jit3A_807, %eq3A_808 : i32
        %jit3A_810 = arith.constant 1 : i32
        %select_n3A_811 = arith.select %eq3A_809, %jit3A_810, %jit3A_807 : i32
        %rem3A_812 = arith.remsi %add3A_782, %select_n3A_811 : i32
        %ne3A_813 = arith.constant 0 : i32
        %ne3A_814 = arith.cmpi ne, %rem3A_812, %ne3A_813 : i32
        %lt3A_815 = arith.constant 0 : i32
        %lt3A_816 = arith.cmpi slt, %rem3A_812, %lt3A_815 : i32
        %lt3A_817 = arith.constant 0 : i32
        %lt3A_818 = arith.cmpi slt, %select_n3A_811, %lt3A_817 : i32
        %ne3A_819 = arith.xori %lt3A_816, %lt3A_818 : i1
        %and3A_820 = arith.andi %ne3A_819, %ne3A_814 : i1
        %add3A_821 = arith.addi %rem3A_812, %select_n3A_811 : i32
        %select_n3A_822 = arith.select %and3A_820, %add3A_821, %rem3A_812 : i32
        %dma_start3A_823 = arith.constant 0 : i32
        %dma_start3A_824 = tpu.memref_slice %arg5[%select_n3A_806, %select_n3A_822, %dma_start3A_823] : memref<25x8x128xi32, #tpu.memory_space<vmem>> -> memref<1x1x128xi32, #tpu.memory_space<vmem>>
        %dma_start3A_825 = tpu.memref_squeeze %dma_start3A_824 : memref<1x1x128xi32, #tpu.memory_space<vmem>> -> memref<128xi32, #tpu.memory_space<vmem>>
        %dma_start3A_826 = arith.constant 0 : i32
        %dma_start3A_827 = arith.constant 0 : i32
        %dma_start3A_828 = tpu.memref_slice %arg3[%dma_start3A_826, %dma_start3A_827] : memref<1000000x64xf32, #tpu.memory_space<hbm>> -> memref<1000000x64xf32, #tpu.memory_space<hbm>>
        tpu.enqueue_indirect_dma source(%dma_start3A_828 : memref<1000000x64xf32, #tpu.memory_space<hbm>>) target(%arg9 : memref<128x64xf32, #tpu.memory_space<vmem>>) offsets(%dma_start3A_825 : memref<128xi32, #tpu.memory_space<vmem>>) semaphore(%arg19 : memref<!tpu.dma_semaphore, #tpu.memory_space<semaphore_mem>>)
      } else {
      }
      %mul3A_698 = arith.constant 5 : i32
      %mul3A_699 = arith.muli %add3A_368, %mul3A_698 : i32
      %add3A_700 = arith.constant 4 : i32
      %add3A_701 = arith.addi %mul3A_699, %add3A_700 : i32
      %jit3A_702 = arith.constant 8 : i32
      %div3A_703 = arith.divsi %add3A_701, %jit3A_702 : i32
      %sign3A_704 = arith.constant 0 : i32
      %sign3A_705 = arith.cmpi sgt, %add3A_701, %sign3A_704 : i32
      %sign3A_706 = arith.extui %sign3A_705 : i1 to i32
      %sign3A_707 = arith.constant 0 : i32
      %sign3A_708 = arith.cmpi slt, %add3A_701, %sign3A_707 : i32
      %sign3A_709 = arith.extui %sign3A_708 : i1 to i32
      %sign3A_710 = arith.subi %sign3A_706, %sign3A_709 : i32
      %sign3A_711 = arith.constant 0 : i32
      %sign3A_712 = arith.cmpi sgt, %jit3A_702, %sign3A_711 : i32
      %sign3A_713 = arith.extui %sign3A_712 : i1 to i32
      %sign3A_714 = arith.constant 0 : i32
      %sign3A_715 = arith.cmpi slt, %jit3A_702, %sign3A_714 : i32
      %sign3A_716 = arith.extui %sign3A_715 : i1 to i32
      %sign3A_717 = arith.subi %sign3A_713, %sign3A_716 : i32
      %ne3A_718 = arith.cmpi ne, %sign3A_710, %sign3A_717 : i32
      %rem3A_719 = arith.remsi %add3A_701, %jit3A_702 : i32
      %ne3A_720 = arith.constant 0 : i32
      %ne3A_721 = arith.cmpi ne, %rem3A_719, %ne3A_720 : i32
      %and3A_722 = arith.andi %ne3A_718, %ne3A_721 : i1
      %sub3A_723 = arith.constant 1 : i32
      %sub3A_724 = arith.subi %div3A_703, %sub3A_723 : i32
      %select_n3A_725 = arith.select %and3A_722, %sub3A_724, %div3A_703 : i32
      %jit3A_726 = arith.constant 8 : i32
      %eq3A_727 = arith.constant 0 : i32
      %eq3A_728 = arith.cmpi eq, %jit3A_726, %eq3A_727 : i32
      %jit3A_729 = arith.constant 1 : i32
      %select_n3A_730 = arith.select %eq3A_728, %jit3A_729, %jit3A_726 : i32
      %rem3A_731 = arith.remsi %add3A_701, %select_n3A_730 : i32
      %ne3A_732 = arith.constant 0 : i32
      %ne3A_733 = arith.cmpi ne, %rem3A_731, %ne3A_732 : i32
      %lt3A_734 = arith.constant 0 : i32
      %lt3A_735 = arith.cmpi slt, %rem3A_731, %lt3A_734 : i32
      %lt3A_736 = arith.constant 0 : i32
      %lt3A_737 = arith.cmpi slt, %select_n3A_730, %lt3A_736 : i32
      %ne3A_738 = arith.xori %lt3A_735, %lt3A_737 : i1
      %and3A_739 = arith.andi %ne3A_738, %ne3A_733 : i1
      %add3A_740 = arith.addi %rem3A_731, %select_n3A_730 : i32
      %select_n3A_741 = arith.select %and3A_739, %add3A_740, %rem3A_731 : i32
      %dma_wait3A_742 = arith.constant 0 : i32
      %dma_wait3A_743 = tpu.memref_slice %arg5[%select_n3A_725, %select_n3A_741, %dma_wait3A_742] : memref<25x8x128xi32, #tpu.memory_space<vmem>> -> memref<1x1x128xi32, #tpu.memory_space<vmem>>
      %dma_wait3A_744 = tpu.memref_squeeze %dma_wait3A_743 : memref<1x1x128xi32, #tpu.memory_space<vmem>> -> memref<128xi32, #tpu.memory_space<vmem>>
      %dma_wait3A_745 = arith.constant 0 : i32
      %dma_wait3A_746 = arith.constant 0 : i32
      %dma_wait3A_747 = tpu.memref_slice %arg3[%dma_wait3A_745, %dma_wait3A_746] : memref<1000000x64xf32, #tpu.memory_space<hbm>> -> memref<1000000x64xf32, #tpu.memory_space<hbm>>
      tpu.wait_indirect_dma semaphore(%arg20 : memref<!tpu.dma_semaphore, #tpu.memory_space<semaphore_mem>>) src(%dma_wait3A_747 : memref<1000000x64xf32, #tpu.memory_space<hbm>>) dst(%arg10 : memref<128x64xf32, #tpu.memory_space<vmem>>)
      %gt3A_748 = arith.constant 0 : i32
      %gt3A_749 = arith.cmpi sgt, %add3A_368, %gt3A_748 : i32
      %convert_element_type3A_750 = arith.extui %gt3A_749 : i1 to i32
      %cond3A_751 = arith.constant 0 : i32
      %cond3A_752 = arith.cmpi ne, %convert_element_type3A_750, %cond3A_751 : i32
      scf.if %cond3A_752 {
        %sub3A_781 = arith.constant 5 : i32
        %sub3A_782 = arith.subi %add3A_701, %sub3A_781 : i32
        %dma_wait3A_783 = arith.constant 0 : i32
        %dma_wait3A_784 = arith.constant 0 : i32
        %dma_wait3A_785 = arith.constant 0 : i32
        %dma_wait3A_786 = tpu.memref_slice %arg15[%dma_wait3A_783, %dma_wait3A_784, %dma_wait3A_785] : memref<8x8x129xf32, #tpu.memory_space<vmem>> -> memref<8x8x128xf32, #tpu.memory_space<vmem>>
        %dma_wait3A_787 = arith.constant 0 : i32
        %dma_wait3A_788 = arith.constant 0 : i32
        %dma_wait3A_789 = arith.constant 0 : i32
        %dma_wait3A_790 = tpu.memref_slice %arg4[%sub3A_782, %dma_wait3A_787, %add3A, %dma_wait3A_788, %dma_wait3A_789] : memref<200x8x32x8x128xf32, #tpu.memory_space<hbm>> -> memref<1x8x1x8x128xf32, #tpu.memory_space<hbm>>
        %dma_wait3A_791 = tpu.memref_squeeze %dma_wait3A_790 : memref<1x8x1x8x128xf32, #tpu.memory_space<hbm>> -> memref<8x8x128xf32, #tpu.memory_space<hbm>>
        %dma_wait3A_792 = arith.constant 0 : i32
        %dma_wait3A_793 = arith.constant 0 : i32
        %dma_wait3A_794 = arith.constant 0 : i32
        %dma_wait3A_795 = tpu.memref_slice %arg4[%sub3A_782, %dma_wait3A_792, %add3A, %dma_wait3A_793, %dma_wait3A_794] : memref<200x8x32x8x128xf32, #tpu.memory_space<hbm>> -> memref<1x8x1x8x128xf32, #tpu.memory_space<hbm>>
        %dma_wait3A_796 = tpu.memref_squeeze %dma_wait3A_795 : memref<1x8x1x8x128xf32, #tpu.memory_space<hbm>> -> memref<8x8x128xf32, #tpu.memory_space<hbm>>
        %dma_wait3A_797 = arith.constant 0 : i32
        %dma_wait3A_798 = arith.constant 0 : i32
        %dma_wait3A_799 = arith.constant 0 : i32
        %dma_wait3A_800 = tpu.memref_slice %arg15[%dma_wait3A_797, %dma_wait3A_798, %dma_wait3A_799] : memref<8x8x129xf32, #tpu.memory_space<vmem>> -> memref<8x8x128xf32, #tpu.memory_space<vmem>>
        tpu.wait_dma2 semaphore(%arg25 : memref<!tpu.dma_semaphore, #tpu.memory_space<semaphore_mem>>) src(%dma_wait3A_800 : memref<8x8x128xf32, #tpu.memory_space<vmem>>) dst(%dma_wait3A_796 : memref<8x8x128xf32, #tpu.memory_space<hbm>>)
      } else {
      }
      %scan3A_753 = arith.constant 0 : i32
      %scan3A_754 = arith.constant 128 : i32
      %scan3A_755 = arith.addi %scan3A_753, %scan3A_754 : i32
      %scan3A_756 = arith.constant 4 : i32
      scf.for %scan3A_781 = %scan3A_753 to %scan3A_755 step %scan3A_756  : i32 {
        %mul3A_782 = arith.constant 1 : i32
        %mul3A_783 = arith.muli %scan3A_781, %mul3A_782 : i32
        %add3A_784 = arith.constant 0 : i32
        %add3A_785 = arith.addi %add3A_784, %mul3A_783 : i32
        %broadcast_in_dim3A = vector.broadcast %add3A_785 : i32 to vector<16xi32>
        %get3A = arith.index_cast %add3A_785 : i32 to index
        %get3A_786 = arith.constant 0 : index
        %get3A_787 = tpu.vector_load %arg10[%get3A, %get3A_786] {strides = array<i32>} : memref<128x64xf32, #tpu.memory_space<vmem>>, vector<16xf32>,
        %mul3A_788 = arith.constant 8.000000e+00 : f32
        %mul3A_789 = vector.broadcast %mul3A_788 : f32 to vector<16xf32>
        %mul3A_790 = arith.mulf %get3A_787, %mul3A_789 : vector<16xf32>
        tpu.vector_store_idx %arg15[%select_n3A, %select_n3A_151, %broadcast_in_dim3A], %mul3A_790 : memref<8x8x129xf32, #tpu.memory_space<vmem>>[vector<16xi32>, vector<16xi32>, vector<16xi32>], vector<16xf32>,
        %get3A_791 = arith.index_cast %add3A_785 : i32 to index
        %get3A_792 = arith.constant 16 : index
        %get3A_793 = tpu.vector_load %arg10[%get3A_791, %get3A_792] {strides = array<i32>} : memref<128x64xf32, #tpu.memory_space<vmem>>, vector<16xf32>,
        %mul3A_794 = arith.constant 8.000000e+00 : f32
        %mul3A_795 = vector.broadcast %mul3A_794 : f32 to vector<16xf32>
        %mul3A_796 = arith.mulf %get3A_793, %mul3A_795 : vector<16xf32>
        tpu.vector_store_idx %arg15[%select_n3A_60, %select_n3A_176, %broadcast_in_dim3A], %mul3A_796 : memref<8x8x129xf32, #tpu.memory_space<vmem>>[vector<16xi32>, vector<16xi32>, vector<16xi32>], vector<16xf32>,
        %get3A_797 = arith.index_cast %add3A_785 : i32 to index
        %get3A_798 = arith.constant 32 : index
        %get3A_799 = tpu.vector_load %arg10[%get3A_797, %get3A_798] {strides = array<i32>} : memref<128x64xf32, #tpu.memory_space<vmem>>, vector<16xf32>,
        %mul3A_800 = arith.constant 8.000000e+00 : f32
        %mul3A_801 = vector.broadcast %mul3A_800 : f32 to vector<16xf32>
        %mul3A_802 = arith.mulf %get3A_799, %mul3A_801 : vector<16xf32>
        tpu.vector_store_idx %arg15[%select_n3A_94, %select_n3A_201, %broadcast_in_dim3A], %mul3A_802 : memref<8x8x129xf32, #tpu.memory_space<vmem>>[vector<16xi32>, vector<16xi32>, vector<16xi32>], vector<16xf32>,
        %get3A_803 = arith.index_cast %add3A_785 : i32 to index
        %get3A_804 = arith.constant 48 : index
        %get3A_805 = tpu.vector_load %arg10[%get3A_803, %get3A_804] {strides = array<i32>} : memref<128x64xf32, #tpu.memory_space<vmem>>, vector<16xf32>,
        %mul3A_806 = arith.constant 8.000000e+00 : f32
        %mul3A_807 = vector.broadcast %mul3A_806 : f32 to vector<16xf32>
        %mul3A_808 = arith.mulf %get3A_805, %mul3A_807 : vector<16xf32>
        tpu.vector_store_idx %arg15[%select_n3A_128, %select_n3A_226, %broadcast_in_dim3A], %mul3A_808 : memref<8x8x129xf32, #tpu.memory_space<vmem>>[vector<16xi32>, vector<16xi32>, vector<16xi32>], vector<16xf32>,
        %scan3A_809 = arith.constant 1 : i32
        %scan3A_810 = arith.addi %scan3A_781, %scan3A_809 : i32
        %mul3A_811 = arith.constant 1 : i32
        %mul3A_812 = arith.muli %scan3A_810, %mul3A_811 : i32
        %add3A_813 = arith.constant 0 : i32
        %add3A_814 = arith.addi %add3A_813, %mul3A_812 : i32
        %broadcast_in_dim3A_815 = vector.broadcast %add3A_814 : i32 to vector<16xi32>
        %get3A_816 = arith.index_cast %add3A_814 : i32 to index
        %get3A_817 = arith.constant 0 : index
        %get3A_818 = tpu.vector_load %arg10[%get3A_816, %get3A_817] {strides = array<i32>} : memref<128x64xf32, #tpu.memory_space<vmem>>, vector<16xf32>,
        %mul3A_819 = arith.constant 8.000000e+00 : f32
        %mul3A_820 = vector.broadcast %mul3A_819 : f32 to vector<16xf32>
        %mul3A_821 = arith.mulf %get3A_818, %mul3A_820 : vector<16xf32>
        tpu.vector_store_idx %arg15[%select_n3A, %select_n3A_151, %broadcast_in_dim3A_815], %mul3A_821 : memref<8x8x129xf32, #tpu.memory_space<vmem>>[vector<16xi32>, vector<16xi32>, vector<16xi32>], vector<16xf32>,
        %get3A_822 = arith.index_cast %add3A_814 : i32 to index
        %get3A_823 = arith.constant 16 : index
        %get3A_824 = tpu.vector_load %arg10[%get3A_822, %get3A_823] {strides = array<i32>} : memref<128x64xf32, #tpu.memory_space<vmem>>, vector<16xf32>,
        %mul3A_825 = arith.constant 8.000000e+00 : f32
        %mul3A_826 = vector.broadcast %mul3A_825 : f32 to vector<16xf32>
        %mul3A_827 = arith.mulf %get3A_824, %mul3A_826 : vector<16xf32>
        tpu.vector_store_idx %arg15[%select_n3A_60, %select_n3A_176, %broadcast_in_dim3A_815], %mul3A_827 : memref<8x8x129xf32, #tpu.memory_space<vmem>>[vector<16xi32>, vector<16xi32>, vector<16xi32>], vector<16xf32>,
        %get3A_828 = arith.index_cast %add3A_814 : i32 to index
        %get3A_829 = arith.constant 32 : index
        %get3A_830 = tpu.vector_load %arg10[%get3A_828, %get3A_829] {strides = array<i32>} : memref<128x64xf32, #tpu.memory_space<vmem>>, vector<16xf32>,
        %mul3A_831 = arith.constant 8.000000e+00 : f32
        %mul3A_832 = vector.broadcast %mul3A_831 : f32 to vector<16xf32>
        %mul3A_833 = arith.mulf %get3A_830, %mul3A_832 : vector<16xf32>
        tpu.vector_store_idx %arg15[%select_n3A_94, %select_n3A_201, %broadcast_in_dim3A_815], %mul3A_833 : memref<8x8x129xf32, #tpu.memory_space<vmem>>[vector<16xi32>, vector<16xi32>, vector<16xi32>], vector<16xf32>,
        %get3A_834 = arith.index_cast %add3A_814 : i32 to index
        %get3A_835 = arith.constant 48 : index
        %get3A_836 = tpu.vector_load %arg10[%get3A_834, %get3A_835] {strides = array<i32>} : memref<128x64xf32, #tpu.memory_space<vmem>>, vector<16xf32>,
        %mul3A_837 = arith.constant 8.000000e+00 : f32
        %mul3A_838 = vector.broadcast %mul3A_837 : f32 to vector<16xf32>
        %mul3A_839 = arith.mulf %get3A_836, %mul3A_838 : vector<16xf32>
        tpu.vector_store_idx %arg15[%select_n3A_128, %select_n3A_226, %broadcast_in_dim3A_815], %mul3A_839 : memref<8x8x129xf32, #tpu.memory_space<vmem>>[vector<16xi32>, vector<16xi32>, vector<16xi32>], vector<16xf32>,
        %scan3A_840 = arith.constant 2 : i32
        %scan3A_841 = arith.addi %scan3A_781, %scan3A_840 : i32
        %mul3A_842 = arith.constant 1 : i32
        %mul3A_843 = arith.muli %scan3A_841, %mul3A_842 : i32
        %add3A_844 = arith.constant 0 : i32
        %add3A_845 = arith.addi %add3A_844, %mul3A_843 : i32
        %broadcast_in_dim3A_846 = vector.broadcast %add3A_845 : i32 to vector<16xi32>
        %get3A_847 = arith.index_cast %add3A_845 : i32 to index
        %get3A_848 = arith.constant 0 : index
        %get3A_849 = tpu.vector_load %arg10[%get3A_847, %get3A_848] {strides = array<i32>} : memref<128x64xf32, #tpu.memory_space<vmem>>, vector<16xf32>,
        %mul3A_850 = arith.constant 8.000000e+00 : f32
        %mul3A_851 = vector.broadcast %mul3A_850 : f32 to vector<16xf32>
        %mul3A_852 = arith.mulf %get3A_849, %mul3A_851 : vector<16xf32>
        tpu.vector_store_idx %arg15[%select_n3A, %select_n3A_151, %broadcast_in_dim3A_846], %mul3A_852 : memref<8x8x129xf32, #tpu.memory_space<vmem>>[vector<16xi32>, vector<16xi32>, vector<16xi32>], vector<16xf32>,
        %get3A_853 = arith.index_cast %add3A_845 : i32 to index
        %get3A_854 = arith.constant 16 : index
        %get3A_855 = tpu.vector_load %arg10[%get3A_853, %get3A_854] {strides = array<i32>} : memref<128x64xf32, #tpu.memory_space<vmem>>, vector<16xf32>,
        %mul3A_856 = arith.constant 8.000000e+00 : f32
        %mul3A_857 = vector.broadcast %mul3A_856 : f32 to vector<16xf32>
        %mul3A_858 = arith.mulf %get3A_855, %mul3A_857 : vector<16xf32>
        tpu.vector_store_idx %arg15[%select_n3A_60, %select_n3A_176, %broadcast_in_dim3A_846], %mul3A_858 : memref<8x8x129xf32, #tpu.memory_space<vmem>>[vector<16xi32>, vector<16xi32>, vector<16xi32>], vector<16xf32>,
        %get3A_859 = arith.index_cast %add3A_845 : i32 to index
        %get3A_860 = arith.constant 32 : index
        %get3A_861 = tpu.vector_load %arg10[%get3A_859, %get3A_860] {strides = array<i32>} : memref<128x64xf32, #tpu.memory_space<vmem>>, vector<16xf32>,
        %mul3A_862 = arith.constant 8.000000e+00 : f32
        %mul3A_863 = vector.broadcast %mul3A_862 : f32 to vector<16xf32>
        %mul3A_864 = arith.mulf %get3A_861, %mul3A_863 : vector<16xf32>
        tpu.vector_store_idx %arg15[%select_n3A_94, %select_n3A_201, %broadcast_in_dim3A_846], %mul3A_864 : memref<8x8x129xf32, #tpu.memory_space<vmem>>[vector<16xi32>, vector<16xi32>, vector<16xi32>], vector<16xf32>,
        %get3A_865 = arith.index_cast %add3A_845 : i32 to index
        %get3A_866 = arith.constant 48 : index
        %get3A_867 = tpu.vector_load %arg10[%get3A_865, %get3A_866] {strides = array<i32>} : memref<128x64xf32, #tpu.memory_space<vmem>>, vector<16xf32>,
        %mul3A_868 = arith.constant 8.000000e+00 : f32
        %mul3A_869 = vector.broadcast %mul3A_868 : f32 to vector<16xf32>
        %mul3A_870 = arith.mulf %get3A_867, %mul3A_869 : vector<16xf32>
        tpu.vector_store_idx %arg15[%select_n3A_128, %select_n3A_226, %broadcast_in_dim3A_846], %mul3A_870 : memref<8x8x129xf32, #tpu.memory_space<vmem>>[vector<16xi32>, vector<16xi32>, vector<16xi32>], vector<16xf32>,
        %scan3A_871 = arith.constant 3 : i32
        %scan3A_872 = arith.addi %scan3A_781, %scan3A_871 : i32
        %mul3A_873 = arith.constant 1 : i32
        %mul3A_874 = arith.muli %scan3A_872, %mul3A_873 : i32
        %add3A_875 = arith.constant 0 : i32
        %add3A_876 = arith.addi %add3A_875, %mul3A_874 : i32
        %broadcast_in_dim3A_877 = vector.broadcast %add3A_876 : i32 to vector<16xi32>
        %get3A_878 = arith.index_cast %add3A_876 : i32 to index
        %get3A_879 = arith.constant 0 : index
        %get3A_880 = tpu.vector_load %arg10[%get3A_878, %get3A_879] {strides = array<i32>} : memref<128x64xf32, #tpu.memory_space<vmem>>, vector<16xf32>,
        %mul3A_881 = arith.constant 8.000000e+00 : f32
        %mul3A_882 = vector.broadcast %mul3A_881 : f32 to vector<16xf32>
        %mul3A_883 = arith.mulf %get3A_880, %mul3A_882 : vector<16xf32>
        tpu.vector_store_idx %arg15[%select_n3A, %select_n3A_151, %broadcast_in_dim3A_877], %mul3A_883 : memref<8x8x129xf32, #tpu.memory_space<vmem>>[vector<16xi32>, vector<16xi32>, vector<16xi32>], vector<16xf32>,
        %get3A_884 = arith.index_cast %add3A_876 : i32 to index
        %get3A_885 = arith.constant 16 : index
        %get3A_886 = tpu.vector_load %arg10[%get3A_884, %get3A_885] {strides = array<i32>} : memref<128x64xf32, #tpu.memory_space<vmem>>, vector<16xf32>,
        %mul3A_887 = arith.constant 8.000000e+00 : f32
        %mul3A_888 = vector.broadcast %mul3A_887 : f32 to vector<16xf32>
        %mul3A_889 = arith.mulf %get3A_886, %mul3A_888 : vector<16xf32>
        tpu.vector_store_idx %arg15[%select_n3A_60, %select_n3A_176, %broadcast_in_dim3A_877], %mul3A_889 : memref<8x8x129xf32, #tpu.memory_space<vmem>>[vector<16xi32>, vector<16xi32>, vector<16xi32>], vector<16xf32>,
        %get3A_890 = arith.index_cast %add3A_876 : i32 to index
        %get3A_891 = arith.constant 32 : index
        %get3A_892 = tpu.vector_load %arg10[%get3A_890, %get3A_891] {strides = array<i32>} : memref<128x64xf32, #tpu.memory_space<vmem>>, vector<16xf32>,
        %mul3A_893 = arith.constant 8.000000e+00 : f32
        %mul3A_894 = vector.broadcast %mul3A_893 : f32 to vector<16xf32>
        %mul3A_895 = arith.mulf %get3A_892, %mul3A_894 : vector<16xf32>
        tpu.vector_store_idx %arg15[%select_n3A_94, %select_n3A_201, %broadcast_in_dim3A_877], %mul3A_895 : memref<8x8x129xf32, #tpu.memory_space<vmem>>[vector<16xi32>, vector<16xi32>, vector<16xi32>], vector<16xf32>,
        %get3A_896 = arith.index_cast %add3A_876 : i32 to index
        %get3A_897 = arith.constant 48 : index
        %get3A_898 = tpu.vector_load %arg10[%get3A_896, %get3A_897] {strides = array<i32>} : memref<128x64xf32, #tpu.memory_space<vmem>>, vector<16xf32>,
        %mul3A_899 = arith.constant 8.000000e+00 : f32
        %mul3A_900 = vector.broadcast %mul3A_899 : f32 to vector<16xf32>
        %mul3A_901 = arith.mulf %get3A_898, %mul3A_900 : vector<16xf32>
        tpu.vector_store_idx %arg15[%select_n3A_128, %select_n3A_226, %broadcast_in_dim3A_877], %mul3A_901 : memref<8x8x129xf32, #tpu.memory_space<vmem>>[vector<16xi32>, vector<16xi32>, vector<16xi32>], vector<16xf32>,
      }
      %scan3A_757 = arith.constant 128 : i32
      %dma_start3A_758 = arith.constant 0 : i32
      %dma_start3A_759 = arith.constant 0 : i32
      %dma_start3A_760 = arith.constant 0 : i32
      %dma_start3A_761 = tpu.memref_slice %arg15[%dma_start3A_758, %dma_start3A_759, %dma_start3A_760] : memref<8x8x129xf32, #tpu.memory_space<vmem>> -> memref<8x8x128xf32, #tpu.memory_space<vmem>>
      %dma_start3A_762 = arith.constant 0 : i32
      %dma_start3A_763 = arith.constant 0 : i32
      %dma_start3A_764 = arith.constant 0 : i32
      %dma_start3A_765 = tpu.memref_slice %arg4[%add3A_701, %dma_start3A_762, %add3A, %dma_start3A_763, %dma_start3A_764] : memref<200x8x32x8x128xf32, #tpu.memory_space<hbm>> -> memref<1x8x1x8x128xf32, #tpu.memory_space<hbm>>
      %dma_start3A_766 = tpu.memref_squeeze %dma_start3A_765 : memref<1x8x1x8x128xf32, #tpu.memory_space<hbm>> -> memref<8x8x128xf32, #tpu.memory_space<hbm>>
      %dma_start3A_767 = arith.constant 0 : i32
      %dma_start3A_768 = arith.constant 0 : i32
      %dma_start3A_769 = arith.constant 0 : i32
      %dma_start3A_770 = tpu.memref_slice %arg4[%add3A_701, %dma_start3A_767, %add3A, %dma_start3A_768, %dma_start3A_769] : memref<200x8x32x8x128xf32, #tpu.memory_space<hbm>> -> memref<1x8x1x8x128xf32, #tpu.memory_space<hbm>>
      %dma_start3A_771 = tpu.memref_squeeze %dma_start3A_770 : memref<1x8x1x8x128xf32, #tpu.memory_space<hbm>> -> memref<8x8x128xf32, #tpu.memory_space<hbm>>
      %dma_start3A_772 = arith.constant 0 : i32
      %dma_start3A_773 = arith.constant 0 : i32
      %dma_start3A_774 = arith.constant 0 : i32
      %dma_start3A_775 = tpu.memref_slice %arg15[%dma_start3A_772, %dma_start3A_773, %dma_start3A_774] : memref<8x8x129xf32, #tpu.memory_space<vmem>> -> memref<8x8x128xf32, #tpu.memory_space<vmem>>
      tpu.enqueue_dma source(%dma_start3A_775 : memref<8x8x128xf32, #tpu.memory_space<vmem>>) target(%dma_start3A_771 : memref<8x8x128xf32, #tpu.memory_space<hbm>>) target_semaphore(%arg25 : memref<!tpu.dma_semaphore, #tpu.memory_space<semaphore_mem>>)
      %lt3A_776 = arith.constant 39 : i32
      %lt3A_777 = arith.cmpi slt, %add3A_368, %lt3A_776 : i32
      %convert_element_type3A_778 = arith.extui %lt3A_777 : i1 to i32
      %cond3A_779 = arith.constant 0 : i32
      %cond3A_780 = arith.cmpi ne, %convert_element_type3A_778, %cond3A_779 : i32
      scf.if %cond3A_780 {
        %add3A_781 = arith.constant 5 : i32
        %add3A_782 = arith.addi %add3A_701, %add3A_781 : i32
        %jit3A_783 = arith.constant 8 : i32
        %div3A_784 = arith.divsi %add3A_782, %jit3A_783 : i32
        %sign3A_785 = arith.constant 0 : i32
        %sign3A_786 = arith.cmpi sgt, %add3A_782, %sign3A_785 : i32
        %sign3A_787 = arith.extui %sign3A_786 : i1 to i32
        %sign3A_788 = arith.constant 0 : i32
        %sign3A_789 = arith.cmpi slt, %add3A_782, %sign3A_788 : i32
        %sign3A_790 = arith.extui %sign3A_789 : i1 to i32
        %sign3A_791 = arith.subi %sign3A_787, %sign3A_790 : i32
        %sign3A_792 = arith.constant 0 : i32
        %sign3A_793 = arith.cmpi sgt, %jit3A_783, %sign3A_792 : i32
        %sign3A_794 = arith.extui %sign3A_793 : i1 to i32
        %sign3A_795 = arith.constant 0 : i32
        %sign3A_796 = arith.cmpi slt, %jit3A_783, %sign3A_795 : i32
        %sign3A_797 = arith.extui %sign3A_796 : i1 to i32
        %sign3A_798 = arith.subi %sign3A_794, %sign3A_797 : i32
        %ne3A_799 = arith.cmpi ne, %sign3A_791, %sign3A_798 : i32
        %rem3A_800 = arith.remsi %add3A_782, %jit3A_783 : i32
        %ne3A_801 = arith.constant 0 : i32
        %ne3A_802 = arith.cmpi ne, %rem3A_800, %ne3A_801 : i32
        %and3A_803 = arith.andi %ne3A_799, %ne3A_802 : i1
        %sub3A_804 = arith.constant 1 : i32
        %sub3A_805 = arith.subi %div3A_784, %sub3A_804 : i32
        %select_n3A_806 = arith.select %and3A_803, %sub3A_805, %div3A_784 : i32
        %jit3A_807 = arith.constant 8 : i32
        %eq3A_808 = arith.constant 0 : i32
        %eq3A_809 = arith.cmpi eq, %jit3A_807, %eq3A_808 : i32
        %jit3A_810 = arith.constant 1 : i32
        %select_n3A_811 = arith.select %eq3A_809, %jit3A_810, %jit3A_807 : i32
        %rem3A_812 = arith.remsi %add3A_782, %select_n3A_811 : i32
        %ne3A_813 = arith.constant 0 : i32
        %ne3A_814 = arith.cmpi ne, %rem3A_812, %ne3A_813 : i32
        %lt3A_815 = arith.constant 0 : i32
        %lt3A_816 = arith.cmpi slt, %rem3A_812, %lt3A_815 : i32
        %lt3A_817 = arith.constant 0 : i32
        %lt3A_818 = arith.cmpi slt, %select_n3A_811, %lt3A_817 : i32
        %ne3A_819 = arith.xori %lt3A_816, %lt3A_818 : i1
        %and3A_820 = arith.andi %ne3A_819, %ne3A_814 : i1
        %add3A_821 = arith.addi %rem3A_812, %select_n3A_811 : i32
        %select_n3A_822 = arith.select %and3A_820, %add3A_821, %rem3A_812 : i32
        %dma_start3A_823 = arith.constant 0 : i32
        %dma_start3A_824 = tpu.memref_slice %arg5[%select_n3A_806, %select_n3A_822, %dma_start3A_823] : memref<25x8x128xi32, #tpu.memory_space<vmem>> -> memref<1x1x128xi32, #tpu.memory_space<vmem>>
        %dma_start3A_825 = tpu.memref_squeeze %dma_start3A_824 : memref<1x1x128xi32, #tpu.memory_space<vmem>> -> memref<128xi32, #tpu.memory_space<vmem>>
        %dma_start3A_826 = arith.constant 0 : i32
        %dma_start3A_827 = arith.constant 0 : i32
        %dma_start3A_828 = tpu.memref_slice %arg3[%dma_start3A_826, %dma_start3A_827] : memref<1000000x64xf32, #tpu.memory_space<hbm>> -> memref<1000000x64xf32, #tpu.memory_space<hbm>>
        tpu.enqueue_indirect_dma source(%dma_start3A_828 : memref<1000000x64xf32, #tpu.memory_space<hbm>>) target(%arg10 : memref<128x64xf32, #tpu.memory_space<vmem>>) offsets(%dma_start3A_825 : memref<128xi32, #tpu.memory_space<vmem>>) semaphore(%arg20 : memref<!tpu.dma_semaphore, #tpu.memory_space<semaphore_mem>>)
      } else {
      }
    }
    %scan3A_269 = arith.constant 40 : i32
    %dma_wait3A = arith.constant 195 : i32
    %dma_wait3A_270 = arith.constant 0 : i32
    %dma_wait3A_271 = arith.constant 0 : i32
    %dma_wait3A_272 = arith.constant 0 : i32
    %dma_wait3A_273 = tpu.memref_slice %arg11[%dma_wait3A_270, %dma_wait3A_271, %dma_wait3A_272] : memref<8x8x129xf32, #tpu.memory_space<vmem>> -> memref<8x8x128xf32, #tpu.memory_space<vmem>>
    %dma_wait3A_274 = arith.constant 0 : i32
    %dma_wait3A_275 = arith.constant 0 : i32
    %dma_wait3A_276 = arith.constant 0 : i32
    %dma_wait3A_277 = tpu.memref_slice %arg4[%dma_wait3A, %dma_wait3A_274, %add3A, %dma_wait3A_275, %dma_wait3A_276] : memref<200x8x32x8x128xf32, #tpu.memory_space<hbm>> -> memref<1x8x1x8x128xf32, #tpu.memory_space<hbm>>
    %dma_wait3A_278 = tpu.memref_squeeze %dma_wait3A_277 : memref<1x8x1x8x128xf32, #tpu.memory_space<hbm>> -> memref<8x8x128xf32, #tpu.memory_space<hbm>>
    %dma_wait3A_279 = arith.constant 0 : i32
    %dma_wait3A_280 = arith.constant 0 : i32
    %dma_wait3A_281 = arith.constant 0 : i32
    %dma_wait3A_282 = tpu.memref_slice %arg4[%dma_wait3A, %dma_wait3A_279, %add3A, %dma_wait3A_280, %dma_wait3A_281] : memref<200x8x32x8x128xf32, #tpu.memory_space<hbm>> -> memref<1x8x1x8x128xf32, #tpu.memory_space<hbm>>
    %dma_wait3A_283 = tpu.memref_squeeze %dma_wait3A_282 : memref<1x8x1x8x128xf32, #tpu.memory_space<hbm>> -> memref<8x8x128xf32, #tpu.memory_space<hbm>>
    %dma_wait3A_284 = arith.constant 0 : i32
    %dma_wait3A_285 = arith.constant 0 : i32
    %dma_wait3A_286 = arith.constant 0 : i32
    %dma_wait3A_287 = tpu.memref_slice %arg11[%dma_wait3A_284, %dma_wait3A_285, %dma_wait3A_286] : memref<8x8x129xf32, #tpu.memory_space<vmem>> -> memref<8x8x128xf32, #tpu.memory_space<vmem>>
    tpu.wait_dma2 semaphore(%arg21 : memref<!tpu.dma_semaphore, #tpu.memory_space<semaphore_mem>>) src(%dma_wait3A_287 : memref<8x8x128xf32, #tpu.memory_space<vmem>>) dst(%dma_wait3A_283 : memref<8x8x128xf32, #tpu.memory_space<hbm>>)
    %dma_wait3A_288 = arith.constant 196 : i32
    %dma_wait3A_289 = arith.constant 0 : i32
    %dma_wait3A_290 = arith.constant 0 : i32
    %dma_wait3A_291 = arith.constant 0 : i32
    %dma_wait3A_292 = tpu.memref_slice %arg12[%dma_wait3A_289, %dma_wait3A_290, %dma_wait3A_291] : memref<8x8x129xf32, #tpu.memory_space<vmem>> -> memref<8x8x128xf32, #tpu.memory_space<vmem>>
    %dma_wait3A_293 = arith.constant 0 : i32
    %dma_wait3A_294 = arith.constant 0 : i32
    %dma_wait3A_295 = arith.constant 0 : i32
    %dma_wait3A_296 = tpu.memref_slice %arg4[%dma_wait3A_288, %dma_wait3A_293, %add3A, %dma_wait3A_294, %dma_wait3A_295] : memref<200x8x32x8x128xf32, #tpu.memory_space<hbm>> -> memref<1x8x1x8x128xf32, #tpu.memory_space<hbm>>
    %dma_wait3A_297 = tpu.memref_squeeze %dma_wait3A_296 : memref<1x8x1x8x128xf32, #tpu.memory_space<hbm>> -> memref<8x8x128xf32, #tpu.memory_space<hbm>>
    %dma_wait3A_298 = arith.constant 0 : i32
    %dma_wait3A_299 = arith.constant 0 : i32
    %dma_wait3A_300 = arith.constant 0 : i32
    %dma_wait3A_301 = tpu.memref_slice %arg4[%dma_wait3A_288, %dma_wait3A_298, %add3A, %dma_wait3A_299, %dma_wait3A_300] : memref<200x8x32x8x128xf32, #tpu.memory_space<hbm>> -> memref<1x8x1x8x128xf32, #tpu.memory_space<hbm>>
    %dma_wait3A_302 = tpu.memref_squeeze %dma_wait3A_301 : memref<1x8x1x8x128xf32, #tpu.memory_space<hbm>> -> memref<8x8x128xf32, #tpu.memory_space<hbm>>
    %dma_wait3A_303 = arith.constant 0 : i32
    %dma_wait3A_304 = arith.constant 0 : i32
    %dma_wait3A_305 = arith.constant 0 : i32
    %dma_wait3A_306 = tpu.memref_slice %arg12[%dma_wait3A_303, %dma_wait3A_304, %dma_wait3A_305] : memref<8x8x129xf32, #tpu.memory_space<vmem>> -> memref<8x8x128xf32, #tpu.memory_space<vmem>>
    tpu.wait_dma2 semaphore(%arg22 : memref<!tpu.dma_semaphore, #tpu.memory_space<semaphore_mem>>) src(%dma_wait3A_306 : memref<8x8x128xf32, #tpu.memory_space<vmem>>) dst(%dma_wait3A_302 : memref<8x8x128xf32, #tpu.memory_space<hbm>>)
    %dma_wait3A_307 = arith.constant 197 : i32
    %dma_wait3A_308 = arith.constant 0 : i32
    %dma_wait3A_309 = arith.constant 0 : i32
    %dma_wait3A_310 = arith.constant 0 : i32
    %dma_wait3A_311 = tpu.memref_slice %arg13[%dma_wait3A_308, %dma_wait3A_309, %dma_wait3A_310] : memref<8x8x129xf32, #tpu.memory_space<vmem>> -> memref<8x8x128xf32, #tpu.memory_space<vmem>>
    %dma_wait3A_312 = arith.constant 0 : i32
    %dma_wait3A_313 = arith.constant 0 : i32
    %dma_wait3A_314 = arith.constant 0 : i32
    %dma_wait3A_315 = tpu.memref_slice %arg4[%dma_wait3A_307, %dma_wait3A_312, %add3A, %dma_wait3A_313, %dma_wait3A_314] : memref<200x8x32x8x128xf32, #tpu.memory_space<hbm>> -> memref<1x8x1x8x128xf32, #tpu.memory_space<hbm>>
    %dma_wait3A_316 = tpu.memref_squeeze %dma_wait3A_315 : memref<1x8x1x8x128xf32, #tpu.memory_space<hbm>> -> memref<8x8x128xf32, #tpu.memory_space<hbm>>
    %dma_wait3A_317 = arith.constant 0 : i32
    %dma_wait3A_318 = arith.constant 0 : i32
    %dma_wait3A_319 = arith.constant 0 : i32
    %dma_wait3A_320 = tpu.memref_slice %arg4[%dma_wait3A_307, %dma_wait3A_317, %add3A, %dma_wait3A_318, %dma_wait3A_319] : memref<200x8x32x8x128xf32, #tpu.memory_space<hbm>> -> memref<1x8x1x8x128xf32, #tpu.memory_space<hbm>>
    %dma_wait3A_321 = tpu.memref_squeeze %dma_wait3A_320 : memref<1x8x1x8x128xf32, #tpu.memory_space<hbm>> -> memref<8x8x128xf32, #tpu.memory_space<hbm>>
    %dma_wait3A_322 = arith.constant 0 : i32
    %dma_wait3A_323 = arith.constant 0 : i32
    %dma_wait3A_324 = arith.constant 0 : i32
    %dma_wait3A_325 = tpu.memref_slice %arg13[%dma_wait3A_322, %dma_wait3A_323, %dma_wait3A_324] : memref<8x8x129xf32, #tpu.memory_space<vmem>> -> memref<8x8x128xf32, #tpu.memory_space<vmem>>
    tpu.wait_dma2 semaphore(%arg23 : memref<!tpu.dma_semaphore, #tpu.memory_space<semaphore_mem>>) src(%dma_wait3A_325 : memref<8x8x128xf32, #tpu.memory_space<vmem>>) dst(%dma_wait3A_321 : memref<8x8x128xf32, #tpu.memory_space<hbm>>)
    %dma_wait3A_326 = arith.constant 198 : i32
    %dma_wait3A_327 = arith.constant 0 : i32
    %dma_wait3A_328 = arith.constant 0 : i32
    %dma_wait3A_329 = arith.constant 0 : i32
    %dma_wait3A_330 = tpu.memref_slice %arg14[%dma_wait3A_327, %dma_wait3A_328, %dma_wait3A_329] : memref<8x8x129xf32, #tpu.memory_space<vmem>> -> memref<8x8x128xf32, #tpu.memory_space<vmem>>
    %dma_wait3A_331 = arith.constant 0 : i32
    %dma_wait3A_332 = arith.constant 0 : i32
    %dma_wait3A_333 = arith.constant 0 : i32
    %dma_wait3A_334 = tpu.memref_slice %arg4[%dma_wait3A_326, %dma_wait3A_331, %add3A, %dma_wait3A_332, %dma_wait3A_333] : memref<200x8x32x8x128xf32, #tpu.memory_space<hbm>> -> memref<1x8x1x8x128xf32, #tpu.memory_space<hbm>>
    %dma_wait3A_335 = tpu.memref_squeeze %dma_wait3A_334 : memref<1x8x1x8x128xf32, #tpu.memory_space<hbm>> -> memref<8x8x128xf32, #tpu.memory_space<hbm>>
    %dma_wait3A_336 = arith.constant 0 : i32
    %dma_wait3A_337 = arith.constant 0 : i32
    %dma_wait3A_338 = arith.constant 0 : i32
    %dma_wait3A_339 = tpu.memref_slice %arg4[%dma_wait3A_326, %dma_wait3A_336, %add3A, %dma_wait3A_337, %dma_wait3A_338] : memref<200x8x32x8x128xf32, #tpu.memory_space<hbm>> -> memref<1x8x1x8x128xf32, #tpu.memory_space<hbm>>
    %dma_wait3A_340 = tpu.memref_squeeze %dma_wait3A_339 : memref<1x8x1x8x128xf32, #tpu.memory_space<hbm>> -> memref<8x8x128xf32, #tpu.memory_space<hbm>>
    %dma_wait3A_341 = arith.constant 0 : i32
    %dma_wait3A_342 = arith.constant 0 : i32
    %dma_wait3A_343 = arith.constant 0 : i32
    %dma_wait3A_344 = tpu.memref_slice %arg14[%dma_wait3A_341, %dma_wait3A_342, %dma_wait3A_343] : memref<8x8x129xf32, #tpu.memory_space<vmem>> -> memref<8x8x128xf32, #tpu.memory_space<vmem>>
    tpu.wait_dma2 semaphore(%arg24 : memref<!tpu.dma_semaphore, #tpu.memory_space<semaphore_mem>>) src(%dma_wait3A_344 : memref<8x8x128xf32, #tpu.memory_space<vmem>>) dst(%dma_wait3A_340 : memref<8x8x128xf32, #tpu.memory_space<hbm>>)
    %dma_wait3A_345 = arith.constant 199 : i32
    %dma_wait3A_346 = arith.constant 0 : i32
    %dma_wait3A_347 = arith.constant 0 : i32
    %dma_wait3A_348 = arith.constant 0 : i32
    %dma_wait3A_349 = tpu.memref_slice %arg15[%dma_wait3A_346, %dma_wait3A_347, %dma_wait3A_348] : memref<8x8x129xf32, #tpu.memory_space<vmem>> -> memref<8x8x128xf32, #tpu.memory_space<vmem>>
    %dma_wait3A_350 = arith.constant 0 : i32
    %dma_wait3A_351 = arith.constant 0 : i32
    %dma_wait3A_352 = arith.constant 0 : i32
    %dma_wait3A_353 = tpu.memref_slice %arg4[%dma_wait3A_345, %dma_wait3A_350, %add3A, %dma_wait3A_351, %dma_wait3A_352] : memref<200x8x32x8x128xf32, #tpu.memory_space<hbm>> -> memref<1x8x1x8x128xf32, #tpu.memory_space<hbm>>
    %dma_wait3A_354 = tpu.memref_squeeze %dma_wait3A_353 : memref<1x8x1x8x128xf32, #tpu.memory_space<hbm>> -> memref<8x8x128xf32, #tpu.memory_space<hbm>>
    %dma_wait3A_355 = arith.constant 0 : i32
    %dma_wait3A_356 = arith.constant 0 : i32
    %dma_wait3A_357 = arith.constant 0 : i32
    %dma_wait3A_358 = tpu.memref_slice %arg4[%dma_wait3A_345, %dma_wait3A_355, %add3A, %dma_wait3A_356, %dma_wait3A_357] : memref<200x8x32x8x128xf32, #tpu.memory_space<hbm>> -> memref<1x8x1x8x128xf32, #tpu.memory_space<hbm>>
    %dma_wait3A_359 = tpu.memref_squeeze %dma_wait3A_358 : memref<1x8x1x8x128xf32, #tpu.memory_space<hbm>> -> memref<8x8x128xf32, #tpu.memory_space<hbm>>
    %dma_wait3A_360 = arith.constant 0 : i32
    %dma_wait3A_361 = arith.constant 0 : i32
    %dma_wait3A_362 = arith.constant 0 : i32
    %dma_wait3A_363 = tpu.memref_slice %arg15[%dma_wait3A_360, %dma_wait3A_361, %dma_wait3A_362] : memref<8x8x129xf32, #tpu.memory_space<vmem>> -> memref<8x8x128xf32, #tpu.memory_space<vmem>>
    tpu.wait_dma2 semaphore(%arg25 : memref<!tpu.dma_semaphore, #tpu.memory_space<semaphore_mem>>) src(%dma_wait3A_363 : memref<8x8x128xf32, #tpu.memory_space<vmem>>) dst(%dma_wait3A_359 : memref<8x8x128xf32, #tpu.memory_space<hbm>>)
    return
  }
}

</mosaic_0001>

<sc_bundles>
// kernel: kernel.3.cloned.1.call-start
scs
__scs_entry_jumppad:
0x0: {  	(pc) =	sbr.rel $0x88, $3  }
0x1: {  	(tag) =	ssettag $0x0;
	lr =	simm.s32 $0x1  }
0x2: {  	[smem:$0x3F9F] =	sst lr;
	_ =	strace $0xD0000000  }
0x3: {  	_ = 	snop  }
0x4: {  	_ = 	snop  }
0x5: {  	_ = 	snop  }
0x6: {  	_ = 	snop  }
0x7: {  	_ = 	snop  }
__scs_overlays_trampoline_lowered:
0x8: {  	[smem:$0x3FAE] =	sst s0  }
0x9: {  	[smem:$0x3FAF] =	sst s1  }
0xa: {  	[smem:$0x3FB0] =	sst s2  }
0xb: {  	[smem:$0x3FB1] =	sst s3  }
0xc: {  	[smem:$0x3FB2] =	sst s4  }
0xd: {  	[smem:$0x3FB3] =	sst s5  }
0xe: {  	[smem:$0x3FB4] =	sst s6  }
0xf: {  	[smem:$0x3FB5] =	sst s7  }
0x10: {  	[smem:$0x3FB6] =	sst s8  }
0x11: {  	[smem:$0x3FB7] =	sst s9;
	s0 =	simm.s32 @!p0 $0x0  }
0x12: {  	s1 =	sld [smem:$0x3F9D];
	s0 =	simm.s32 @p0 $0x1  }
0x13: {  	[smem:$0x3FB8] =	sst s0;
	s0 =	simm.s32 @!p1 $0x0  }
0x14: {  	s2 =	sld [smem:$0x3F9C];
	s0 =	simm.s32 @p1 $0x1  }
0x15: {  	[smem:$0x3FB9] =	sst s0;
	s0 =	simm.s32 @!p2 $0x0  }
0x16: {  	s3 =	sld [smem:$0x3FDB];
	s0 =	simm.s32 @p2 $0x1  }
0x17: {  	s4 =	simm.s32 $0x1BF5;
	[smem:$0x3FBB] =	sst s0  }
0x18: {  	s0 =	sld [smem:$0x3F9E];
	_ =	swait.ge [sflag:s4], $0x0  }
0x19: {  	s7 =	sld [smem:$0x3F9F]  }
0x1a: {  	s8 =	sadd.s32 $0xFFFFE003, lr  }
0x1b: {  	s9 =	sadd.s32 $0xFFFFFEF7, lr;
	s5 =	simm.s32 $0xFFFFFFFF;
	p2 =	slt.u32 s8, $0xFFFFF086  }
0x1c: {  	p1 =	slt.u32 s9, $0xF7A;
	s5 =	simm.s32 @!p2 $0x0  }
0x1d: {  	s5 =	simm.s32 @p1 $0x1;
	p0 =	seq.s32 s7, s2  }
0x1e: {  	s7 =	smul.u32 @!p0 $0xF7A, s2;
	p2 =	seq.s32 @!p0 s5, $0x0  }
0x1f: {  	s9 =	smul.u32 $0xF7A, s1;
	s8 =	simm.s32 @!p0 $0x1BF5;
	p2 =	por !p2, p0  }
0x20: {  	[sflag:s8] =	ssyncset.s32 @!p0 $0xFFFFF086;
	s6 =	sadd.s32 @!p0 s3, s7;
	s7 =	simm.s32 @!p0 $0x108  }
0x21: {  	s3 =	sadd.s32 s3, s9;
	s6 =	sadd.s32 @!p0 $0x88, s6;
	s7 =	simm.s32 @p2 $0x1082  }
0x22: {  	[simem:s7], [sflag:s8] =	dma.local @!p0 [hbm:s6], $0xF7A  }
0x23: {  	s9 =	sor.u32 $0xD0000000, s2;
	s6 =	simm.s32 $0x108;
	_ =	swait.ge @!p0 [sflag:s8], $0x0  }
0x24: {  	s3 =	sadd.s32 $0x88, s3;
	s6 =	simm.s32 @!p1 $0x1082;
	[sflag:s4] =	ssyncset.s32 $0xFFFFF086  }
0x25: {  	[simem:s6], [sflag:s4] =	dma.local [hbm:s3], $0xF7A  }
0x26: {  	[smem:$0x3F9F] =	sst s1;
	(tag) =	ssettag s2;
	_ =	strace s9  }
0x27: {  	s1 =	sld [smem:$0x3FAF]  }
0x28: {  	s2 =	sld [smem:$0x3FB0]  }
0x29: {  	s4 =	sld [smem:$0x3FB2]  }
0x2a: {  	p0 =	seq.s32 s5, $0x0;
	s5 =	sld [smem:$0x3FB3]  }
0x2b: {  	s6 =	sld [smem:$0x3FB4]  }
0x2c: {  	s7 =	sld [smem:$0x3FB5]  }
0x2d: {  	s3 =	simm.s32 $0x108;
	s8 =	sld [smem:$0x3FB6]  }
0x2e: {  	s3 =	simm.s32 @!p0 $0x1082;
	s9 =	sld [smem:$0x3FB7]  }
0x2f: {  	lr =	sadd.s32 s0, s3;
	s0 =	sld [smem:$0x3FAE]  }
0x30: {  	s3 =	sld [smem:$0x3FB1]  }
0x31: {  	[smem:$0x3FBA] =	sst s10  }
0x32: {  	s10 =	sld [smem:$0x3FB8];
	_ =	sdelay $0x3  }
0x33: {  	p0 =	seq.s32 s10, $0x1;
	s10 =	sld [smem:$0x3FBA];
	_ =	sdelay $0x3  }
0x34: {  	[smem:$0x3FBA] =	sst s10  }
0x35: {  	s10 =	sld [smem:$0x3FB9];
	_ =	sdelay $0x3  }
0x36: {  	p1 =	seq.s32 s10, $0x1;
	s10 =	sld [smem:$0x3FBA];
	_ =	sdelay $0x3  }
0x37: {  	[smem:$0x3FBA] =	sst s10  }
0x38: {  	s10 =	sld [smem:$0x3FBB]  }
0x39: {  	_ = 	snop;
	(pc) =	sbr.ind lr, $3  }
0x3a: {  	_ = 	snop  }
0x3b: {  	_ = 	snop  }
0x3c: {  	p2 =	seq.s32 s10, $0x1;
	s10 =	sld [smem:$0x3FBA]  }
0x3d: {  	_ =	shalt  }
0x3e: {  	_ =	shalt  }
0x3f: {  	_ =	shalt  }
0x40: {  	_ =	shalt  }
0x41: {  	_ =	shalt  }
0x42: {  	_ =	shalt  }
0x43: {  	_ =	shalt  }
0x44: {  	_ =	shalt  }
0x45: {  	_ =	shalt  }
0x46: {  	_ =	shalt  }
0x47: {  	_ =	shalt  }
0x48: {  	_ =	shalt  }
0x49: {  	_ =	shalt  }
0x4a: {  	_ =	shalt  }
0x4b: {  	_ =	shalt  }
0x4c: {  	_ =	shalt  }
0x4d: {  	_ =	shalt  }
0x4e: {  	_ =	shalt  }
0x4f: {  	_ =	shalt  }
0x50: {  	_ =	shalt  }
0x51: {  	_ =	shalt  }
0x52: {  	_ =	shalt  }
0x53: {  	_ =	shalt  }
0x54: {  	_ =	shalt  }
0x55: {  	_ =	shalt  }
0x56: {  	_ =	shalt  }
0x57: {  	_ =	shalt  }
0x58: {  	_ =	shalt  }
0x59: {  	_ =	shalt  }
0x5a: {  	_ =	shalt  }
0x5b: {  	_ =	shalt  }
0x5c: {  	_ =	shalt  }
0x5d: {  	_ =	shalt  }
0x5e: {  	_ =	shalt  }
0x5f: {  	_ =	shalt  }
0x60: {  	_ =	shalt  }
0x61: {  	_ =	shalt  }
0x62: {  	_ =	shalt  }
0x63: {  	_ =	shalt  }
0x64: {  	_ =	shalt  }
0x65: {  	_ =	shalt  }
0x66: {  	_ =	shalt  }
0x67: {  	_ =	shalt  }
0x68: {  	_ =	shalt  }
0x69: {  	_ =	shalt  }
0x6a: {  	_ =	shalt  }
0x6b: {  	_ =	shalt  }
0x6c: {  	_ =	shalt  }
0x6d: {  	_ =	shalt  }
0x6e: {  	_ =	shalt  }
0x6f: {  	_ =	shalt  }
0x70: {  	_ =	shalt  }
0x71: {  	_ =	shalt  }
0x72: {  	_ =	shalt  }
0x73: {  	_ =	shalt  }
0x74: {  	_ =	shalt  }
0x75: {  	_ =	shalt  }
0x76: {  	_ =	shalt  }
0x77: {  	_ =	shalt  }
0x78: {  	_ =	shalt  }
0x79: {  	_ =	shalt  }
0x7a: {  	_ =	shalt  }
0x7b: {  	_ =	shalt  }
0x7c: {  	_ =	shalt  }
0x7d: {  	_ =	shalt  }
0x7e: {  	_ =	shalt  }
0x7f: {  	_ =	shalt  }
0x80: {  	_ =	shalt  }
0x81: {  	_ =	shalt  }
0x82: {  	_ =	shalt  }
0x83: {  	_ =	shalt  }
0x84: {  	_ =	shalt  }
0x85: {  	_ =	shalt  }
0x86: {  	_ =	shalt  }
0x87: {  	_ =	shalt  }
.Lfunc_end0:
.L_simem_size_0:
called_computation_lowered:
.L_overlay_start_0:
0x88: {  	s2 =	sld [smem:$0x3FD9]  }
0x89: {  	s3 =	sld [smem:$0x3FFE];
	_ =	sdelay $0x1  }
0x8a: {  	s1 =	srdreg.scid  }
0x8b: {  	s0 =	sand.u32 $0x1, s1  }
0x8c: {  	s17 =	sshll.u32 s0, $0xA;
	s2 =	sadd.s32 s3, s2  }
0x8d: {  	s2 =	sadd.s32 s2, s17  }
0x8e: {  	[smem:$0x3FC6] =	sst s2  }
0x8f: {  	_ = 	snop  }
0x90: {  	s2 =	sld [smem:$0x3FC9]  }
0x91: {  	s18 =	sld [smem:$0x3FD0];
	(tm) =	ssettm $0x1  }
0x92: {  	s4 =	sld [smem:$0x3FFB];
	_ =	sdelay $0x3  }
0x93: {  	_ =	strace s4  }
0x94: {  	s4 =	sld [smem:$0x3FFC];
	_ =	sdelay $0x3  }
0x95: {  	_ =	strace s4  }
0x96: {  	s4 =	sld [smem:$0x3FFD];
	_ =	sdelay $0x3  }
0x97: {  	_ =	strace s4  }
0x98: {  	_ =	strace $0x8FFFFFFF  }
0x99: {  	s19 =	sld [smem:$0x3FDB];
	_ =	sdelay $0x1  }
0x9a: {  	s5 =	simm.s32 $_scs_section_size  }
0x9b: {  	s6 =	simm.s32 $_size__tile_overlayer_lowered;
	s7 =	simm.s32 $_tile_overlayer_lowered  }
0x9c: {  	s22 =	simm.s32 $0x1BFF;
	s21 =	sshll.u32 s7, $0x1;
	s4 =	sadd.s32 s5, s19  }
0x9d: {  	s8 =	simm.s32 $0x0;
	s20 =	sshll.u32 s6, $0x1;
	s6 =	sadd.s32 s21, s4  }
0x9e: {  	[timem:s8], [sflag:s22] =	dma.local [hbm:s6], s20  }
0x9f: {  	_ =	swait.ge [sflag:s22], s20  }
0xa0: {  	s5 =	ssub.s32 $0x0, s20;
	[sflag:s22] =	ssyncset.done $0x0  }
0xa1: {  	[sflag:s22] =	ssyncadd.s32 s5;
	_ =	sdelay $0x1  }
0xa2: {  	s23 =	simm.s32 $0x1B8B  }
0xa3: {  	_ =	swait.ge [sflag:s23], $0x1  }
0xa4: {  	[sflag:s23] =	ssyncset.done $0x0  }
0xa5: {  	s25 =	simm.s32 $0x1B8E;
	s24 =	sld [smem:$0x3FFE];
	[sflag:s23] =	ssyncadd.s32 $0xFFFFFFFF  }
0xa6: {  	s26 =	simm.s32 $execute0_lowered;
	[smem:$0x3FD2] =	sst s25  }
0xa7: {  	s6 =	sshll.u32 s26, $0x1;
	_ =	strace $0x80000046;
	[dreg:$0x1] =	wrdreg $0xFFFFFFFF  }
0xa8: {  	s28 =	simm.s32 $_size_execute0_lowered;
	s4 =	sadd.s32 s4, s6;
	[dreg:$0x0] =	wrdreg $0x0  }
0xa9: {  	s6 =	sshll.u32 s28, $0x1;
	[dreg:$0x2] =	wrdreg s4  }
0xaa: {  	[dreg:$0x3] =	wrdreg s6  }
0xab: {  	[dreg:$0x4] =	wrdreg $0xC0  }
0xac: {  	_ =	task [dreg:s8], $0x5FFFF  }
0xad: {  	[dreg:$0x1] =	wrdreg $0xFFFFFFFF  }
0xae: {  	[dreg:$0x0] =	wrdreg $0x60  }
0xaf: {  	[dreg:$0x2] =	wrdreg s2  }
0xb0: {  	[dreg:$0x3] =	wrdreg s24  }
0xb1: {  	[dreg:$0x4] =	wrdreg s18  }
0xb2: {  	[dreg:$0x5] =	wrdreg $0x9  }
0xb3: {  	_ =	task.clear_ibuf [dreg:s8], $0x6FFFF;
	_ =	strace $0x90000046  }
0xb4: {  	s29 =	simm.s32 $0x9;
	_ =	strace $0x80000048  }
0xb5: {  	_ =	swait.ge [sflag:s29], $0x1  }
0xb6: {  	[sflag:s29] =	ssyncadd.s32 $0xFFFFFFFF  }
0xb7: {  	_ =	strace $0x90000048  }
0xb8: {  	_ =	sfence  }
0xb9: {  	s30 =	sld [smem:$0x0];
	_ =	sdelay $0x2  }
0xba: {  	s31 =	sshll.u32 s1, $0xD;
	s1 =	sshrl.u32 s1, $0x2  }
0xbb: {  	s3 =	sand.u32 $0x4000, s31;
	s1 =	sadd.s32 s1, s30  }
0xbc: {  	s0 =	sor.u32 s3, s0;
	s1 =	sshll.u32 s1, $0x11  }
0xbd: {  	s0 =	sor.u32 s1, s0  }
0xbe: {  	s0 =	sadd.s32 $0x8F2B, s0  }
0xbf: {  	[sflag:s0] =	ssyncadd.remote.s32 $0x1  }
0xc0: {  	_ =	sfence.sel $0xFFFF  }
0xc1: {  	[dreg:$0x0] =	wrdreg $0xFFFFFFFF;
	(pc) =	sbr.abs _section_cstart, $3  }
0xc2: {  	[dreg:$0x1] =	wrdreg $0xFFFFFFFF  }
0xc3: {  	_ =	task.clear_ibuf [dreg:s8], $0x2FFFF;
	_ =	strace $0x9FFFFFFF  }
0xc4: {  	(tm) =	ssettm $0x7FFFFFFF  }
0xc5: {  	_ =	shalt  }
tec
execute0_lowered:
.L_overlay_start_1:
0x0: {  	(tag) =	ssettag $0x1  }
0x1: {  	s0 =	rddreg [dreg:$0x0]  }
0x2: {  	s1 =	rddreg [dreg:$0x1]  }
0x3: {  	s2 =	rddreg [dreg:$0x2]  }
0x4: {  	s3 =	srdreg.scid;
	s5 =	stileid.u32  }
0x5: {  	s15 =	simm.s32 $0x80;
	s28 =	simm.s32 $0x7;
	s29 =	simm.s32 $0x12600  }
0x6: {  	s30 =	simm.s32 $0x3;
	s31 =	simm.s32 $0x8;
	s12 =	simm.s32 $0x9  }
0x7: {  	s13 =	simm.s32 $0x16A00;
	s18 =	simm.s32 $0x5;
	s20 =	simm.s32 $0xA  }
0x8: {  	s4 =	sand.u32 $0x1, s3;
	s3 =	simm.s32 $0x0;
	s5 =	sshll.u32 s5, $0xB  }
0x9: {  	s6 =	sshll.u32 s4, $0xA;
	[smem:$0x7FF] =	sst s3;
	s7 =	ssub.s32 $0x2, s4  }
0xa: {  	s4 =	sor.u32 s6, s5;
	_ =	strace $0x80000047;
	s22 =	sshrl.u32 s7, $0x1  }
0xb: {  	s5 =	sadd.s32 $0xF42800, s1;
	s1 =	simm.s32 $0x4;
	s8 =	sshrl.u32 s4, $0x3  }
0xc: {  	s23 =	ssub.s32 s7, s22;
	s24 =	sor.u32 $0x40000, s4;
	s25 =	sor.u32 $0x80000, s4  }
.Ltmp0:
0xd: {  	s9 =	sor.u32 $0xC0000, s4;
	s10 =	sor.u32 $0x100000, s4;
	(pc) =	sbr.rel .LBB2_1-.Ltmp0, $4  }
0xe: {  	v0 =	vlaneseq.u32;
	s22 =	simm.s32 $0x18C00;
	s7 =	simm.s32 $0x0;
	[dreg:$0x5] =	wrdreg s24  }
0xf: {  	v0 =	vmul.u32 $0x88, v0;
	s0 =	sadd.s32 s0, s8;
	[dreg:$0x6] =	wrdreg s25;
	s26 =	smax.u32 s23, $0x1  }
0x10: {  	s24 =	simm.s32 $0x1;
	s25 =	simm.s32 $0x10400;
	[dreg:$0x4] =	wrdreg s0  }
0x11: {  	v1 =	vadd.s32 $0x880, v0;
	v2 =	vadd.s32 $0x1100, v0;
	v3 =	vadd.s32 $0x1980, v0;
	[dreg:$0x7] =	wrdreg s26;
	s26 =	simm.s32 $0x2;
	s0 =	simm.s32 $0x14800  }
.LBB2_40:
0x12: {  	s6 =	simm.s32 $0x6  }
0x13: {  	_ =	swait.ge [sflag:s6], $0x2000  }
0x14: {  	[sflag:s6] =	ssyncset.done $0x0  }
0x15: {  	[sflag:s6] =	ssyncadd.s32 $0xFFFFE000  }
0x16: {  	_ =	swait.ge [sflag:s28], $0x2000  }
0x17: {  	[sflag:s28] =	ssyncset.done $0x0  }
0x18: {  	[sflag:s28] =	ssyncadd.s32 $0xFFFFE000  }
0x19: {  	_ =	swait.ge [sflag:s31], $0x2000  }
0x1a: {  	[sflag:s31] =	ssyncset.done $0x0  }
0x1b: {  	[sflag:s31] =	ssyncadd.s32 $0xFFFFE000  }
0x1c: {  	_ =	swait.ge [sflag:s12], $0x2000  }
0x1d: {  	[sflag:s12] =	ssyncset.done $0x0  }
0x1e: {  	[sflag:s12] =	ssyncadd.s32 $0xFFFFE000  }
0x1f: {  	_ =	swait.ge [sflag:s20], $0x2000  }
0x20: {  	s7 =	rddreg [dreg:$0x8]  }
0x21: {  	s23 =	rddreg [dreg:$0x7];
	s7 =	sadd.s32 $0x1, s7  }
0x22: {  	p0 =	sne.s32 s7, s23  }
.Ltmp1:
0x23: {  	_ = 	snop;
	(pc) =	sbr.rel @!p0 .LBB2_41-.Ltmp1, $3  }
0x24: {  	_ =	sdelay $0x1  }
0x25: {  	[sflag:s20] =	ssyncset.done $0x0  }
0x26: {  	[sflag:s20] =	ssyncadd.s32 $0xFFFFE000  }
.LBB2_1:
0x27: {  	[dreg:$0x8] =	wrdreg s7  }
0x28: {  	s6 =	rddreg [dreg:$0x4]  }
0x29: {  	s23 =	simm.s32 $0x400;
	s8 =	simm.s32 $0x8000;
	s7 =	simm.s32 $0xB  }
0x2a: {  	[tilespmem:s3], [sflag:$0xB] =	stream.strided.gather [hbm4b:s6+s23], $0x6400, s8, s23, $0x38;
	[tilespmem:$0x1AE00] =	vst v63  }
0x2b: {  	_ =	swait.ge [sflag:s7], $0x6400  }
0x2c: {  	[sflag:s7] =	ssyncset.done $0x0  }
0x2d: {  	s8 =	simm.s32 $0x6400;
	[sflag:s7] =	ssyncadd.s32 $0xFFFF9C00  }
0x2e: {  	[tilespmem:s8], [sflag:$0x1] =	stream.indirect.gather [hbm4b:s5+s15], $0x40, s3, s15, $0xb8;
	[tilespmem:$0x1AE00] =	vst v63  }
0x2f: {  	s11 =	simm.s32 $0x8400  }
0x30: {  	[tilespmem:s11], [sflag:$0x2] =	stream.indirect.gather [hbm4b:s5+s15], $0x40, s15, s15, $0xb8;
	[tilespmem:$0x1AE00] =	vst v63  }
0x31: {  	s14 =	simm.s32 $0x100;
	s16 =	simm.s32 $0xA400  }
0x32: {  	[tilespmem:s16], [sflag:$0x3] =	stream.indirect.gather [hbm4b:s5+s15], $0x40, s14, s15, $0xb8;
	[tilespmem:$0x1AE00] =	vst v63  }
0x33: {  	s17 =	simm.s32 $0x180;
	s19 =	simm.s32 $0xC400  }
0x34: {  	[tilespmem:s19], [sflag:$0x4] =	stream.indirect.gather [hbm4b:s5+s15], $0x40, s17, s15, $0xb8;
	[tilespmem:$0x1AE00] =	vst v63  }
0x35: {  	s21 =	simm.s32 $0x200;
	s23 =	simm.s32 $0xE400;
	s14 =	simm.s32 $0x0  }
0x36: {  	[tilespmem:s23], [sflag:$0x5] =	stream.indirect.gather [hbm4b:s5+s15], $0x40, s21, s15, $0xb8;
	[tilespmem:$0x1AE00] =	vst v63  }
.LBB2_2:
0x37: {  	_ =	swait.ge [sflag:s24], $0x2000  }
0x38: {  	p0 =	seq.s32 s14, $0x0;
	[sflag:s24] =	ssyncset.done $0x0  }
0x39: {  	s6 =	simm.s32 @!p0 $0x6;
	[sflag:s24] =	ssyncadd.s32 $0xFFFFE000  }
0x3a: {  	_ =	swait.ge @!p0 [sflag:s6], $0x2000  }
0x3b: {  	[sflag:s6] =	ssyncset.done @!p0 $0x0  }
0x3c: {  	s17 =	simm.s32 $0x0;
	s11 =	simm.s32 $0x6480;
	[sflag:s6] =	ssyncadd.s32 @!p0 $0xFFFFE000  }
0x3d: {  	v4 =	vmov s17;
	v5 =	vld [tilespmem:s11+$0xFFFFFF80]  }
0x3e: {  	v4 =	vand.u32 $0x7C, v4  }
0x3f: {  	v6 =	vadd.s32 v0, v4;
	_ =	sdelay $0x2  }
0x40: {  	v5 =	vmul.f32 $8.000000000e+00, v5;
	_ =	sdelay $0x1  }
0x41: {  	[tilespmem:v6+s25+$0x0] =	vst.idx.msk $0xffff, v5  }
0x42: {  	v5 =	vld [tilespmem:s11+$0xFFFFFF90];
	_ =	sdelay $0x1  }
0x43: {  	v6 =	vadd.s32 v1, v4;
	_ =	sdelay $0x2  }
0x44: {  	v5 =	vmul.f32 $8.000000000e+00, v5;
	_ =	sdelay $0x1  }
0x45: {  	[tilespmem:v6+s25+$0x0] =	vst.idx.msk $0xffff, v5  }
0x46: {  	v5 =	vld [tilespmem:s11+$0xFFFFFFA0];
	_ =	sdelay $0x1  }
0x47: {  	v6 =	vadd.s32 v2, v4;
	_ =	sdelay $0x2  }
0x48: {  	v5 =	vmul.f32 $8.000000000e+00, v5;
	_ =	sdelay $0x1  }
0x49: {  	[tilespmem:v6+s25+$0x0] =	vst.idx.msk $0xffff, v5  }
0x4a: {  	v5 =	vld [tilespmem:s11+$0xFFFFFFB0];
	_ =	sdelay $0x1  }
0x4b: {  	v4 =	vadd.s32 v3, v4;
	_ =	sdelay $0x2  }
0x4c: {  	v5 =	vmul.f32 $8.000000000e+00, v5;
	_ =	sdelay $0x1  }
0x4d: {  	s19 =	simm.s32 $0x1;
	[tilespmem:v4+s25+$0x0] =	vst.idx.msk $0xffff, v5  }
0x4e: {  	v4 =	vmov s19;
	v5 =	vld [tilespmem:s11+$0xFFFFFFC0]  }
0x4f: {  	v4 =	vand.u32 $0x7D, v4  }
0x50: {  	v6 =	vadd.s32 v0, v4;
	_ =	sdelay $0x2  }
0x51: {  	v5 =	vmul.f32 $8.000000000e+00, v5;
	_ =	sdelay $0x1  }
0x52: {  	[tilespmem:v6+s25+$0x0] =	vst.idx.msk $0xffff, v5  }
0x53: {  	v5 =	vld [tilespmem:s11+$0xFFFFFFD0];
	_ =	sdelay $0x1  }
0x54: {  	v6 =	vadd.s32 v1, v4;
	_ =	sdelay $0x2  }
0x55: {  	v5 =	vmul.f32 $8.000000000e+00, v5;
	_ =	sdelay $0x1  }
0x56: {  	[tilespmem:v6+s25+$0x0] =	vst.idx.msk $0xffff, v5  }
0x57: {  	v5 =	vld [tilespmem:s11+$0xFFFFFFE0];
	_ =	sdelay $0x1  }
0x58: {  	v6 =	vadd.s32 v2, v4;
	_ =	sdelay $0x2  }
0x59: {  	v5 =	vmul.f32 $8.000000000e+00, v5;
	_ =	sdelay $0x1  }
0x5a: {  	[tilespmem:v6+s25+$0x0] =	vst.idx.msk $0xffff, v5  }
0x5b: {  	v5 =	vld [tilespmem:s11+$0xFFFFFFF0];
	_ =	sdelay $0x1  }
0x5c: {  	v4 =	vadd.s32 v3, v4;
	_ =	sdelay $0x2  }
0x5d: {  	v5 =	vmul.f32 $8.000000000e+00, v5;
	_ =	sdelay $0x1  }
0x5e: {  	s21 =	simm.s32 $0x2;
	[tilespmem:v4+s25+$0x0] =	vst.idx.msk $0xffff, v5  }
0x5f: {  	v4 =	vmov s21;
	v5 =	vld [tilespmem:s11+$0x0]  }
0x60: {  	v4 =	vand.u32 $0x7E, v4  }
0x61: {  	v6 =	vadd.s32 v0, v4;
	_ =	sdelay $0x2  }
0x62: {  	v5 =	vmul.f32 $8.000000000e+00, v5;
	_ =	sdelay $0x1  }
0x63: {  	[tilespmem:v6+s25+$0x0] =	vst.idx.msk $0xffff, v5  }
0x64: {  	v5 =	vld [tilespmem:s11+$0x10];
	_ =	sdelay $0x1  }
0x65: {  	v6 =	vadd.s32 v1, v4;
	_ =	sdelay $0x2  }
0x66: {  	v5 =	vmul.f32 $8.000000000e+00, v5;
	_ =	sdelay $0x1  }
0x67: {  	[tilespmem:v6+s25+$0x0] =	vst.idx.msk $0xffff, v5  }
0x68: {  	v5 =	vld [tilespmem:s11+$0x20];
	_ =	sdelay $0x1  }
0x69: {  	v6 =	vadd.s32 v2, v4;
	_ =	sdelay $0x2  }
0x6a: {  	v5 =	vmul.f32 $8.000000000e+00, v5;
	_ =	sdelay $0x1  }
0x6b: {  	[tilespmem:v6+s25+$0x0] =	vst.idx.msk $0xffff, v5  }
0x6c: {  	v5 =	vld [tilespmem:s11+$0x30];
	_ =	sdelay $0x1  }
0x6d: {  	v4 =	vadd.s32 v3, v4;
	_ =	sdelay $0x2  }
0x6e: {  	v5 =	vmul.f32 $8.000000000e+00, v5;
	_ =	sdelay $0x1  }
0x6f: {  	s23 =	simm.s32 $0x3;
	[tilespmem:v4+s25+$0x0] =	vst.idx.msk $0xffff, v5  }
0x70: {  	v4 =	vmov s23;
	v5 =	vld [tilespmem:s11+$0x40]  }
0x71: {  	v4 =	vand.u32 $0x7F, v4  }
0x72: {  	v6 =	vadd.s32 v0, v4;
	_ =	sdelay $0x2  }
0x73: {  	v5 =	vmul.f32 $8.000000000e+00, v5;
	_ =	sdelay $0x1  }
0x74: {  	[tilespmem:v6+s25+$0x0] =	vst.idx.msk $0xffff, v5  }
0x75: {  	v5 =	vld [tilespmem:s11+$0x50];
	_ =	sdelay $0x1  }
0x76: {  	v6 =	vadd.s32 v1, v4;
	_ =	sdelay $0x2  }
0x77: {  	v5 =	vmul.f32 $8.000000000e+00, v5;
	_ =	sdelay $0x1  }
0x78: {  	[tilespmem:v6+s25+$0x0] =	vst.idx.msk $0xffff, v5  }
0x79: {  	v5 =	vld [tilespmem:s11+$0x60];
	_ =	sdelay $0x1  }
0x7a: {  	v6 =	vadd.s32 v2, v4;
	_ =	sdelay $0x2  }
0x7b: {  	v5 =	vmul.f32 $8.000000000e+00, v5;
	_ =	sdelay $0x1  }
0x7c: {  	[tilespmem:v6+s25+$0x0] =	vst.idx.msk $0xffff, v5  }
0x7d: {  	v5 =	vld [tilespmem:s11+$0x70];
	_ =	sdelay $0x1  }
0x7e: {  	v4 =	vadd.s32 v3, v4;
	_ =	sdelay $0x2  }
0x7f: {  	s16 =	simm.s32 $0x4;
	s6 =	smul.u32 $0x5, s14;
	v5 =	vmul.f32 $8.000000000e+00, v5  }
.LBB2_3:
0x80: {  	p1 =	slt.u32 s16, $0x7C  }
0x81: {  	s11 =	sadd.s32 $0x100, s11;
	s17 =	smov.u32 s16;
	s16 =	sadd.s32 $0x4, s16;
	[tilespmem:v4+s25+$0x0] =	vst.idx.msk $0xffff, v5  }
0x82: {  	v4 =	vmov s17;
	v5 =	vld [tilespmem:s11+$0xFFFFFF80]  }
0x83: {  	v4 =	vand.u32 $0x7C, v4  }
0x84: {  	v6 =	vadd.s32 v0, v4;
	_ =	sdelay $0x2  }
0x85: {  	v5 =	vmul.f32 $8.000000000e+00, v5;
	_ =	sdelay $0x1  }
0x86: {  	[tilespmem:v6+s25+$0x0] =	vst.idx.msk $0xffff, v5  }
0x87: {  	v5 =	vld [tilespmem:s11+$0xFFFFFF90];
	_ =	sdelay $0x1  }
0x88: {  	v6 =	vadd.s32 v1, v4;
	_ =	sdelay $0x2  }
0x89: {  	v5 =	vmul.f32 $8.000000000e+00, v5;
	_ =	sdelay $0x1  }
0x8a: {  	[tilespmem:v6+s25+$0x0] =	vst.idx.msk $0xffff, v5  }
0x8b: {  	v5 =	vld [tilespmem:s11+$0xFFFFFFA0];
	_ =	sdelay $0x1  }
0x8c: {  	v6 =	vadd.s32 v2, v4;
	_ =	sdelay $0x2  }
0x8d: {  	v5 =	vmul.f32 $8.000000000e+00, v5;
	_ =	sdelay $0x1  }
0x8e: {  	[tilespmem:v6+s25+$0x0] =	vst.idx.msk $0xffff, v5  }
0x8f: {  	v5 =	vld [tilespmem:s11+$0xFFFFFFB0];
	_ =	sdelay $0x1  }
0x90: {  	v4 =	vadd.s32 v3, v4;
	_ =	sdelay $0x2  }
0x91: {  	v5 =	vmul.f32 $8.000000000e+00, v5;
	_ =	sdelay $0x1  }
0x92: {  	s19 =	sadd.s32 $0x1, s17;
	[tilespmem:v4+s25+$0x0] =	vst.idx.msk $0xffff, v5  }
0x93: {  	v4 =	vmov s19;
	v5 =	vld [tilespmem:s11+$0xFFFFFFC0]  }
0x94: {  	v4 =	vand.u32 $0x7D, v4  }
0x95: {  	v6 =	vadd.s32 v0, v4;
	_ =	sdelay $0x2  }
0x96: {  	v5 =	vmul.f32 $8.000000000e+00, v5;
	_ =	sdelay $0x1  }
0x97: {  	[tilespmem:v6+s25+$0x0] =	vst.idx.msk $0xffff, v5  }
0x98: {  	v5 =	vld [tilespmem:s11+$0xFFFFFFD0];
	_ =	sdelay $0x1  }
0x99: {  	v6 =	vadd.s32 v1, v4;
	_ =	sdelay $0x2  }
0x9a: {  	v5 =	vmul.f32 $8.000000000e+00, v5;
	_ =	sdelay $0x1  }
0x9b: {  	[tilespmem:v6+s25+$0x0] =	vst.idx.msk $0xffff, v5  }
0x9c: {  	v5 =	vld [tilespmem:s11+$0xFFFFFFE0];
	_ =	sdelay $0x1  }
0x9d: {  	v6 =	vadd.s32 v2, v4;
	_ =	sdelay $0x2  }
0x9e: {  	v5 =	vmul.f32 $8.000000000e+00, v5;
	_ =	sdelay $0x1  }
0x9f: {  	[tilespmem:v6+s25+$0x0] =	vst.idx.msk $0xffff, v5  }
0xa0: {  	v5 =	vld [tilespmem:s11+$0xFFFFFFF0];
	_ =	sdelay $0x1  }
0xa1: {  	v4 =	vadd.s32 v3, v4;
	_ =	sdelay $0x2  }
0xa2: {  	v5 =	vmul.f32 $8.000000000e+00, v5;
	_ =	sdelay $0x1  }
0xa3: {  	s19 =	sadd.s32 $0x2, s17;
	[tilespmem:v4+s25+$0x0] =	vst.idx.msk $0xffff, v5  }
0xa4: {  	v4 =	vmov s19;
	v5 =	vld [tilespmem:s11+$0x0]  }
0xa5: {  	v4 =	vand.u32 $0x7E, v4  }
0xa6: {  	v6 =	vadd.s32 v0, v4;
	_ =	sdelay $0x2  }
0xa7: {  	v5 =	vmul.f32 $8.000000000e+00, v5;
	_ =	sdelay $0x1  }
0xa8: {  	[tilespmem:v6+s25+$0x0] =	vst.idx.msk $0xffff, v5  }
0xa9: {  	v5 =	vld [tilespmem:s11+$0x10];
	_ =	sdelay $0x1  }
0xaa: {  	v6 =	vadd.s32 v1, v4;
	_ =	sdelay $0x2  }
0xab: {  	v5 =	vmul.f32 $8.000000000e+00, v5;
	_ =	sdelay $0x1  }
0xac: {  	[tilespmem:v6+s25+$0x0] =	vst.idx.msk $0xffff, v5  }
0xad: {  	v5 =	vld [tilespmem:s11+$0x20];
	_ =	sdelay $0x1  }
0xae: {  	v6 =	vadd.s32 v2, v4;
	_ =	sdelay $0x2  }
0xaf: {  	v5 =	vmul.f32 $8.000000000e+00, v5;
	_ =	sdelay $0x1  }
0xb0: {  	[tilespmem:v6+s25+$0x0] =	vst.idx.msk $0xffff, v5  }
0xb1: {  	v5 =	vld [tilespmem:s11+$0x30];
	_ =	sdelay $0x1  }
0xb2: {  	v4 =	vadd.s32 v3, v4;
	_ =	sdelay $0x2  }
0xb3: {  	v5 =	vmul.f32 $8.000000000e+00, v5;
	_ =	sdelay $0x1  }
0xb4: {  	s17 =	sadd.s32 $0x3, s17;
	[tilespmem:v4+s25+$0x0] =	vst.idx.msk $0xffff, v5  }
0xb5: {  	v4 =	vmov s17;
	v5 =	vld [tilespmem:s11+$0x40]  }
0xb6: {  	v4 =	vand.u32 $0x7F, v4  }
0xb7: {  	v6 =	vadd.s32 v0, v4;
	_ =	sdelay $0x2  }
0xb8: {  	v5 =	vmul.f32 $8.000000000e+00, v5;
	_ =	sdelay $0x1  }
0xb9: {  	[tilespmem:v6+s25+$0x0] =	vst.idx.msk $0xffff, v5  }
0xba: {  	v5 =	vld [tilespmem:s11+$0x50];
	_ =	sdelay $0x1  }
0xbb: {  	v6 =	vadd.s32 v1, v4;
	_ =	sdelay $0x2  }
0xbc: {  	v5 =	vmul.f32 $8.000000000e+00, v5;
	_ =	sdelay $0x1  }
0xbd: {  	[tilespmem:v6+s25+$0x0] =	vst.idx.msk $0xffff, v5  }
0xbe: {  	v5 =	vld [tilespmem:s11+$0x60];
	_ =	sdelay $0x1  }
0xbf: {  	v6 =	vadd.s32 v2, v4;
	_ =	sdelay $0x2  }
0xc0: {  	v5 =	vmul.f32 $8.000000000e+00, v5;
	_ =	sdelay $0x1  }
0xc1: {  	[tilespmem:v6+s25+$0x0] =	vst.idx.msk $0xffff, v5  }
0xc2: {  	v5 =	vld [tilespmem:s11+$0x70]  }
.Ltmp2:
0xc3: {  	(pc) =	sbr.rel @p1 .LBB2_3-.Ltmp2, $2  }
0xc4: {  	v4 =	vadd.s32 v3, v4;
	_ =	sdelay $0x2  }
0xc5: {  	v5 =	vmul.f32 $8.000000000e+00, v5  }
0xc6: {  	s11 =	smul.u32 $0x140000, s14;
	_ =	sdelay $0x1  }
0xc7: {  	s16 =	sor.u32 s4, s11  }
0xc8: {  	s16 =	sshrl.u32 s16, $0x3  }
0xc9: {  	s7 =	simm.s32 $0x10400;
	[tilespmem:v4+s25+$0x0] =	vst.idx.msk $0xffff, v5;
	s17 =	sadd.s32 s2, s16  }
0xca: {  	[hbm4b:s17+s3] =	stream.linear.scatter [tilespmem:s7], [sflag:$0x6], $0x80, $0x38;
	[tilespmem:$0x1AE00] =	vst v63  }
0xcb: {  	s8 =	simm.s32 $0x10488;
	s19 =	sadd.s32 $0x10, s17  }
0xcc: {  	[hbm4b:s19+s3] =	stream.linear.scatter [tilespmem:s8], [sflag:$0x6], $0x80, $0x38;
	[tilespmem:$0x1AE00] =	vst v63  }
0xcd: {  	s21 =	simm.s32 $0x10510;
	s23 =	sadd.s32 $0x20, s17  }
0xce: {  	[hbm4b:s23+s3] =	stream.linear.scatter [tilespmem:s21], [sflag:$0x6], $0x80, $0x38;
	[tilespmem:$0x1AE00] =	vst v63  }
0xcf: {  	s7 =	simm.s32 $0x10598;
	s8 =	sadd.s32 $0x30, s17  }
0xd0: {  	[hbm4b:s8+s3] =	stream.linear.scatter [tilespmem:s7], [sflag:$0x6], $0x80, $0x38;
	[tilespmem:$0x1AE00] =	vst v63  }
0xd1: {  	s21 =	simm.s32 $0x10620;
	s23 =	sadd.s32 $0x40, s17  }
0xd2: {  	[hbm4b:s23+s3] =	stream.linear.scatter [tilespmem:s21], [sflag:$0x6], $0x80, $0x38;
	[tilespmem:$0x1AE00] =	vst v63  }
0xd3: {  	s16 =	simm.s32 $0x440;
	s7 =	simm.s32 $0x106A8;
	s8 =	sadd.s32 $0x50, s17  }
0xd4: {  	[hbm4b:s8+s3] =	stream.linear.scatter [tilespmem:s7], [sflag:$0x6], $0x80, $0x38;
	[tilespmem:$0x1AE00] =	vst v63  }
0xd5: {  	s19 =	simm.s32 $0x2200;
	s21 =	simm.s32 $0x10730;
	s23 =	sadd.s32 $0x60, s17  }
0xd6: {  	[hbm4b:s23+s3] =	stream.linear.scatter [tilespmem:s21], [sflag:$0x6], $0x80, $0x38;
	[tilespmem:$0x1AE00] =	vst v63  }
0xd7: {  	s21 =	simm.s32 $0x107B8;
	s23 =	sadd.s32 $0x70, s17;
	s17 =	sadd.s32 $0x1000, s17  }
.LBB2_5:
0xd8: {  	[hbm4b:s23+s3] =	stream.linear.scatter [tilespmem:s21], [sflag:$0x6], $0x80, $0x38;
	[tilespmem:$0x1AE00] =	vst v63  }
0xd9: {  	s21 =	smov.u32 s16;
	s16 =	smov.u32 s19  }
0xda: {  	s7 =	sadd.s32 $0x1100, s19;
	s16 =	sshra.s32 s16, $0x2;
	s23 =	sadd.s32 $0x10400, s21  }
0xdb: {  	[hbm4b:s17+s3] =	stream.linear.scatter [tilespmem:s23], [sflag:$0x6], $0x80, $0x38;
	[tilespmem:$0x1AE00] =	vst v63  }
0xdc: {  	p1 =	sne.s32 s19, $0x7700;
	s19 =	sadd.s32 $0x10488, s21;
	s23 =	sadd.s32 $0x10, s17  }
0xdd: {  	[hbm4b:s23+s3] =	stream.linear.scatter [tilespmem:s19], [sflag:$0x6], $0x80, $0x38;
	[tilespmem:$0x1AE00] =	vst v63  }
0xde: {  	s19 =	sadd.s32 $0x10510, s21;
	s23 =	sadd.s32 $0x20, s17  }
0xdf: {  	[hbm4b:s23+s3] =	stream.linear.scatter [tilespmem:s19], [sflag:$0x6], $0x80, $0x38;
	[tilespmem:$0x1AE00] =	vst v63  }
0xe0: {  	s19 =	sadd.s32 $0x10598, s21;
	s23 =	sadd.s32 $0x30, s17  }
0xe1: {  	[hbm4b:s23+s3] =	stream.linear.scatter [tilespmem:s19], [sflag:$0x6], $0x80, $0x38;
	[tilespmem:$0x1AE00] =	vst v63  }
0xe2: {  	s19 =	sadd.s32 $0x10620, s21;
	s23 =	sadd.s32 $0x40, s17  }
0xe3: {  	[hbm4b:s23+s3] =	stream.linear.scatter [tilespmem:s19], [sflag:$0x6], $0x80, $0x38;
	[tilespmem:$0x1AE00] =	vst v63  }
.Ltmp3:
0xe4: {  	s19 =	sadd.s32 $0x106A8, s21;
	s23 =	sadd.s32 $0x50, s17;
	(pc) =	sbr.rel @p1 .LBB2_5-.Ltmp3, $4  }
0xe5: {  	[hbm4b:s23+s3] =	stream.linear.scatter [tilespmem:s19], [sflag:$0x6], $0x80, $0x38;
	[tilespmem:$0x1AE00] =	vst v63  }
0xe6: {  	s19 =	sadd.s32 $0x10730, s21;
	s23 =	sadd.s32 $0x60, s17;
	s21 =	sadd.s32 $0x107B8, s21  }
0xe7: {  	[hbm4b:s23+s3] =	stream.linear.scatter [tilespmem:s19], [sflag:$0x6], $0x80, $0x38;
	[tilespmem:$0x1AE00] =	vst v63  }
0xe8: {  	s23 =	sadd.s32 $0x70, s17;
	s17 =	sadd.s32 $0x1000, s17;
	s19 =	smov.u32 s7  }
0xe9: {  	[hbm4b:s23+s3] =	stream.linear.scatter [tilespmem:s21], [sflag:$0x6], $0x80, $0x38;
	[tilespmem:$0x1AE00] =	vst v63  }
0xea: {  	s7 =	sadd.s32 $0x10400, s16  }
0xeb: {  	[hbm4b:s17+s3] =	stream.linear.scatter [tilespmem:s7], [sflag:$0x6], $0x80, $0x38;
	[tilespmem:$0x1AE00] =	vst v63  }
0xec: {  	s21 =	sadd.s32 $0x10488, s16;
	s19 =	sadd.s32 $0x10, s17  }
0xed: {  	[hbm4b:s19+s3] =	stream.linear.scatter [tilespmem:s21], [sflag:$0x6], $0x80, $0x38;
	[tilespmem:$0x1AE00] =	vst v63  }
0xee: {  	s23 =	sadd.s32 $0x10510, s16;
	s8 =	sadd.s32 $0x20, s17  }
0xef: {  	[hbm4b:s8+s3] =	stream.linear.scatter [tilespmem:s23], [sflag:$0x6], $0x80, $0x38;
	[tilespmem:$0x1AE00] =	vst v63  }
0xf0: {  	s19 =	sadd.s32 $0x10598, s16;
	s21 =	sadd.s32 $0x30, s17  }
0xf1: {  	[hbm4b:s21+s3] =	stream.linear.scatter [tilespmem:s19], [sflag:$0x6], $0x80, $0x38;
	[tilespmem:$0x1AE00] =	vst v63  }
0xf2: {  	s23 =	sadd.s32 $0x10620, s16;
	s8 =	sadd.s32 $0x40, s17  }
0xf3: {  	[hbm4b:s8+s3] =	stream.linear.scatter [tilespmem:s23], [sflag:$0x6], $0x80, $0x38;
	[tilespmem:$0x1AE00] =	vst v63  }
0xf4: {  	p1 =	sne.s32 s14, $0x27;
	s19 =	sadd.s32 $0x106A8, s16;
	s21 =	sadd.s32 $0x50, s17  }
0xf5: {  	[hbm4b:s21+s3] =	stream.linear.scatter [tilespmem:s19], [sflag:$0x6], $0x80, $0x38;
	[tilespmem:$0x1AE00] =	vst v63  }
.Ltmp4:
0xf6: {  	_ = 	snop;
	(pc) =	sbr.rel @p1 .LBB2_8-.Ltmp4, $4  }
0xf7: {  	s23 =	sadd.s32 $0x10730, s16;
	s8 =	sadd.s32 $0x60, s17  }
0xf8: {  	[hbm4b:s8+s3] =	stream.linear.scatter [tilespmem:s23], [sflag:$0x6], $0x80, $0x38;
	[tilespmem:$0x1AE00] =	vst v63  }
0xf9: {  	s21 =	sadd.s32 $0x107B8, s16;
	s23 =	sadd.s32 $0x70, s17  }
0xfa: {  	[hbm4b:s23+s3] =	stream.linear.scatter [tilespmem:s21], [sflag:$0x6], $0x80, $0x38;
	[tilespmem:$0x1AE00] =	vst v63  }
.Ltmp5:
0xfb: {  	(pc) =	sbr.rel .LBB2_9-.Ltmp5, $4  }
0xfc: {  	_ = 	snop  }
0xfd: {  	_ =	swait.ge [sflag:s26], $0x2000  }
0xfe: {  	[sflag:s26] =	ssyncset.done $0x0  }
0xff: {  	[sflag:s26] =	ssyncadd.s32 $0xFFFFE000  }
.LBB2_8:
0x100: {  	s7 =	sshll.u32 s6, $0x7  }
0x101: {  	s7 =	sadd.s32 $0x280, s7  }
.Ltmp6:
0x102: {  	s8 =	simm.s32 $0x6400;
	s7 =	sand.u32 $0x1FF80, s7;
	(pc) =	sbr.rel @p0 .LBB2_10-.Ltmp6, $4  }
0x103: {  	[tilespmem:s8], [sflag:$0x1] =	stream.indirect.gather [hbm4b:s5+s15], $0x40, s7, s15, $0xb8;
	[tilespmem:$0x1AE00] =	vst v63  }
0x104: {  	_ =	swait.ge [sflag:s26], $0x2000  }
0x105: {  	[sflag:s26] =	ssyncset.done $0x0  }
0x106: {  	[sflag:s26] =	ssyncadd.s32 $0xFFFFE000  }
.LBB2_9:
0x107: {  	_ =	swait.ge [sflag:s28], $0x2000  }
0x108: {  	[sflag:s28] =	ssyncset.done $0x0  }
0x109: {  	[sflag:s28] =	ssyncadd.s32 $0xFFFFE000  }
.LBB2_10:
0x10a: {  	s7 =	simm.s32 $0x0;
	s16 =	simm.s32 $0x8480  }
0x10b: {  	v4 =	vmov s7;
	v5 =	vld [tilespmem:s16+$0xFFFFFF80]  }
0x10c: {  	v4 =	vand.u32 $0x7C, v4  }
0x10d: {  	v6 =	vadd.s32 v0, v4;
	_ =	sdelay $0x2  }
0x10e: {  	v5 =	vmul.f32 $8.000000000e+00, v5;
	_ =	sdelay $0x1  }
0x10f: {  	[tilespmem:v6+s29+$0x0] =	vst.idx.msk $0xffff, v5  }
0x110: {  	v5 =	vld [tilespmem:s16+$0xFFFFFF90];
	_ =	sdelay $0x1  }
0x111: {  	v6 =	vadd.s32 v1, v4;
	_ =	sdelay $0x2  }
0x112: {  	v5 =	vmul.f32 $8.000000000e+00, v5;
	_ =	sdelay $0x1  }
0x113: {  	[tilespmem:v6+s29+$0x0] =	vst.idx.msk $0xffff, v5  }
0x114: {  	v5 =	vld [tilespmem:s16+$0xFFFFFFA0];
	_ =	sdelay $0x1  }
0x115: {  	v6 =	vadd.s32 v2, v4;
	_ =	sdelay $0x2  }
0x116: {  	v5 =	vmul.f32 $8.000000000e+00, v5;
	_ =	sdelay $0x1  }
0x117: {  	[tilespmem:v6+s29+$0x0] =	vst.idx.msk $0xffff, v5  }
0x118: {  	v5 =	vld [tilespmem:s16+$0xFFFFFFB0];
	_ =	sdelay $0x1  }
0x119: {  	v4 =	vadd.s32 v3, v4;
	_ =	sdelay $0x2  }
0x11a: {  	v5 =	vmul.f32 $8.000000000e+00, v5;
	_ =	sdelay $0x1  }
0x11b: {  	s19 =	simm.s32 $0x1;
	[tilespmem:v4+s29+$0x0] =	vst.idx.msk $0xffff, v5  }
0x11c: {  	v4 =	vmov s19;
	v5 =	vld [tilespmem:s16+$0xFFFFFFC0]  }
0x11d: {  	v4 =	vand.u32 $0x7D, v4  }
0x11e: {  	v6 =	vadd.s32 v0, v4;
	_ =	sdelay $0x2  }
0x11f: {  	v5 =	vmul.f32 $8.000000000e+00, v5;
	_ =	sdelay $0x1  }
0x120: {  	[tilespmem:v6+s29+$0x0] =	vst.idx.msk $0xffff, v5  }
0x121: {  	v5 =	vld [tilespmem:s16+$0xFFFFFFD0];
	_ =	sdelay $0x1  }
0x122: {  	v6 =	vadd.s32 v1, v4;
	_ =	sdelay $0x2  }
0x123: {  	v5 =	vmul.f32 $8.000000000e+00, v5;
	_ =	sdelay $0x1  }
0x124: {  	[tilespmem:v6+s29+$0x0] =	vst.idx.msk $0xffff, v5  }
0x125: {  	v5 =	vld [tilespmem:s16+$0xFFFFFFE0];
	_ =	sdelay $0x1  }
0x126: {  	v6 =	vadd.s32 v2, v4;
	_ =	sdelay $0x2  }
0x127: {  	v5 =	vmul.f32 $8.000000000e+00, v5;
	_ =	sdelay $0x1  }
0x128: {  	[tilespmem:v6+s29+$0x0] =	vst.idx.msk $0xffff, v5  }
0x129: {  	v5 =	vld [tilespmem:s16+$0xFFFFFFF0];
	_ =	sdelay $0x1  }
0x12a: {  	v4 =	vadd.s32 v3, v4;
	_ =	sdelay $0x2  }
0x12b: {  	v5 =	vmul.f32 $8.000000000e+00, v5;
	_ =	sdelay $0x1  }
0x12c: {  	s21 =	simm.s32 $0x2;
	[tilespmem:v4+s29+$0x0] =	vst.idx.msk $0xffff, v5  }
0x12d: {  	v4 =	vmov s21;
	v5 =	vld [tilespmem:s16+$0x0]  }
0x12e: {  	v4 =	vand.u32 $0x7E, v4  }
0x12f: {  	v6 =	vadd.s32 v0, v4;
	_ =	sdelay $0x2  }
0x130: {  	v5 =	vmul.f32 $8.000000000e+00, v5;
	_ =	sdelay $0x1  }
0x131: {  	[tilespmem:v6+s29+$0x0] =	vst.idx.msk $0xffff, v5  }
0x132: {  	v5 =	vld [tilespmem:s16+$0x10];
	_ =	sdelay $0x1  }
0x133: {  	v6 =	vadd.s32 v1, v4;
	_ =	sdelay $0x2  }
0x134: {  	v5 =	vmul.f32 $8.000000000e+00, v5;
	_ =	sdelay $0x1  }
0x135: {  	[tilespmem:v6+s29+$0x0] =	vst.idx.msk $0xffff, v5  }
0x136: {  	v5 =	vld [tilespmem:s16+$0x20];
	_ =	sdelay $0x1  }
0x137: {  	v6 =	vadd.s32 v2, v4;
	_ =	sdelay $0x2  }
0x138: {  	v5 =	vmul.f32 $8.000000000e+00, v5;
	_ =	sdelay $0x1  }
0x139: {  	[tilespmem:v6+s29+$0x0] =	vst.idx.msk $0xffff, v5  }
0x13a: {  	v5 =	vld [tilespmem:s16+$0x30];
	_ =	sdelay $0x1  }
0x13b: {  	v4 =	vadd.s32 v3, v4;
	_ =	sdelay $0x2  }
0x13c: {  	v5 =	vmul.f32 $8.000000000e+00, v5;
	_ =	sdelay $0x1  }
0x13d: {  	s23 =	simm.s32 $0x3;
	[tilespmem:v4+s29+$0x0] =	vst.idx.msk $0xffff, v5  }
0x13e: {  	v4 =	vmov s23;
	v5 =	vld [tilespmem:s16+$0x40]  }
0x13f: {  	v4 =	vand.u32 $0x7F, v4  }
0x140: {  	v6 =	vadd.s32 v0, v4;
	_ =	sdelay $0x2  }
0x141: {  	v5 =	vmul.f32 $8.000000000e+00, v5;
	_ =	sdelay $0x1  }
0x142: {  	[tilespmem:v6+s29+$0x0] =	vst.idx.msk $0xffff, v5  }
0x143: {  	v5 =	vld [tilespmem:s16+$0x50];
	_ =	sdelay $0x1  }
0x144: {  	v6 =	vadd.s32 v1, v4;
	_ =	sdelay $0x2  }
0x145: {  	v5 =	vmul.f32 $8.000000000e+00, v5;
	_ =	sdelay $0x1  }
0x146: {  	[tilespmem:v6+s29+$0x0] =	vst.idx.msk $0xffff, v5  }
0x147: {  	v5 =	vld [tilespmem:s16+$0x60];
	_ =	sdelay $0x1  }
0x148: {  	v6 =	vadd.s32 v2, v4;
	_ =	sdelay $0x2  }
0x149: {  	v5 =	vmul.f32 $8.000000000e+00, v5;
	_ =	sdelay $0x1  }
0x14a: {  	[tilespmem:v6+s29+$0x0] =	vst.idx.msk $0xffff, v5  }
0x14b: {  	v5 =	vld [tilespmem:s16+$0x70];
	_ =	sdelay $0x1  }
0x14c: {  	v4 =	vadd.s32 v3, v4;
	_ =	sdelay $0x2  }
0x14d: {  	s17 =	simm.s32 $0x4;
	v5 =	vmul.f32 $8.000000000e+00, v5  }
.LBB2_11:
0x14e: {  	p2 =	slt.u32 s17, $0x7C  }
0x14f: {  	s16 =	sadd.s32 $0x100, s16;
	s19 =	smov.u32 s17;
	s17 =	sadd.s32 $0x4, s17;
	[tilespmem:v4+s29+$0x0] =	vst.idx.msk $0xffff, v5  }
0x150: {  	v4 =	vmov s19;
	v5 =	vld [tilespmem:s16+$0xFFFFFF80]  }
0x151: {  	v4 =	vand.u32 $0x7C, v4  }
0x152: {  	v6 =	vadd.s32 v0, v4;
	_ =	sdelay $0x2  }
0x153: {  	v5 =	vmul.f32 $8.000000000e+00, v5;
	_ =	sdelay $0x1  }
0x154: {  	[tilespmem:v6+s29+$0x0] =	vst.idx.msk $0xffff, v5  }
0x155: {  	v5 =	vld [tilespmem:s16+$0xFFFFFF90];
	_ =	sdelay $0x1  }
0x156: {  	v6 =	vadd.s32 v1, v4;
	_ =	sdelay $0x2  }
0x157: {  	v5 =	vmul.f32 $8.000000000e+00, v5;
	_ =	sdelay $0x1  }
0x158: {  	[tilespmem:v6+s29+$0x0] =	vst.idx.msk $0xffff, v5  }
0x159: {  	v5 =	vld [tilespmem:s16+$0xFFFFFFA0];
	_ =	sdelay $0x1  }
0x15a: {  	v6 =	vadd.s32 v2, v4;
	_ =	sdelay $0x2  }
0x15b: {  	v5 =	vmul.f32 $8.000000000e+00, v5;
	_ =	sdelay $0x1  }
0x15c: {  	[tilespmem:v6+s29+$0x0] =	vst.idx.msk $0xffff, v5  }
0x15d: {  	v5 =	vld [tilespmem:s16+$0xFFFFFFB0];
	_ =	sdelay $0x1  }
0x15e: {  	v4 =	vadd.s32 v3, v4;
	_ =	sdelay $0x2  }
0x15f: {  	v5 =	vmul.f32 $8.000000000e+00, v5;
	_ =	sdelay $0x1  }
0x160: {  	s7 =	sadd.s32 $0x1, s19;
	[tilespmem:v4+s29+$0x0] =	vst.idx.msk $0xffff, v5  }
0x161: {  	v4 =	vmov s7;
	v5 =	vld [tilespmem:s16+$0xFFFFFFC0]  }
0x162: {  	v4 =	vand.u32 $0x7D, v4  }
0x163: {  	v6 =	vadd.s32 v0, v4;
	_ =	sdelay $0x2  }
0x164: {  	v5 =	vmul.f32 $8.000000000e+00, v5;
	_ =	sdelay $0x1  }
0x165: {  	[tilespmem:v6+s29+$0x0] =	vst.idx.msk $0xffff, v5  }
0x166: {  	v5 =	vld [tilespmem:s16+$0xFFFFFFD0];
	_ =	sdelay $0x1  }
0x167: {  	v6 =	vadd.s32 v1, v4;
	_ =	sdelay $0x2  }
0x168: {  	v5 =	vmul.f32 $8.000000000e+00, v5;
	_ =	sdelay $0x1  }
0x169: {  	[tilespmem:v6+s29+$0x0] =	vst.idx.msk $0xffff, v5  }
0x16a: {  	v5 =	vld [tilespmem:s16+$0xFFFFFFE0];
	_ =	sdelay $0x1  }
0x16b: {  	v6 =	vadd.s32 v2, v4;
	_ =	sdelay $0x2  }
0x16c: {  	v5 =	vmul.f32 $8.000000000e+00, v5;
	_ =	sdelay $0x1  }
0x16d: {  	[tilespmem:v6+s29+$0x0] =	vst.idx.msk $0xffff, v5  }
0x16e: {  	v5 =	vld [tilespmem:s16+$0xFFFFFFF0];
	_ =	sdelay $0x1  }
0x16f: {  	v4 =	vadd.s32 v3, v4;
	_ =	sdelay $0x2  }
0x170: {  	v5 =	vmul.f32 $8.000000000e+00, v5;
	_ =	sdelay $0x1  }
0x171: {  	s7 =	sadd.s32 $0x2, s19;
	[tilespmem:v4+s29+$0x0] =	vst.idx.msk $0xffff, v5  }
0x172: {  	v4 =	vmov s7;
	v5 =	vld [tilespmem:s16+$0x0]  }
0x173: {  	v4 =	vand.u32 $0x7E, v4  }
0x174: {  	v6 =	vadd.s32 v0, v4;
	_ =	sdelay $0x2  }
0x175: {  	v5 =	vmul.f32 $8.000000000e+00, v5;
	_ =	sdelay $0x1  }
0x176: {  	[tilespmem:v6+s29+$0x0] =	vst.idx.msk $0xffff, v5  }
0x177: {  	v5 =	vld [tilespmem:s16+$0x10];
	_ =	sdelay $0x1  }
0x178: {  	v6 =	vadd.s32 v1, v4;
	_ =	sdelay $0x2  }
0x179: {  	v5 =	vmul.f32 $8.000000000e+00, v5;
	_ =	sdelay $0x1  }
0x17a: {  	[tilespmem:v6+s29+$0x0] =	vst.idx.msk $0xffff, v5  }
0x17b: {  	v5 =	vld [tilespmem:s16+$0x20];
	_ =	sdelay $0x1  }
0x17c: {  	v6 =	vadd.s32 v2, v4;
	_ =	sdelay $0x2  }
0x17d: {  	v5 =	vmul.f32 $8.000000000e+00, v5;
	_ =	sdelay $0x1  }
0x17e: {  	[tilespmem:v6+s29+$0x0] =	vst.idx.msk $0xffff, v5  }
0x17f: {  	v5 =	vld [tilespmem:s16+$0x30];
	_ =	sdelay $0x1  }
0x180: {  	v4 =	vadd.s32 v3, v4;
	_ =	sdelay $0x2  }
0x181: {  	v5 =	vmul.f32 $8.000000000e+00, v5;
	_ =	sdelay $0x1  }
0x182: {  	s7 =	sadd.s32 $0x3, s19;
	[tilespmem:v4+s29+$0x0] =	vst.idx.msk $0xffff, v5  }
0x183: {  	v4 =	vmov s7;
	v5 =	vld [tilespmem:s16+$0x40]  }
0x184: {  	v4 =	vand.u32 $0x7F, v4  }
0x185: {  	v6 =	vadd.s32 v0, v4;
	_ =	sdelay $0x2  }
0x186: {  	v5 =	vmul.f32 $8.000000000e+00, v5;
	_ =	sdelay $0x1  }
0x187: {  	[tilespmem:v6+s29+$0x0] =	vst.idx.msk $0xffff, v5  }
0x188: {  	v5 =	vld [tilespmem:s16+$0x50];
	_ =	sdelay $0x1  }
0x189: {  	v6 =	vadd.s32 v1, v4;
	_ =	sdelay $0x2  }
0x18a: {  	v5 =	vmul.f32 $8.000000000e+00, v5;
	_ =	sdelay $0x1  }
0x18b: {  	[tilespmem:v6+s29+$0x0] =	vst.idx.msk $0xffff, v5  }
0x18c: {  	v5 =	vld [tilespmem:s16+$0x60];
	_ =	sdelay $0x1  }
0x18d: {  	v6 =	vadd.s32 v2, v4;
	_ =	sdelay $0x2  }
0x18e: {  	v5 =	vmul.f32 $8.000000000e+00, v5;
	_ =	sdelay $0x1  }
0x18f: {  	[tilespmem:v6+s29+$0x0] =	vst.idx.msk $0xffff, v5  }
0x190: {  	v5 =	vld [tilespmem:s16+$0x70]  }
.Ltmp7:
0x191: {  	(pc) =	sbr.rel @p2 .LBB2_11-.Ltmp7, $2  }
0x192: {  	v4 =	vadd.s32 v3, v4;
	_ =	sdelay $0x2  }
0x193: {  	v5 =	vmul.f32 $8.000000000e+00, v5  }
0x194: {  	_ = 	snop  }
0x195: {  	s7 =	rddreg [dreg:$0x5]  }
0x196: {  	s7 =	sadd.s32 s7, s11  }
0x197: {  	s7 =	sshrl.u32 s7, $0x3  }
0x198: {  	s16 =	simm.s32 $0x12600;
	[tilespmem:v4+s29+$0x0] =	vst.idx.msk $0xffff, v5;
	s7 =	sadd.s32 s2, s7  }
0x199: {  	[hbm4b:s7+s3] =	stream.linear.scatter [tilespmem:s16], [sflag:$0x7], $0x80, $0x38;
	[tilespmem:$0x1AE00] =	vst v63  }
0x19a: {  	s21 =	simm.s32 $0x12688;
	s17 =	sadd.s32 $0x10, s7  }
0x19b: {  	[hbm4b:s17+s3] =	stream.linear.scatter [tilespmem:s21], [sflag:$0x7], $0x80, $0x38;
	[tilespmem:$0x1AE00] =	vst v63  }
0x19c: {  	s23 =	simm.s32 $0x12710;
	s8 =	sadd.s32 $0x20, s7  }
0x19d: {  	[hbm4b:s8+s3] =	stream.linear.scatter [tilespmem:s23], [sflag:$0x7], $0x80, $0x38;
	[tilespmem:$0x1AE00] =	vst v63  }
0x19e: {  	s19 =	simm.s32 $0x12798;
	s21 =	sadd.s32 $0x30, s7  }
0x19f: {  	[hbm4b:s21+s3] =	stream.linear.scatter [tilespmem:s19], [sflag:$0x7], $0x80, $0x38;
	[tilespmem:$0x1AE00] =	vst v63  }
0x1a0: {  	s23 =	simm.s32 $0x12820;
	s8 =	sadd.s32 $0x40, s7  }
0x1a1: {  	[hbm4b:s8+s3] =	stream.linear.scatter [tilespmem:s23], [sflag:$0x7], $0x80, $0x38;
	[tilespmem:$0x1AE00] =	vst v63  }
0x1a2: {  	s16 =	simm.s32 $0x440;
	s17 =	simm.s32 $0x128A8;
	s19 =	sadd.s32 $0x50, s7  }
0x1a3: {  	[hbm4b:s19+s3] =	stream.linear.scatter [tilespmem:s17], [sflag:$0x7], $0x80, $0x38;
	[tilespmem:$0x1AE00] =	vst v63  }
0x1a4: {  	s21 =	simm.s32 $0x12930;
	s23 =	sadd.s32 $0x60, s7;
	s19 =	simm.s32 $0x2200  }
0x1a5: {  	[hbm4b:s23+s3] =	stream.linear.scatter [tilespmem:s21], [sflag:$0x7], $0x80, $0x38;
	[tilespmem:$0x1AE00] =	vst v63  }
0x1a6: {  	s17 =	sadd.s32 $0x1000, s7;
	s21 =	simm.s32 $0x129B8;
	s23 =	sadd.s32 $0x70, s7  }
.LBB2_13:
0x1a7: {  	[hbm4b:s23+s3] =	stream.linear.scatter [tilespmem:s21], [sflag:$0x7], $0x80, $0x38;
	[tilespmem:$0x1AE00] =	vst v63  }
0x1a8: {  	s7 =	smov.u32 s16;
	s16 =	smov.u32 s19  }
0x1a9: {  	s8 =	sadd.s32 $0x1100, s19;
	s16 =	sshra.s32 s16, $0x2;
	s21 =	sadd.s32 $0x12600, s7  }
0x1aa: {  	[hbm4b:s17+s3] =	stream.linear.scatter [tilespmem:s21], [sflag:$0x7], $0x80, $0x38;
	[tilespmem:$0x1AE00] =	vst v63  }
0x1ab: {  	p2 =	sne.s32 s19, $0x7700;
	s19 =	sadd.s32 $0x12688, s7;
	s21 =	sadd.s32 $0x10, s17  }
0x1ac: {  	[hbm4b:s21+s3] =	stream.linear.scatter [tilespmem:s19], [sflag:$0x7], $0x80, $0x38;
	[tilespmem:$0x1AE00] =	vst v63  }
0x1ad: {  	s19 =	sadd.s32 $0x12710, s7;
	s21 =	sadd.s32 $0x20, s17  }
0x1ae: {  	[hbm4b:s21+s3] =	stream.linear.scatter [tilespmem:s19], [sflag:$0x7], $0x80, $0x38;
	[tilespmem:$0x1AE00] =	vst v63  }
0x1af: {  	s19 =	sadd.s32 $0x12798, s7;
	s21 =	sadd.s32 $0x30, s17  }
0x1b0: {  	[hbm4b:s21+s3] =	stream.linear.scatter [tilespmem:s19], [sflag:$0x7], $0x80, $0x38;
	[tilespmem:$0x1AE00] =	vst v63  }
0x1b1: {  	s19 =	sadd.s32 $0x12820, s7;
	s21 =	sadd.s32 $0x40, s17  }
0x1b2: {  	[hbm4b:s21+s3] =	stream.linear.scatter [tilespmem:s19], [sflag:$0x7], $0x80, $0x38;
	[tilespmem:$0x1AE00] =	vst v63  }
.Ltmp8:
0x1b3: {  	s19 =	sadd.s32 $0x128A8, s7;
	s21 =	sadd.s32 $0x50, s17;
	(pc) =	sbr.rel @p2 .LBB2_13-.Ltmp8, $4  }
0x1b4: {  	[hbm4b:s21+s3] =	stream.linear.scatter [tilespmem:s19], [sflag:$0x7], $0x80, $0x38;
	[tilespmem:$0x1AE00] =	vst v63  }
0x1b5: {  	s23 =	sadd.s32 $0x70, s17;
	s19 =	sadd.s32 $0x12930, s7;
	s21 =	sadd.s32 $0x60, s17  }
0x1b6: {  	[hbm4b:s21+s3] =	stream.linear.scatter [tilespmem:s19], [sflag:$0x7], $0x80, $0x38;
	[tilespmem:$0x1AE00] =	vst v63  }
0x1b7: {  	s17 =	sadd.s32 $0x1000, s17;
	s21 =	sadd.s32 $0x129B8, s7;
	s19 =	smov.u32 s8  }
0x1b8: {  	[hbm4b:s23+s3] =	stream.linear.scatter [tilespmem:s21], [sflag:$0x7], $0x80, $0x38;
	[tilespmem:$0x1AE00] =	vst v63  }
0x1b9: {  	s7 =	sadd.s32 $0x12600, s16  }
0x1ba: {  	[hbm4b:s17+s3] =	stream.linear.scatter [tilespmem:s7], [sflag:$0x7], $0x80, $0x38;
	[tilespmem:$0x1AE00] =	vst v63  }
0x1bb: {  	s23 =	sadd.s32 $0x12688, s16;
	s8 =	sadd.s32 $0x10, s17  }
0x1bc: {  	[hbm4b:s8+s3] =	stream.linear.scatter [tilespmem:s23], [sflag:$0x7], $0x80, $0x38;
	[tilespmem:$0x1AE00] =	vst v63  }
0x1bd: {  	s19 =	sadd.s32 $0x20, s17;
	s8 =	sadd.s32 $0x12710, s16  }
0x1be: {  	[hbm4b:s19+s3] =	stream.linear.scatter [tilespmem:s8], [sflag:$0x7], $0x80, $0x38;
	[tilespmem:$0x1AE00] =	vst v63  }
0x1bf: {  	s21 =	sadd.s32 $0x12798, s16;
	s23 =	sadd.s32 $0x30, s17  }
0x1c0: {  	[hbm4b:s23+s3] =	stream.linear.scatter [tilespmem:s21], [sflag:$0x7], $0x80, $0x38;
	[tilespmem:$0x1AE00] =	vst v63  }
0x1c1: {  	s8 =	sadd.s32 $0x12820, s16;
	s19 =	sadd.s32 $0x40, s17  }
0x1c2: {  	[hbm4b:s19+s3] =	stream.linear.scatter [tilespmem:s8], [sflag:$0x7], $0x80, $0x38;
	[tilespmem:$0x1AE00] =	vst v63  }
0x1c3: {  	s21 =	sadd.s32 $0x128A8, s16;
	s23 =	sadd.s32 $0x50, s17  }
0x1c4: {  	[hbm4b:s23+s3] =	stream.linear.scatter [tilespmem:s21], [sflag:$0x7], $0x80, $0x38;
	[tilespmem:$0x1AE00] =	vst v63  }
.Ltmp9:
0x1c5: {  	_ = 	snop;
	(pc) =	sbr.rel @p1 .LBB2_16-.Ltmp9, $4  }
0x1c6: {  	s8 =	sadd.s32 $0x12930, s16;
	s19 =	sadd.s32 $0x60, s17  }
0x1c7: {  	[hbm4b:s19+s3] =	stream.linear.scatter [tilespmem:s8], [sflag:$0x7], $0x80, $0x38;
	[tilespmem:$0x1AE00] =	vst v63  }
0x1c8: {  	s21 =	sadd.s32 $0x129B8, s16;
	s23 =	sadd.s32 $0x70, s17  }
0x1c9: {  	[hbm4b:s23+s3] =	stream.linear.scatter [tilespmem:s21], [sflag:$0x7], $0x80, $0x38;
	[tilespmem:$0x1AE00] =	vst v63  }
.Ltmp10:
0x1ca: {  	(pc) =	sbr.rel .LBB2_17-.Ltmp10, $4  }
0x1cb: {  	_ = 	snop  }
0x1cc: {  	_ =	swait.ge [sflag:s30], $0x2000  }
0x1cd: {  	[sflag:s30] =	ssyncset.done $0x0  }
0x1ce: {  	[sflag:s30] =	ssyncadd.s32 $0xFFFFE000  }
.LBB2_16:
0x1cf: {  	s7 =	sshll.u32 s6, $0x7  }
0x1d0: {  	s7 =	sadd.s32 $0x300, s7  }
.Ltmp11:
0x1d1: {  	s8 =	simm.s32 $0x8400;
	s7 =	sand.u32 $0x1FF80, s7;
	(pc) =	sbr.rel @p0 .LBB2_18-.Ltmp11, $4  }
0x1d2: {  	[tilespmem:s8], [sflag:$0x2] =	stream.indirect.gather [hbm4b:s5+s15], $0x40, s7, s15, $0xb8;
	[tilespmem:$0x1AE00] =	vst v63  }
0x1d3: {  	_ =	swait.ge [sflag:s30], $0x2000  }
0x1d4: {  	[sflag:s30] =	ssyncset.done $0x0  }
0x1d5: {  	[sflag:s30] =	ssyncadd.s32 $0xFFFFE000  }
.LBB2_17:
0x1d6: {  	_ =	swait.ge [sflag:s31], $0x2000  }
0x1d7: {  	[sflag:s31] =	ssyncset.done $0x0  }
0x1d8: {  	[sflag:s31] =	ssyncadd.s32 $0xFFFFE000  }
.LBB2_18:
0x1d9: {  	s7 =	simm.s32 $0x0;
	s16 =	simm.s32 $0xA480  }
0x1da: {  	v4 =	vmov s7;
	v5 =	vld [tilespmem:s16+$0xFFFFFF80]  }
0x1db: {  	v4 =	vand.u32 $0x7C, v4  }
0x1dc: {  	v6 =	vadd.s32 v0, v4;
	_ =	sdelay $0x2  }
0x1dd: {  	v5 =	vmul.f32 $8.000000000e+00, v5;
	_ =	sdelay $0x1  }
0x1de: {  	[tilespmem:v6+s0+$0x0] =	vst.idx.msk $0xffff, v5  }
0x1df: {  	v5 =	vld [tilespmem:s16+$0xFFFFFF90];
	_ =	sdelay $0x1  }
0x1e0: {  	v6 =	vadd.s32 v1, v4;
	_ =	sdelay $0x2  }
0x1e1: {  	v5 =	vmul.f32 $8.000000000e+00, v5;
	_ =	sdelay $0x1  }
0x1e2: {  	[tilespmem:v6+s0+$0x0] =	vst.idx.msk $0xffff, v5  }
0x1e3: {  	v5 =	vld [tilespmem:s16+$0xFFFFFFA0];
	_ =	sdelay $0x1  }
0x1e4: {  	v6 =	vadd.s32 v2, v4;
	_ =	sdelay $0x2  }
0x1e5: {  	v5 =	vmul.f32 $8.000000000e+00, v5;
	_ =	sdelay $0x1  }
0x1e6: {  	[tilespmem:v6+s0+$0x0] =	vst.idx.msk $0xffff, v5  }
0x1e7: {  	v5 =	vld [tilespmem:s16+$0xFFFFFFB0];
	_ =	sdelay $0x1  }
0x1e8: {  	v4 =	vadd.s32 v3, v4;
	_ =	sdelay $0x2  }
0x1e9: {  	v5 =	vmul.f32 $8.000000000e+00, v5;
	_ =	sdelay $0x1  }
0x1ea: {  	s19 =	simm.s32 $0x1;
	[tilespmem:v4+s0+$0x0] =	vst.idx.msk $0xffff, v5  }
0x1eb: {  	v4 =	vmov s19;
	v5 =	vld [tilespmem:s16+$0xFFFFFFC0]  }
0x1ec: {  	v4 =	vand.u32 $0x7D, v4  }
0x1ed: {  	v6 =	vadd.s32 v0, v4;
	_ =	sdelay $0x2  }
0x1ee: {  	v5 =	vmul.f32 $8.000000000e+00, v5;
	_ =	sdelay $0x1  }
0x1ef: {  	[tilespmem:v6+s0+$0x0] =	vst.idx.msk $0xffff, v5  }
0x1f0: {  	v5 =	vld [tilespmem:s16+$0xFFFFFFD0];
	_ =	sdelay $0x1  }
0x1f1: {  	v6 =	vadd.s32 v1, v4;
	_ =	sdelay $0x2  }
0x1f2: {  	v5 =	vmul.f32 $8.000000000e+00, v5;
	_ =	sdelay $0x1  }
0x1f3: {  	[tilespmem:v6+s0+$0x0] =	vst.idx.msk $0xffff, v5  }
0x1f4: {  	v5 =	vld [tilespmem:s16+$0xFFFFFFE0];
	_ =	sdelay $0x1  }
0x1f5: {  	v6 =	vadd.s32 v2, v4;
	_ =	sdelay $0x2  }
0x1f6: {  	v5 =	vmul.f32 $8.000000000e+00, v5;
	_ =	sdelay $0x1  }
0x1f7: {  	[tilespmem:v6+s0+$0x0] =	vst.idx.msk $0xffff, v5  }
0x1f8: {  	v5 =	vld [tilespmem:s16+$0xFFFFFFF0];
	_ =	sdelay $0x1  }
0x1f9: {  	v4 =	vadd.s32 v3, v4;
	_ =	sdelay $0x2  }
0x1fa: {  	v5 =	vmul.f32 $8.000000000e+00, v5;
	_ =	sdelay $0x1  }
0x1fb: {  	s21 =	simm.s32 $0x2;
	[tilespmem:v4+s0+$0x0] =	vst.idx.msk $0xffff, v5  }
0x1fc: {  	v4 =	vmov s21;
	v5 =	vld [tilespmem:s16+$0x0]  }
0x1fd: {  	v4 =	vand.u32 $0x7E, v4  }
0x1fe: {  	v6 =	vadd.s32 v0, v4;
	_ =	sdelay $0x2  }
0x1ff: {  	v5 =	vmul.f32 $8.000000000e+00, v5;
	_ =	sdelay $0x1  }
0x200: {  	[tilespmem:v6+s0+$0x0] =	vst.idx.msk $0xffff, v5  }
0x201: {  	v5 =	vld [tilespmem:s16+$0x10];
	_ =	sdelay $0x1  }
0x202: {  	v6 =	vadd.s32 v1, v4;
	_ =	sdelay $0x2  }
0x203: {  	v5 =	vmul.f32 $8.000000000e+00, v5;
	_ =	sdelay $0x1  }
0x204: {  	[tilespmem:v6+s0+$0x0] =	vst.idx.msk $0xffff, v5  }
0x205: {  	v5 =	vld [tilespmem:s16+$0x20];
	_ =	sdelay $0x1  }
0x206: {  	v6 =	vadd.s32 v2, v4;
	_ =	sdelay $0x2  }
0x207: {  	v5 =	vmul.f32 $8.000000000e+00, v5;
	_ =	sdelay $0x1  }
0x208: {  	[tilespmem:v6+s0+$0x0] =	vst.idx.msk $0xffff, v5  }
0x209: {  	v5 =	vld [tilespmem:s16+$0x30];
	_ =	sdelay $0x1  }
0x20a: {  	v4 =	vadd.s32 v3, v4;
	_ =	sdelay $0x2  }
0x20b: {  	v5 =	vmul.f32 $8.000000000e+00, v5;
	_ =	sdelay $0x1  }
0x20c: {  	s23 =	simm.s32 $0x3;
	[tilespmem:v4+s0+$0x0] =	vst.idx.msk $0xffff, v5  }
0x20d: {  	v4 =	vmov s23;
	v5 =	vld [tilespmem:s16+$0x40]  }
0x20e: {  	v4 =	vand.u32 $0x7F, v4  }
0x20f: {  	v6 =	vadd.s32 v0, v4;
	_ =	sdelay $0x2  }
0x210: {  	v5 =	vmul.f32 $8.000000000e+00, v5;
	_ =	sdelay $0x1  }
0x211: {  	[tilespmem:v6+s0+$0x0] =	vst.idx.msk $0xffff, v5  }
0x212: {  	v5 =	vld [tilespmem:s16+$0x50];
	_ =	sdelay $0x1  }
0x213: {  	v6 =	vadd.s32 v1, v4;
	_ =	sdelay $0x2  }
0x214: {  	v5 =	vmul.f32 $8.000000000e+00, v5;
	_ =	sdelay $0x1  }
0x215: {  	[tilespmem:v6+s0+$0x0] =	vst.idx.msk $0xffff, v5  }
0x216: {  	v5 =	vld [tilespmem:s16+$0x60];
	_ =	sdelay $0x1  }
0x217: {  	v6 =	vadd.s32 v2, v4;
	_ =	sdelay $0x2  }
0x218: {  	v5 =	vmul.f32 $8.000000000e+00, v5;
	_ =	sdelay $0x1  }
0x219: {  	[tilespmem:v6+s0+$0x0] =	vst.idx.msk $0xffff, v5  }
0x21a: {  	v5 =	vld [tilespmem:s16+$0x70];
	_ =	sdelay $0x1  }
0x21b: {  	v4 =	vadd.s32 v3, v4;
	_ =	sdelay $0x2  }
0x21c: {  	s17 =	simm.s32 $0x4;
	v5 =	vmul.f32 $8.000000000e+00, v5  }
.LBB2_19:
0x21d: {  	p2 =	slt.u32 s17, $0x7C  }
0x21e: {  	s16 =	sadd.s32 $0x100, s16;
	s19 =	smov.u32 s17;
	s17 =	sadd.s32 $0x4, s17;
	[tilespmem:v4+s0+$0x0] =	vst.idx.msk $0xffff, v5  }
0x21f: {  	v4 =	vmov s19;
	v5 =	vld [tilespmem:s16+$0xFFFFFF80]  }
0x220: {  	v4 =	vand.u32 $0x7C, v4  }
0x221: {  	v6 =	vadd.s32 v0, v4;
	_ =	sdelay $0x2  }
0x222: {  	v5 =	vmul.f32 $8.000000000e+00, v5;
	_ =	sdelay $0x1  }
0x223: {  	[tilespmem:v6+s0+$0x0] =	vst.idx.msk $0xffff, v5  }
0x224: {  	v5 =	vld [tilespmem:s16+$0xFFFFFF90];
	_ =	sdelay $0x1  }
0x225: {  	v6 =	vadd.s32 v1, v4;
	_ =	sdelay $0x2  }
0x226: {  	v5 =	vmul.f32 $8.000000000e+00, v5;
	_ =	sdelay $0x1  }
0x227: {  	[tilespmem:v6+s0+$0x0] =	vst.idx.msk $0xffff, v5  }
0x228: {  	v5 =	vld [tilespmem:s16+$0xFFFFFFA0];
	_ =	sdelay $0x1  }
0x229: {  	v6 =	vadd.s32 v2, v4;
	_ =	sdelay $0x2  }
0x22a: {  	v5 =	vmul.f32 $8.000000000e+00, v5;
	_ =	sdelay $0x1  }
0x22b: {  	[tilespmem:v6+s0+$0x0] =	vst.idx.msk $0xffff, v5  }
0x22c: {  	v5 =	vld [tilespmem:s16+$0xFFFFFFB0];
	_ =	sdelay $0x1  }
0x22d: {  	v4 =	vadd.s32 v3, v4;
	_ =	sdelay $0x2  }
0x22e: {  	v5 =	vmul.f32 $8.000000000e+00, v5;
	_ =	sdelay $0x1  }
0x22f: {  	s7 =	sadd.s32 $0x1, s19;
	[tilespmem:v4+s0+$0x0] =	vst.idx.msk $0xffff, v5  }
0x230: {  	v4 =	vmov s7;
	v5 =	vld [tilespmem:s16+$0xFFFFFFC0]  }
0x231: {  	v4 =	vand.u32 $0x7D, v4  }
0x232: {  	v6 =	vadd.s32 v0, v4;
	_ =	sdelay $0x2  }
0x233: {  	v5 =	vmul.f32 $8.000000000e+00, v5;
	_ =	sdelay $0x1  }
0x234: {  	[tilespmem:v6+s0+$0x0] =	vst.idx.msk $0xffff, v5  }
0x235: {  	v5 =	vld [tilespmem:s16+$0xFFFFFFD0];
	_ =	sdelay $0x1  }
0x236: {  	v6 =	vadd.s32 v1, v4;
	_ =	sdelay $0x2  }
0x237: {  	v5 =	vmul.f32 $8.000000000e+00, v5;
	_ =	sdelay $0x1  }
0x238: {  	[tilespmem:v6+s0+$0x0] =	vst.idx.msk $0xffff, v5  }
0x239: {  	v5 =	vld [tilespmem:s16+$0xFFFFFFE0];
	_ =	sdelay $0x1  }
0x23a: {  	v6 =	vadd.s32 v2, v4;
	_ =	sdelay $0x2  }
0x23b: {  	v5 =	vmul.f32 $8.000000000e+00, v5;
	_ =	sdelay $0x1  }
0x23c: {  	[tilespmem:v6+s0+$0x0] =	vst.idx.msk $0xffff, v5  }
0x23d: {  	v5 =	vld [tilespmem:s16+$0xFFFFFFF0];
	_ =	sdelay $0x1  }
0x23e: {  	v4 =	vadd.s32 v3, v4;
	_ =	sdelay $0x2  }
0x23f: {  	v5 =	vmul.f32 $8.000000000e+00, v5;
	_ =	sdelay $0x1  }
0x240: {  	s7 =	sadd.s32 $0x2, s19;
	[tilespmem:v4+s0+$0x0] =	vst.idx.msk $0xffff, v5  }
0x241: {  	v4 =	vmov s7;
	v5 =	vld [tilespmem:s16+$0x0]  }
0x242: {  	v4 =	vand.u32 $0x7E, v4  }
0x243: {  	v6 =	vadd.s32 v0, v4;
	_ =	sdelay $0x2  }
0x244: {  	v5 =	vmul.f32 $8.000000000e+00, v5;
	_ =	sdelay $0x1  }
0x245: {  	[tilespmem:v6+s0+$0x0] =	vst.idx.msk $0xffff, v5  }
0x246: {  	v5 =	vld [tilespmem:s16+$0x10];
	_ =	sdelay $0x1  }
0x247: {  	v6 =	vadd.s32 v1, v4;
	_ =	sdelay $0x2  }
0x248: {  	v5 =	vmul.f32 $8.000000000e+00, v5;
	_ =	sdelay $0x1  }
0x249: {  	[tilespmem:v6+s0+$0x0] =	vst.idx.msk $0xffff, v5  }
0x24a: {  	v5 =	vld [tilespmem:s16+$0x20];
	_ =	sdelay $0x1  }
0x24b: {  	v6 =	vadd.s32 v2, v4;
	_ =	sdelay $0x2  }
0x24c: {  	v5 =	vmul.f32 $8.000000000e+00, v5;
	_ =	sdelay $0x1  }
0x24d: {  	[tilespmem:v6+s0+$0x0] =	vst.idx.msk $0xffff, v5  }
0x24e: {  	v5 =	vld [tilespmem:s16+$0x30];
	_ =	sdelay $0x1  }
0x24f: {  	v4 =	vadd.s32 v3, v4;
	_ =	sdelay $0x2  }
0x250: {  	v5 =	vmul.f32 $8.000000000e+00, v5;
	_ =	sdelay $0x1  }
0x251: {  	s7 =	sadd.s32 $0x3, s19;
	[tilespmem:v4+s0+$0x0] =	vst.idx.msk $0xffff, v5  }
0x252: {  	v4 =	vmov s7;
	v5 =	vld [tilespmem:s16+$0x40]  }
0x253: {  	v4 =	vand.u32 $0x7F, v4  }
0x254: {  	v6 =	vadd.s32 v0, v4;
	_ =	sdelay $0x2  }
0x255: {  	v5 =	vmul.f32 $8.000000000e+00, v5;
	_ =	sdelay $0x1  }
0x256: {  	[tilespmem:v6+s0+$0x0] =	vst.idx.msk $0xffff, v5  }
0x257: {  	v5 =	vld [tilespmem:s16+$0x50];
	_ =	sdelay $0x1  }
0x258: {  	v6 =	vadd.s32 v1, v4;
	_ =	sdelay $0x2  }
0x259: {  	v5 =	vmul.f32 $8.000000000e+00, v5;
	_ =	sdelay $0x1  }
0x25a: {  	[tilespmem:v6+s0+$0x0] =	vst.idx.msk $0xffff, v5  }
0x25b: {  	v5 =	vld [tilespmem:s16+$0x60];
	_ =	sdelay $0x1  }
0x25c: {  	v6 =	vadd.s32 v2, v4;
	_ =	sdelay $0x2  }
0x25d: {  	v5 =	vmul.f32 $8.000000000e+00, v5;
	_ =	sdelay $0x1  }
0x25e: {  	[tilespmem:v6+s0+$0x0] =	vst.idx.msk $0xffff, v5  }
0x25f: {  	v5 =	vld [tilespmem:s16+$0x70]  }
.Ltmp12:
0x260: {  	(pc) =	sbr.rel @p2 .LBB2_19-.Ltmp12, $2  }
0x261: {  	v4 =	vadd.s32 v3, v4;
	_ =	sdelay $0x2  }
0x262: {  	v5 =	vmul.f32 $8.000000000e+00, v5  }
0x263: {  	_ = 	snop  }
0x264: {  	s7 =	rddreg [dreg:$0x6]  }
0x265: {  	s7 =	sadd.s32 s7, s11  }
0x266: {  	s7 =	sshrl.u32 s7, $0x3  }
0x267: {  	s8 =	simm.s32 $0x14800;
	[tilespmem:v4+s0+$0x0] =	vst.idx.msk $0xffff, v5;
	s7 =	sadd.s32 s2, s7  }
0x268: {  	[hbm4b:s7+s3] =	stream.linear.scatter [tilespmem:s8], [sflag:$0x8], $0x80, $0x38;
	[tilespmem:$0x1AE00] =	vst v63  }
0x269: {  	s19 =	simm.s32 $0x14888;
	s16 =	sadd.s32 $0x10, s7  }
0x26a: {  	[hbm4b:s16+s3] =	stream.linear.scatter [tilespmem:s19], [sflag:$0x8], $0x80, $0x38;
	[tilespmem:$0x1AE00] =	vst v63  }
0x26b: {  	s21 =	simm.s32 $0x14910;
	s23 =	sadd.s32 $0x20, s7  }
0x26c: {  	[hbm4b:s23+s3] =	stream.linear.scatter [tilespmem:s21], [sflag:$0x8], $0x80, $0x38;
	[tilespmem:$0x1AE00] =	vst v63  }
0x26d: {  	s17 =	simm.s32 $0x14998;
	s19 =	sadd.s32 $0x30, s7  }
0x26e: {  	[hbm4b:s19+s3] =	stream.linear.scatter [tilespmem:s17], [sflag:$0x8], $0x80, $0x38;
	[tilespmem:$0x1AE00] =	vst v63  }
0x26f: {  	s21 =	simm.s32 $0x14A20;
	s23 =	sadd.s32 $0x40, s7  }
0x270: {  	[hbm4b:s23+s3] =	stream.linear.scatter [tilespmem:s21], [sflag:$0x8], $0x80, $0x38;
	[tilespmem:$0x1AE00] =	vst v63  }
0x271: {  	s16 =	simm.s32 $0x440;
	s17 =	simm.s32 $0x14AA8;
	s19 =	sadd.s32 $0x50, s7  }
0x272: {  	[hbm4b:s19+s3] =	stream.linear.scatter [tilespmem:s17], [sflag:$0x8], $0x80, $0x38;
	[tilespmem:$0x1AE00] =	vst v63  }
0x273: {  	s21 =	simm.s32 $0x14B30;
	s23 =	sadd.s32 $0x60, s7;
	s19 =	simm.s32 $0x2200  }
0x274: {  	[hbm4b:s23+s3] =	stream.linear.scatter [tilespmem:s21], [sflag:$0x8], $0x80, $0x38;
	[tilespmem:$0x1AE00] =	vst v63  }
0x275: {  	s17 =	sadd.s32 $0x1000, s7;
	s21 =	simm.s32 $0x14BB8;
	s23 =	sadd.s32 $0x70, s7  }
.LBB2_21:
0x276: {  	[hbm4b:s23+s3] =	stream.linear.scatter [tilespmem:s21], [sflag:$0x8], $0x80, $0x38;
	[tilespmem:$0x1AE00] =	vst v63  }
0x277: {  	s7 =	smov.u32 s16;
	s8 =	smov.u32 s19  }
0x278: {  	s16 =	sshra.s32 s8, $0x2;
	s8 =	sadd.s32 $0x1100, s19;
	s21 =	sadd.s32 $0x14800, s7  }
0x279: {  	[hbm4b:s17+s3] =	stream.linear.scatter [tilespmem:s21], [sflag:$0x8], $0x80, $0x38;
	[tilespmem:$0x1AE00] =	vst v63  }
0x27a: {  	p2 =	sne.s32 s19, $0x7700;
	s19 =	sadd.s32 $0x14888, s7;
	s21 =	sadd.s32 $0x10, s17  }
0x27b: {  	[hbm4b:s21+s3] =	stream.linear.scatter [tilespmem:s19], [sflag:$0x8], $0x80, $0x38;
	[tilespmem:$0x1AE00] =	vst v63  }
0x27c: {  	s19 =	sadd.s32 $0x14910, s7;
	s21 =	sadd.s32 $0x20, s17  }
0x27d: {  	[hbm4b:s21+s3] =	stream.linear.scatter [tilespmem:s19], [sflag:$0x8], $0x80, $0x38;
	[tilespmem:$0x1AE00] =	vst v63  }
0x27e: {  	s19 =	sadd.s32 $0x14998, s7;
	s21 =	sadd.s32 $0x30, s17  }
0x27f: {  	[hbm4b:s21+s3] =	stream.linear.scatter [tilespmem:s19], [sflag:$0x8], $0x80, $0x38;
	[tilespmem:$0x1AE00] =	vst v63  }
0x280: {  	s19 =	sadd.s32 $0x14A20, s7;
	s21 =	sadd.s32 $0x40, s17  }
0x281: {  	[hbm4b:s21+s3] =	stream.linear.scatter [tilespmem:s19], [sflag:$0x8], $0x80, $0x38;
	[tilespmem:$0x1AE00] =	vst v63  }
.Ltmp13:
0x282: {  	s19 =	sadd.s32 $0x14AA8, s7;
	s21 =	sadd.s32 $0x50, s17;
	(pc) =	sbr.rel @p2 .LBB2_21-.Ltmp13, $4  }
0x283: {  	[hbm4b:s21+s3] =	stream.linear.scatter [tilespmem:s19], [sflag:$0x8], $0x80, $0x38;
	[tilespmem:$0x1AE00] =	vst v63  }
0x284: {  	s23 =	sadd.s32 $0x70, s17;
	s19 =	sadd.s32 $0x14B30, s7;
	s21 =	sadd.s32 $0x60, s17  }
0x285: {  	[hbm4b:s21+s3] =	stream.linear.scatter [tilespmem:s19], [sflag:$0x8], $0x80, $0x38;
	[tilespmem:$0x1AE00] =	vst v63  }
0x286: {  	s17 =	sadd.s32 $0x1000, s17;
	s21 =	sadd.s32 $0x14BB8, s7;
	s19 =	smov.u32 s8  }
0x287: {  	[hbm4b:s23+s3] =	stream.linear.scatter [tilespmem:s21], [sflag:$0x8], $0x80, $0x38;
	[tilespmem:$0x1AE00] =	vst v63  }
0x288: {  	s7 =	sadd.s32 $0x14800, s16  }
0x289: {  	[hbm4b:s17+s3] =	stream.linear.scatter [tilespmem:s7], [sflag:$0x8], $0x80, $0x38;
	[tilespmem:$0x1AE00] =	vst v63  }
0x28a: {  	s23 =	sadd.s32 $0x14888, s16;
	s8 =	sadd.s32 $0x10, s17  }
0x28b: {  	[hbm4b:s8+s3] =	stream.linear.scatter [tilespmem:s23], [sflag:$0x8], $0x80, $0x38;
	[tilespmem:$0x1AE00] =	vst v63  }
0x28c: {  	s19 =	sadd.s32 $0x20, s17;
	s8 =	sadd.s32 $0x14910, s16  }
0x28d: {  	[hbm4b:s19+s3] =	stream.linear.scatter [tilespmem:s8], [sflag:$0x8], $0x80, $0x38;
	[tilespmem:$0x1AE00] =	vst v63  }
0x28e: {  	s21 =	sadd.s32 $0x14998, s16;
	s23 =	sadd.s32 $0x30, s17  }
0x28f: {  	[hbm4b:s23+s3] =	stream.linear.scatter [tilespmem:s21], [sflag:$0x8], $0x80, $0x38;
	[tilespmem:$0x1AE00] =	vst v63  }
0x290: {  	s8 =	sadd.s32 $0x14A20, s16;
	s19 =	sadd.s32 $0x40, s17  }
0x291: {  	[hbm4b:s19+s3] =	stream.linear.scatter [tilespmem:s8], [sflag:$0x8], $0x80, $0x38;
	[tilespmem:$0x1AE00] =	vst v63  }
0x292: {  	s21 =	sadd.s32 $0x14AA8, s16;
	s23 =	sadd.s32 $0x50, s17  }
0x293: {  	[hbm4b:s23+s3] =	stream.linear.scatter [tilespmem:s21], [sflag:$0x8], $0x80, $0x38;
	[tilespmem:$0x1AE00] =	vst v63  }
.Ltmp14:
0x294: {  	_ = 	snop;
	(pc) =	sbr.rel @p1 .LBB2_24-.Ltmp14, $4  }
0x295: {  	s8 =	sadd.s32 $0x14B30, s16;
	s19 =	sadd.s32 $0x60, s17  }
0x296: {  	[hbm4b:s19+s3] =	stream.linear.scatter [tilespmem:s8], [sflag:$0x8], $0x80, $0x38;
	[tilespmem:$0x1AE00] =	vst v63  }
0x297: {  	s21 =	sadd.s32 $0x14BB8, s16;
	s23 =	sadd.s32 $0x70, s17  }
0x298: {  	[hbm4b:s23+s3] =	stream.linear.scatter [tilespmem:s21], [sflag:$0x8], $0x80, $0x38;
	[tilespmem:$0x1AE00] =	vst v63  }
.Ltmp15:
0x299: {  	(pc) =	sbr.rel .LBB2_25-.Ltmp15, $4  }
0x29a: {  	_ = 	snop  }
0x29b: {  	_ =	swait.ge [sflag:s1], $0x2000  }
0x29c: {  	[sflag:s1] =	ssyncset.done $0x0  }
0x29d: {  	[sflag:s1] =	ssyncadd.s32 $0xFFFFE000  }
.LBB2_24:
0x29e: {  	s7 =	sshll.u32 s6, $0x7  }
0x29f: {  	s7 =	sadd.s32 $0x380, s7  }
.Ltmp16:
0x2a0: {  	s8 =	simm.s32 $0xA400;
	s7 =	sand.u32 $0x1FF80, s7;
	(pc) =	sbr.rel @p0 .LBB2_26-.Ltmp16, $4  }
0x2a1: {  	[tilespmem:s8], [sflag:$0x3] =	stream.indirect.gather [hbm4b:s5+s15], $0x40, s7, s15, $0xb8;
	[tilespmem:$0x1AE00] =	vst v63  }
0x2a2: {  	_ =	swait.ge [sflag:s1], $0x2000  }
0x2a3: {  	[sflag:s1] =	ssyncset.done $0x0  }
0x2a4: {  	[sflag:s1] =	ssyncadd.s32 $0xFFFFE000  }
.LBB2_25:
0x2a5: {  	_ =	swait.ge [sflag:s12], $0x2000  }
0x2a6: {  	[sflag:s12] =	ssyncset.done $0x0  }
0x2a7: {  	[sflag:s12] =	ssyncadd.s32 $0xFFFFE000  }
.LBB2_26:
0x2a8: {  	s7 =	simm.s32 $0x0;
	s16 =	simm.s32 $0xC480  }
0x2a9: {  	v4 =	vmov s7;
	v5 =	vld [tilespmem:s16+$0xFFFFFF80]  }
0x2aa: {  	v4 =	vand.u32 $0x7C, v4  }
0x2ab: {  	v6 =	vadd.s32 v0, v4;
	_ =	sdelay $0x2  }
0x2ac: {  	v5 =	vmul.f32 $8.000000000e+00, v5;
	_ =	sdelay $0x1  }
0x2ad: {  	[tilespmem:v6+s13+$0x0] =	vst.idx.msk $0xffff, v5  }
0x2ae: {  	v5 =	vld [tilespmem:s16+$0xFFFFFF90];
	_ =	sdelay $0x1  }
0x2af: {  	v6 =	vadd.s32 v1, v4;
	_ =	sdelay $0x2  }
0x2b0: {  	v5 =	vmul.f32 $8.000000000e+00, v5;
	_ =	sdelay $0x1  }
0x2b1: {  	[tilespmem:v6+s13+$0x0] =	vst.idx.msk $0xffff, v5  }
0x2b2: {  	v5 =	vld [tilespmem:s16+$0xFFFFFFA0];
	_ =	sdelay $0x1  }
0x2b3: {  	v6 =	vadd.s32 v2, v4;
	_ =	sdelay $0x2  }
0x2b4: {  	v5 =	vmul.f32 $8.000000000e+00, v5;
	_ =	sdelay $0x1  }
0x2b5: {  	[tilespmem:v6+s13+$0x0] =	vst.idx.msk $0xffff, v5  }
0x2b6: {  	v5 =	vld [tilespmem:s16+$0xFFFFFFB0];
	_ =	sdelay $0x1  }
0x2b7: {  	v4 =	vadd.s32 v3, v4;
	_ =	sdelay $0x2  }
0x2b8: {  	v5 =	vmul.f32 $8.000000000e+00, v5;
	_ =	sdelay $0x1  }
0x2b9: {  	s19 =	simm.s32 $0x1;
	[tilespmem:v4+s13+$0x0] =	vst.idx.msk $0xffff, v5  }
0x2ba: {  	v4 =	vmov s19;
	v5 =	vld [tilespmem:s16+$0xFFFFFFC0]  }
0x2bb: {  	v4 =	vand.u32 $0x7D, v4  }
0x2bc: {  	v6 =	vadd.s32 v0, v4;
	_ =	sdelay $0x2  }
0x2bd: {  	v5 =	vmul.f32 $8.000000000e+00, v5;
	_ =	sdelay $0x1  }
0x2be: {  	[tilespmem:v6+s13+$0x0] =	vst.idx.msk $0xffff, v5  }
0x2bf: {  	v5 =	vld [tilespmem:s16+$0xFFFFFFD0];
	_ =	sdelay $0x1  }
0x2c0: {  	v6 =	vadd.s32 v1, v4;
	_ =	sdelay $0x2  }
0x2c1: {  	v5 =	vmul.f32 $8.000000000e+00, v5;
	_ =	sdelay $0x1  }
0x2c2: {  	[tilespmem:v6+s13+$0x0] =	vst.idx.msk $0xffff, v5  }
0x2c3: {  	v5 =	vld [tilespmem:s16+$0xFFFFFFE0];
	_ =	sdelay $0x1  }
0x2c4: {  	v6 =	vadd.s32 v2, v4;
	_ =	sdelay $0x2  }
0x2c5: {  	v5 =	vmul.f32 $8.000000000e+00, v5;
	_ =	sdelay $0x1  }
0x2c6: {  	[tilespmem:v6+s13+$0x0] =	vst.idx.msk $0xffff, v5  }
0x2c7: {  	v5 =	vld [tilespmem:s16+$0xFFFFFFF0];
	_ =	sdelay $0x1  }
0x2c8: {  	v4 =	vadd.s32 v3, v4;
	_ =	sdelay $0x2  }
0x2c9: {  	v5 =	vmul.f32 $8.000000000e+00, v5;
	_ =	sdelay $0x1  }
0x2ca: {  	s21 =	simm.s32 $0x2;
	[tilespmem:v4+s13+$0x0] =	vst.idx.msk $0xffff, v5  }
0x2cb: {  	v4 =	vmov s21;
	v5 =	vld [tilespmem:s16+$0x0]  }
0x2cc: {  	v4 =	vand.u32 $0x7E, v4  }
0x2cd: {  	v6 =	vadd.s32 v0, v4;
	_ =	sdelay $0x2  }
0x2ce: {  	v5 =	vmul.f32 $8.000000000e+00, v5;
	_ =	sdelay $0x1  }
0x2cf: {  	[tilespmem:v6+s13+$0x0] =	vst.idx.msk $0xffff, v5  }
0x2d0: {  	v5 =	vld [tilespmem:s16+$0x10];
	_ =	sdelay $0x1  }
0x2d1: {  	v6 =	vadd.s32 v1, v4;
	_ =	sdelay $0x2  }
0x2d2: {  	v5 =	vmul.f32 $8.000000000e+00, v5;
	_ =	sdelay $0x1  }
0x2d3: {  	[tilespmem:v6+s13+$0x0] =	vst.idx.msk $0xffff, v5  }
0x2d4: {  	v5 =	vld [tilespmem:s16+$0x20];
	_ =	sdelay $0x1  }
0x2d5: {  	v6 =	vadd.s32 v2, v4;
	_ =	sdelay $0x2  }
0x2d6: {  	v5 =	vmul.f32 $8.000000000e+00, v5;
	_ =	sdelay $0x1  }
0x2d7: {  	[tilespmem:v6+s13+$0x0] =	vst.idx.msk $0xffff, v5  }
0x2d8: {  	v5 =	vld [tilespmem:s16+$0x30];
	_ =	sdelay $0x1  }
0x2d9: {  	v4 =	vadd.s32 v3, v4;
	_ =	sdelay $0x2  }
0x2da: {  	v5 =	vmul.f32 $8.000000000e+00, v5;
	_ =	sdelay $0x1  }
0x2db: {  	s23 =	simm.s32 $0x3;
	[tilespmem:v4+s13+$0x0] =	vst.idx.msk $0xffff, v5  }
0x2dc: {  	v4 =	vmov s23;
	v5 =	vld [tilespmem:s16+$0x40]  }
0x2dd: {  	v4 =	vand.u32 $0x7F, v4  }
0x2de: {  	v6 =	vadd.s32 v0, v4;
	_ =	sdelay $0x2  }
0x2df: {  	v5 =	vmul.f32 $8.000000000e+00, v5;
	_ =	sdelay $0x1  }
0x2e0: {  	[tilespmem:v6+s13+$0x0] =	vst.idx.msk $0xffff, v5  }
0x2e1: {  	v5 =	vld [tilespmem:s16+$0x50];
	_ =	sdelay $0x1  }
0x2e2: {  	v6 =	vadd.s32 v1, v4;
	_ =	sdelay $0x2  }
0x2e3: {  	v5 =	vmul.f32 $8.000000000e+00, v5;
	_ =	sdelay $0x1  }
0x2e4: {  	[tilespmem:v6+s13+$0x0] =	vst.idx.msk $0xffff, v5  }
0x2e5: {  	v5 =	vld [tilespmem:s16+$0x60];
	_ =	sdelay $0x1  }
0x2e6: {  	v6 =	vadd.s32 v2, v4;
	_ =	sdelay $0x2  }
0x2e7: {  	v5 =	vmul.f32 $8.000000000e+00, v5;
	_ =	sdelay $0x1  }
0x2e8: {  	[tilespmem:v6+s13+$0x0] =	vst.idx.msk $0xffff, v5  }
0x2e9: {  	v5 =	vld [tilespmem:s16+$0x70];
	_ =	sdelay $0x1  }
0x2ea: {  	v4 =	vadd.s32 v3, v4;
	_ =	sdelay $0x2  }
0x2eb: {  	s17 =	simm.s32 $0x4;
	v5 =	vmul.f32 $8.000000000e+00, v5  }
.LBB2_27:
0x2ec: {  	p2 =	slt.u32 s17, $0x7C  }
0x2ed: {  	s16 =	sadd.s32 $0x100, s16;
	s19 =	smov.u32 s17;
	s17 =	sadd.s32 $0x4, s17;
	[tilespmem:v4+s13+$0x0] =	vst.idx.msk $0xffff, v5  }
0x2ee: {  	v4 =	vmov s19;
	v5 =	vld [tilespmem:s16+$0xFFFFFF80]  }
0x2ef: {  	v4 =	vand.u32 $0x7C, v4  }
0x2f0: {  	v6 =	vadd.s32 v0, v4;
	_ =	sdelay $0x2  }
0x2f1: {  	v5 =	vmul.f32 $8.000000000e+00, v5;
	_ =	sdelay $0x1  }
0x2f2: {  	[tilespmem:v6+s13+$0x0] =	vst.idx.msk $0xffff, v5  }
0x2f3: {  	v5 =	vld [tilespmem:s16+$0xFFFFFF90];
	_ =	sdelay $0x1  }
0x2f4: {  	v6 =	vadd.s32 v1, v4;
	_ =	sdelay $0x2  }
0x2f5: {  	v5 =	vmul.f32 $8.000000000e+00, v5;
	_ =	sdelay $0x1  }
0x2f6: {  	[tilespmem:v6+s13+$0x0] =	vst.idx.msk $0xffff, v5  }
0x2f7: {  	v5 =	vld [tilespmem:s16+$0xFFFFFFA0];
	_ =	sdelay $0x1  }
0x2f8: {  	v6 =	vadd.s32 v2, v4;
	_ =	sdelay $0x2  }
0x2f9: {  	v5 =	vmul.f32 $8.000000000e+00, v5;
	_ =	sdelay $0x1  }
0x2fa: {  	[tilespmem:v6+s13+$0x0] =	vst.idx.msk $0xffff, v5  }
0x2fb: {  	v5 =	vld [tilespmem:s16+$0xFFFFFFB0];
	_ =	sdelay $0x1  }
0x2fc: {  	v4 =	vadd.s32 v3, v4;
	_ =	sdelay $0x2  }
0x2fd: {  	v5 =	vmul.f32 $8.000000000e+00, v5;
	_ =	sdelay $0x1  }
0x2fe: {  	s7 =	sadd.s32 $0x1, s19;
	[tilespmem:v4+s13+$0x0] =	vst.idx.msk $0xffff, v5  }
0x2ff: {  	v4 =	vmov s7;
	v5 =	vld [tilespmem:s16+$0xFFFFFFC0]  }
0x300: {  	v4 =	vand.u32 $0x7D, v4  }
0x301: {  	v6 =	vadd.s32 v0, v4;
	_ =	sdelay $0x2  }
0x302: {  	v5 =	vmul.f32 $8.000000000e+00, v5;
	_ =	sdelay $0x1  }
0x303: {  	[tilespmem:v6+s13+$0x0] =	vst.idx.msk $0xffff, v5  }
0x304: {  	v5 =	vld [tilespmem:s16+$0xFFFFFFD0];
	_ =	sdelay $0x1  }
0x305: {  	v6 =	vadd.s32 v1, v4;
	_ =	sdelay $0x2  }
0x306: {  	v5 =	vmul.f32 $8.000000000e+00, v5;
	_ =	sdelay $0x1  }
0x307: {  	[tilespmem:v6+s13+$0x0] =	vst.idx.msk $0xffff, v5  }
0x308: {  	v5 =	vld [tilespmem:s16+$0xFFFFFFE0];
	_ =	sdelay $0x1  }
0x309: {  	v6 =	vadd.s32 v2, v4;
	_ =	sdelay $0x2  }
0x30a: {  	v5 =	vmul.f32 $8.000000000e+00, v5;
	_ =	sdelay $0x1  }
0x30b: {  	[tilespmem:v6+s13+$0x0] =	vst.idx.msk $0xffff, v5  }
0x30c: {  	v5 =	vld [tilespmem:s16+$0xFFFFFFF0];
	_ =	sdelay $0x1  }
0x30d: {  	v4 =	vadd.s32 v3, v4;
	_ =	sdelay $0x2  }
0x30e: {  	v5 =	vmul.f32 $8.000000000e+00, v5;
	_ =	sdelay $0x1  }
0x30f: {  	s7 =	sadd.s32 $0x2, s19;
	[tilespmem:v4+s13+$0x0] =	vst.idx.msk $0xffff, v5  }
0x310: {  	v4 =	vmov s7;
	v5 =	vld [tilespmem:s16+$0x0]  }
0x311: {  	v4 =	vand.u32 $0x7E, v4  }
0x312: {  	v6 =	vadd.s32 v0, v4;
	_ =	sdelay $0x2  }
0x313: {  	v5 =	vmul.f32 $8.000000000e+00, v5;
	_ =	sdelay $0x1  }
0x314: {  	[tilespmem:v6+s13+$0x0] =	vst.idx.msk $0xffff, v5  }
0x315: {  	v5 =	vld [tilespmem:s16+$0x10];
	_ =	sdelay $0x1  }
0x316: {  	v6 =	vadd.s32 v1, v4;
	_ =	sdelay $0x2  }
0x317: {  	v5 =	vmul.f32 $8.000000000e+00, v5;
	_ =	sdelay $0x1  }
0x318: {  	[tilespmem:v6+s13+$0x0] =	vst.idx.msk $0xffff, v5  }
0x319: {  	v5 =	vld [tilespmem:s16+$0x20];
	_ =	sdelay $0x1  }
0x31a: {  	v6 =	vadd.s32 v2, v4;
	_ =	sdelay $0x2  }
0x31b: {  	v5 =	vmul.f32 $8.000000000e+00, v5;
	_ =	sdelay $0x1  }
0x31c: {  	[tilespmem:v6+s13+$0x0] =	vst.idx.msk $0xffff, v5  }
0x31d: {  	v5 =	vld [tilespmem:s16+$0x30];
	_ =	sdelay $0x1  }
0x31e: {  	v4 =	vadd.s32 v3, v4;
	_ =	sdelay $0x2  }
0x31f: {  	v5 =	vmul.f32 $8.000000000e+00, v5;
	_ =	sdelay $0x1  }
0x320: {  	s7 =	sadd.s32 $0x3, s19;
	[tilespmem:v4+s13+$0x0] =	vst.idx.msk $0xffff, v5  }
0x321: {  	v4 =	vmov s7;
	v5 =	vld [tilespmem:s16+$0x40]  }
0x322: {  	v4 =	vand.u32 $0x7F, v4  }
0x323: {  	v6 =	vadd.s32 v0, v4;
	_ =	sdelay $0x2  }
0x324: {  	v5 =	vmul.f32 $8.000000000e+00, v5;
	_ =	sdelay $0x1  }
0x325: {  	[tilespmem:v6+s13+$0x0] =	vst.idx.msk $0xffff, v5  }
0x326: {  	v5 =	vld [tilespmem:s16+$0x50];
	_ =	sdelay $0x1  }
0x327: {  	v6 =	vadd.s32 v1, v4;
	_ =	sdelay $0x2  }
0x328: {  	v5 =	vmul.f32 $8.000000000e+00, v5;
	_ =	sdelay $0x1  }
0x329: {  	[tilespmem:v6+s13+$0x0] =	vst.idx.msk $0xffff, v5  }
0x32a: {  	v5 =	vld [tilespmem:s16+$0x60];
	_ =	sdelay $0x1  }
0x32b: {  	v6 =	vadd.s32 v2, v4;
	_ =	sdelay $0x2  }
0x32c: {  	v5 =	vmul.f32 $8.000000000e+00, v5;
	_ =	sdelay $0x1  }
0x32d: {  	[tilespmem:v6+s13+$0x0] =	vst.idx.msk $0xffff, v5  }
0x32e: {  	v5 =	vld [tilespmem:s16+$0x70]  }
.Ltmp17:
0x32f: {  	(pc) =	sbr.rel @p2 .LBB2_27-.Ltmp17, $2  }
0x330: {  	v4 =	vadd.s32 v3, v4;
	_ =	sdelay $0x2  }
0x331: {  	v5 =	vmul.f32 $8.000000000e+00, v5  }
0x332: {  	_ =	sdelay $0x1  }
0x333: {  	s7 =	sadd.s32 s9, s11  }
0x334: {  	s7 =	sshrl.u32 s7, $0x3  }
0x335: {  	s8 =	simm.s32 $0x16A00;
	[tilespmem:v4+s13+$0x0] =	vst.idx.msk $0xffff, v5;
	s7 =	sadd.s32 s2, s7  }
0x336: {  	[hbm4b:s7+s3] =	stream.linear.scatter [tilespmem:s8], [sflag:$0x9], $0x80, $0x38;
	[tilespmem:$0x1AE00] =	vst v63  }
0x337: {  	s19 =	simm.s32 $0x16A88;
	s16 =	sadd.s32 $0x10, s7  }
0x338: {  	[hbm4b:s16+s3] =	stream.linear.scatter [tilespmem:s19], [sflag:$0x9], $0x80, $0x38;
	[tilespmem:$0x1AE00] =	vst v63  }
0x339: {  	s21 =	simm.s32 $0x16B10;
	s23 =	sadd.s32 $0x20, s7  }
0x33a: {  	[hbm4b:s23+s3] =	stream.linear.scatter [tilespmem:s21], [sflag:$0x9], $0x80, $0x38;
	[tilespmem:$0x1AE00] =	vst v63  }
0x33b: {  	s17 =	simm.s32 $0x16B98;
	s19 =	sadd.s32 $0x30, s7  }
0x33c: {  	[hbm4b:s19+s3] =	stream.linear.scatter [tilespmem:s17], [sflag:$0x9], $0x80, $0x38;
	[tilespmem:$0x1AE00] =	vst v63  }
0x33d: {  	s21 =	simm.s32 $0x16C20;
	s23 =	sadd.s32 $0x40, s7  }
0x33e: {  	[hbm4b:s23+s3] =	stream.linear.scatter [tilespmem:s21], [sflag:$0x9], $0x80, $0x38;
	[tilespmem:$0x1AE00] =	vst v63  }
0x33f: {  	s16 =	simm.s32 $0x440;
	s17 =	simm.s32 $0x16CA8;
	s19 =	sadd.s32 $0x50, s7  }
0x340: {  	[hbm4b:s19+s3] =	stream.linear.scatter [tilespmem:s17], [sflag:$0x9], $0x80, $0x38;
	[tilespmem:$0x1AE00] =	vst v63  }
0x341: {  	s21 =	simm.s32 $0x16D30;
	s23 =	sadd.s32 $0x60, s7;
	s19 =	simm.s32 $0x2200  }
0x342: {  	[hbm4b:s23+s3] =	stream.linear.scatter [tilespmem:s21], [sflag:$0x9], $0x80, $0x38;
	[tilespmem:$0x1AE00] =	vst v63  }
0x343: {  	s17 =	sadd.s32 $0x1000, s7;
	s21 =	simm.s32 $0x16DB8;
	s23 =	sadd.s32 $0x70, s7  }
.LBB2_29:
0x344: {  	[hbm4b:s23+s3] =	stream.linear.scatter [tilespmem:s21], [sflag:$0x9], $0x80, $0x38;
	[tilespmem:$0x1AE00] =	vst v63  }
0x345: {  	s7 =	smov.u32 s16;
	s8 =	smov.u32 s19  }
0x346: {  	s16 =	sshra.s32 s8, $0x2;
	s8 =	sadd.s32 $0x1100, s19;
	s21 =	sadd.s32 $0x16A00, s7  }
0x347: {  	[hbm4b:s17+s3] =	stream.linear.scatter [tilespmem:s21], [sflag:$0x9], $0x80, $0x38;
	[tilespmem:$0x1AE00] =	vst v63  }
0x348: {  	p2 =	sne.s32 s19, $0x7700;
	s19 =	sadd.s32 $0x16A88, s7;
	s21 =	sadd.s32 $0x10, s17  }
0x349: {  	[hbm4b:s21+s3] =	stream.linear.scatter [tilespmem:s19], [sflag:$0x9], $0x80, $0x38;
	[tilespmem:$0x1AE00] =	vst v63  }
0x34a: {  	s19 =	sadd.s32 $0x16B10, s7;
	s21 =	sadd.s32 $0x20, s17  }
0x34b: {  	[hbm4b:s21+s3] =	stream.linear.scatter [tilespmem:s19], [sflag:$0x9], $0x80, $0x38;
	[tilespmem:$0x1AE00] =	vst v63  }
0x34c: {  	s19 =	sadd.s32 $0x16B98, s7;
	s21 =	sadd.s32 $0x30, s17  }
0x34d: {  	[hbm4b:s21+s3] =	stream.linear.scatter [tilespmem:s19], [sflag:$0x9], $0x80, $0x38;
	[tilespmem:$0x1AE00] =	vst v63  }
0x34e: {  	s19 =	sadd.s32 $0x16C20, s7;
	s21 =	sadd.s32 $0x40, s17  }
0x34f: {  	[hbm4b:s21+s3] =	stream.linear.scatter [tilespmem:s19], [sflag:$0x9], $0x80, $0x38;
	[tilespmem:$0x1AE00] =	vst v63  }
.Ltmp18:
0x350: {  	s19 =	sadd.s32 $0x16CA8, s7;
	s21 =	sadd.s32 $0x50, s17;
	(pc) =	sbr.rel @p2 .LBB2_29-.Ltmp18, $4  }
0x351: {  	[hbm4b:s21+s3] =	stream.linear.scatter [tilespmem:s19], [sflag:$0x9], $0x80, $0x38;
	[tilespmem:$0x1AE00] =	vst v63  }
0x352: {  	s23 =	sadd.s32 $0x70, s17;
	s19 =	sadd.s32 $0x16D30, s7;
	s21 =	sadd.s32 $0x60, s17  }
0x353: {  	[hbm4b:s21+s3] =	stream.linear.scatter [tilespmem:s19], [sflag:$0x9], $0x80, $0x38;
	[tilespmem:$0x1AE00] =	vst v63  }
0x354: {  	s17 =	sadd.s32 $0x1000, s17;
	s21 =	sadd.s32 $0x16DB8, s7;
	s19 =	smov.u32 s8  }
0x355: {  	[hbm4b:s23+s3] =	stream.linear.scatter [tilespmem:s21], [sflag:$0x9], $0x80, $0x38;
	[tilespmem:$0x1AE00] =	vst v63  }
0x356: {  	s7 =	sadd.s32 $0x16A00, s16  }
0x357: {  	[hbm4b:s17+s3] =	stream.linear.scatter [tilespmem:s7], [sflag:$0x9], $0x80, $0x38;
	[tilespmem:$0x1AE00] =	vst v63  }
0x358: {  	s23 =	sadd.s32 $0x16A88, s16;
	s8 =	sadd.s32 $0x10, s17  }
0x359: {  	[hbm4b:s8+s3] =	stream.linear.scatter [tilespmem:s23], [sflag:$0x9], $0x80, $0x38;
	[tilespmem:$0x1AE00] =	vst v63  }
0x35a: {  	s19 =	sadd.s32 $0x20, s17;
	s8 =	sadd.s32 $0x16B10, s16  }
0x35b: {  	[hbm4b:s19+s3] =	stream.linear.scatter [tilespmem:s8], [sflag:$0x9], $0x80, $0x38;
	[tilespmem:$0x1AE00] =	vst v63  }
0x35c: {  	s21 =	sadd.s32 $0x16B98, s16;
	s23 =	sadd.s32 $0x30, s17  }
0x35d: {  	[hbm4b:s23+s3] =	stream.linear.scatter [tilespmem:s21], [sflag:$0x9], $0x80, $0x38;
	[tilespmem:$0x1AE00] =	vst v63  }
0x35e: {  	s8 =	sadd.s32 $0x16C20, s16;
	s19 =	sadd.s32 $0x40, s17  }
0x35f: {  	[hbm4b:s19+s3] =	stream.linear.scatter [tilespmem:s8], [sflag:$0x9], $0x80, $0x38;
	[tilespmem:$0x1AE00] =	vst v63  }
0x360: {  	s21 =	sadd.s32 $0x16CA8, s16;
	s23 =	sadd.s32 $0x50, s17  }
0x361: {  	[hbm4b:s23+s3] =	stream.linear.scatter [tilespmem:s21], [sflag:$0x9], $0x80, $0x38;
	[tilespmem:$0x1AE00] =	vst v63  }
.Ltmp19:
0x362: {  	_ = 	snop;
	(pc) =	sbr.rel @p1 .LBB2_32-.Ltmp19, $4  }
0x363: {  	s8 =	sadd.s32 $0x16D30, s16;
	s19 =	sadd.s32 $0x60, s17  }
0x364: {  	[hbm4b:s19+s3] =	stream.linear.scatter [tilespmem:s8], [sflag:$0x9], $0x80, $0x38;
	[tilespmem:$0x1AE00] =	vst v63  }
0x365: {  	s21 =	sadd.s32 $0x16DB8, s16;
	s23 =	sadd.s32 $0x70, s17  }
0x366: {  	[hbm4b:s23+s3] =	stream.linear.scatter [tilespmem:s21], [sflag:$0x9], $0x80, $0x38;
	[tilespmem:$0x1AE00] =	vst v63  }
.Ltmp20:
0x367: {  	(pc) =	sbr.rel .LBB2_33-.Ltmp20, $4  }
0x368: {  	_ = 	snop  }
0x369: {  	_ =	swait.ge [sflag:s18], $0x2000  }
0x36a: {  	[sflag:s18] =	ssyncset.done $0x0  }
0x36b: {  	[sflag:s18] =	ssyncadd.s32 $0xFFFFE000  }
.LBB2_32:
0x36c: {  	s7 =	smul.u32 $0xA00, s14;
	_ =	sdelay $0x1  }
0x36d: {  	s8 =	smul.u32 $0x280, s14;
	s7 =	sadd.s32 $0x1000, s7  }
0x36e: {  	s7 =	sand.u32 $0x7F000, s7  }
0x36f: {  	s8 =	sand.u32 $0x380, s8;
	s7 =	sshrl.u32 s7, $0x2  }
.Ltmp21:
0x370: {  	s23 =	simm.s32 $0xC400;
	s7 =	sor.u32 s8, s7;
	(pc) =	sbr.rel @p0 .LBB2_34-.Ltmp21, $4  }
0x371: {  	[tilespmem:s23], [sflag:$0x4] =	stream.indirect.gather [hbm4b:s5+s15], $0x40, s7, s15, $0xb8;
	[tilespmem:$0x1AE00] =	vst v63  }
0x372: {  	_ =	swait.ge [sflag:s18], $0x2000  }
0x373: {  	[sflag:s18] =	ssyncset.done $0x0  }
0x374: {  	[sflag:s18] =	ssyncadd.s32 $0xFFFFE000  }
.LBB2_33:
0x375: {  	_ =	swait.ge [sflag:s20], $0x2000  }
0x376: {  	[sflag:s20] =	ssyncset.done $0x0  }
0x377: {  	[sflag:s20] =	ssyncadd.s32 $0xFFFFE000  }
.LBB2_34:
0x378: {  	s7 =	simm.s32 $0x0;
	s16 =	simm.s32 $0xE480  }
0x379: {  	v4 =	vmov s7;
	v5 =	vld [tilespmem:s16+$0xFFFFFF80]  }
0x37a: {  	v4 =	vand.u32 $0x7C, v4  }
0x37b: {  	v6 =	vadd.s32 v0, v4;
	_ =	sdelay $0x2  }
0x37c: {  	v5 =	vmul.f32 $8.000000000e+00, v5;
	_ =	sdelay $0x1  }
0x37d: {  	[tilespmem:v6+s22+$0x0] =	vst.idx.msk $0xffff, v5  }
0x37e: {  	v5 =	vld [tilespmem:s16+$0xFFFFFF90];
	_ =	sdelay $0x1  }
0x37f: {  	v6 =	vadd.s32 v1, v4;
	_ =	sdelay $0x2  }
0x380: {  	v5 =	vmul.f32 $8.000000000e+00, v5;
	_ =	sdelay $0x1  }
0x381: {  	[tilespmem:v6+s22+$0x0] =	vst.idx.msk $0xffff, v5  }
0x382: {  	v5 =	vld [tilespmem:s16+$0xFFFFFFA0];
	_ =	sdelay $0x1  }
0x383: {  	v6 =	vadd.s32 v2, v4;
	_ =	sdelay $0x2  }
0x384: {  	v5 =	vmul.f32 $8.000000000e+00, v5;
	_ =	sdelay $0x1  }
0x385: {  	[tilespmem:v6+s22+$0x0] =	vst.idx.msk $0xffff, v5  }
0x386: {  	v5 =	vld [tilespmem:s16+$0xFFFFFFB0];
	_ =	sdelay $0x1  }
0x387: {  	v4 =	vadd.s32 v3, v4;
	_ =	sdelay $0x2  }
0x388: {  	v5 =	vmul.f32 $8.000000000e+00, v5;
	_ =	sdelay $0x1  }
0x389: {  	s19 =	simm.s32 $0x1;
	[tilespmem:v4+s22+$0x0] =	vst.idx.msk $0xffff, v5  }
0x38a: {  	v4 =	vmov s19;
	v5 =	vld [tilespmem:s16+$0xFFFFFFC0]  }
0x38b: {  	v4 =	vand.u32 $0x7D, v4  }
0x38c: {  	v6 =	vadd.s32 v0, v4;
	_ =	sdelay $0x2  }
0x38d: {  	v5 =	vmul.f32 $8.000000000e+00, v5;
	_ =	sdelay $0x1  }
0x38e: {  	[tilespmem:v6+s22+$0x0] =	vst.idx.msk $0xffff, v5  }
0x38f: {  	v5 =	vld [tilespmem:s16+$0xFFFFFFD0];
	_ =	sdelay $0x1  }
0x390: {  	v6 =	vadd.s32 v1, v4;
	_ =	sdelay $0x2  }
0x391: {  	v5 =	vmul.f32 $8.000000000e+00, v5;
	_ =	sdelay $0x1  }
0x392: {  	[tilespmem:v6+s22+$0x0] =	vst.idx.msk $0xffff, v5  }
0x393: {  	v5 =	vld [tilespmem:s16+$0xFFFFFFE0];
	_ =	sdelay $0x1  }
0x394: {  	v6 =	vadd.s32 v2, v4;
	_ =	sdelay $0x2  }
0x395: {  	v5 =	vmul.f32 $8.000000000e+00, v5;
	_ =	sdelay $0x1  }
0x396: {  	[tilespmem:v6+s22+$0x0] =	vst.idx.msk $0xffff, v5  }
0x397: {  	v5 =	vld [tilespmem:s16+$0xFFFFFFF0];
	_ =	sdelay $0x1  }
0x398: {  	v4 =	vadd.s32 v3, v4;
	_ =	sdelay $0x2  }
0x399: {  	v5 =	vmul.f32 $8.000000000e+00, v5;
	_ =	sdelay $0x1  }
0x39a: {  	s21 =	simm.s32 $0x2;
	[tilespmem:v4+s22+$0x0] =	vst.idx.msk $0xffff, v5  }
0x39b: {  	v4 =	vmov s21;
	v5 =	vld [tilespmem:s16+$0x0]  }
0x39c: {  	v4 =	vand.u32 $0x7E, v4  }
0x39d: {  	v6 =	vadd.s32 v0, v4;
	_ =	sdelay $0x2  }
0x39e: {  	v5 =	vmul.f32 $8.000000000e+00, v5;
	_ =	sdelay $0x1  }
0x39f: {  	[tilespmem:v6+s22+$0x0] =	vst.idx.msk $0xffff, v5  }
0x3a0: {  	v5 =	vld [tilespmem:s16+$0x10];
	_ =	sdelay $0x1  }
0x3a1: {  	v6 =	vadd.s32 v1, v4;
	_ =	sdelay $0x2  }
0x3a2: {  	v5 =	vmul.f32 $8.000000000e+00, v5;
	_ =	sdelay $0x1  }
0x3a3: {  	[tilespmem:v6+s22+$0x0] =	vst.idx.msk $0xffff, v5  }
0x3a4: {  	v5 =	vld [tilespmem:s16+$0x20];
	_ =	sdelay $0x1  }
0x3a5: {  	v6 =	vadd.s32 v2, v4;
	_ =	sdelay $0x2  }
0x3a6: {  	v5 =	vmul.f32 $8.000000000e+00, v5;
	_ =	sdelay $0x1  }
0x3a7: {  	[tilespmem:v6+s22+$0x0] =	vst.idx.msk $0xffff, v5  }
0x3a8: {  	v5 =	vld [tilespmem:s16+$0x30];
	_ =	sdelay $0x1  }
0x3a9: {  	v4 =	vadd.s32 v3, v4;
	_ =	sdelay $0x2  }
0x3aa: {  	v5 =	vmul.f32 $8.000000000e+00, v5;
	_ =	sdelay $0x1  }
0x3ab: {  	s23 =	simm.s32 $0x3;
	[tilespmem:v4+s22+$0x0] =	vst.idx.msk $0xffff, v5  }
0x3ac: {  	v4 =	vmov s23;
	v5 =	vld [tilespmem:s16+$0x40]  }
0x3ad: {  	v4 =	vand.u32 $0x7F, v4  }
0x3ae: {  	v6 =	vadd.s32 v0, v4;
	_ =	sdelay $0x2  }
0x3af: {  	v5 =	vmul.f32 $8.000000000e+00, v5;
	_ =	sdelay $0x1  }
0x3b0: {  	[tilespmem:v6+s22+$0x0] =	vst.idx.msk $0xffff, v5  }
0x3b1: {  	v5 =	vld [tilespmem:s16+$0x50];
	_ =	sdelay $0x1  }
0x3b2: {  	v6 =	vadd.s32 v1, v4;
	_ =	sdelay $0x2  }
0x3b3: {  	v5 =	vmul.f32 $8.000000000e+00, v5;
	_ =	sdelay $0x1  }
0x3b4: {  	[tilespmem:v6+s22+$0x0] =	vst.idx.msk $0xffff, v5  }
0x3b5: {  	v5 =	vld [tilespmem:s16+$0x60];
	_ =	sdelay $0x1  }
0x3b6: {  	v6 =	vadd.s32 v2, v4;
	_ =	sdelay $0x2  }
0x3b7: {  	v5 =	vmul.f32 $8.000000000e+00, v5;
	_ =	sdelay $0x1  }
0x3b8: {  	[tilespmem:v6+s22+$0x0] =	vst.idx.msk $0xffff, v5  }
0x3b9: {  	v5 =	vld [tilespmem:s16+$0x70];
	_ =	sdelay $0x1  }
0x3ba: {  	v4 =	vadd.s32 v3, v4;
	_ =	sdelay $0x2  }
0x3bb: {  	s17 =	simm.s32 $0x4;
	v5 =	vmul.f32 $8.000000000e+00, v5  }
.LBB2_35:
0x3bc: {  	p0 =	slt.u32 s17, $0x7C  }
0x3bd: {  	s16 =	sadd.s32 $0x100, s16;
	s19 =	smov.u32 s17;
	s17 =	sadd.s32 $0x4, s17;
	[tilespmem:v4+s22+$0x0] =	vst.idx.msk $0xffff, v5  }
0x3be: {  	v4 =	vmov s19;
	v5 =	vld [tilespmem:s16+$0xFFFFFF80]  }
0x3bf: {  	v4 =	vand.u32 $0x7C, v4  }
0x3c0: {  	v6 =	vadd.s32 v0, v4;
	_ =	sdelay $0x2  }
0x3c1: {  	v5 =	vmul.f32 $8.000000000e+00, v5;
	_ =	sdelay $0x1  }
0x3c2: {  	[tilespmem:v6+s22+$0x0] =	vst.idx.msk $0xffff, v5  }
0x3c3: {  	v5 =	vld [tilespmem:s16+$0xFFFFFF90];
	_ =	sdelay $0x1  }
0x3c4: {  	v6 =	vadd.s32 v1, v4;
	_ =	sdelay $0x2  }
0x3c5: {  	v5 =	vmul.f32 $8.000000000e+00, v5;
	_ =	sdelay $0x1  }
0x3c6: {  	[tilespmem:v6+s22+$0x0] =	vst.idx.msk $0xffff, v5  }
0x3c7: {  	v5 =	vld [tilespmem:s16+$0xFFFFFFA0];
	_ =	sdelay $0x1  }
0x3c8: {  	v6 =	vadd.s32 v2, v4;
	_ =	sdelay $0x2  }
0x3c9: {  	v5 =	vmul.f32 $8.000000000e+00, v5;
	_ =	sdelay $0x1  }
0x3ca: {  	[tilespmem:v6+s22+$0x0] =	vst.idx.msk $0xffff, v5  }
0x3cb: {  	v5 =	vld [tilespmem:s16+$0xFFFFFFB0];
	_ =	sdelay $0x1  }
0x3cc: {  	v4 =	vadd.s32 v3, v4;
	_ =	sdelay $0x2  }
0x3cd: {  	v5 =	vmul.f32 $8.000000000e+00, v5;
	_ =	sdelay $0x1  }
0x3ce: {  	s7 =	sadd.s32 $0x1, s19;
	[tilespmem:v4+s22+$0x0] =	vst.idx.msk $0xffff, v5  }
0x3cf: {  	v4 =	vmov s7;
	v5 =	vld [tilespmem:s16+$0xFFFFFFC0]  }
0x3d0: {  	v4 =	vand.u32 $0x7D, v4  }
0x3d1: {  	v6 =	vadd.s32 v0, v4;
	_ =	sdelay $0x2  }
0x3d2: {  	v5 =	vmul.f32 $8.000000000e+00, v5;
	_ =	sdelay $0x1  }
0x3d3: {  	[tilespmem:v6+s22+$0x0] =	vst.idx.msk $0xffff, v5  }
0x3d4: {  	v5 =	vld [tilespmem:s16+$0xFFFFFFD0];
	_ =	sdelay $0x1  }
0x3d5: {  	v6 =	vadd.s32 v1, v4;
	_ =	sdelay $0x2  }
0x3d6: {  	v5 =	vmul.f32 $8.000000000e+00, v5;
	_ =	sdelay $0x1  }
0x3d7: {  	[tilespmem:v6+s22+$0x0] =	vst.idx.msk $0xffff, v5  }
0x3d8: {  	v5 =	vld [tilespmem:s16+$0xFFFFFFE0];
	_ =	sdelay $0x1  }
0x3d9: {  	v6 =	vadd.s32 v2, v4;
	_ =	sdelay $0x2  }
0x3da: {  	v5 =	vmul.f32 $8.000000000e+00, v5;
	_ =	sdelay $0x1  }
0x3db: {  	[tilespmem:v6+s22+$0x0] =	vst.idx.msk $0xffff, v5  }
0x3dc: {  	v5 =	vld [tilespmem:s16+$0xFFFFFFF0];
	_ =	sdelay $0x1  }
0x3dd: {  	v4 =	vadd.s32 v3, v4;
	_ =	sdelay $0x2  }
0x3de: {  	v5 =	vmul.f32 $8.000000000e+00, v5;
	_ =	sdelay $0x1  }
0x3df: {  	s7 =	sadd.s32 $0x2, s19;
	[tilespmem:v4+s22+$0x0] =	vst.idx.msk $0xffff, v5  }
0x3e0: {  	v4 =	vmov s7;
	v5 =	vld [tilespmem:s16+$0x0]  }
0x3e1: {  	v4 =	vand.u32 $0x7E, v4  }
0x3e2: {  	v6 =	vadd.s32 v0, v4;
	_ =	sdelay $0x2  }
0x3e3: {  	v5 =	vmul.f32 $8.000000000e+00, v5;
	_ =	sdelay $0x1  }
0x3e4: {  	[tilespmem:v6+s22+$0x0] =	vst.idx.msk $0xffff, v5  }
0x3e5: {  	v5 =	vld [tilespmem:s16+$0x10];
	_ =	sdelay $0x1  }
0x3e6: {  	v6 =	vadd.s32 v1, v4;
	_ =	sdelay $0x2  }
0x3e7: {  	v5 =	vmul.f32 $8.000000000e+00, v5;
	_ =	sdelay $0x1  }
0x3e8: {  	[tilespmem:v6+s22+$0x0] =	vst.idx.msk $0xffff, v5  }
0x3e9: {  	v5 =	vld [tilespmem:s16+$0x20];
	_ =	sdelay $0x1  }
0x3ea: {  	v6 =	vadd.s32 v2, v4;
	_ =	sdelay $0x2  }
0x3eb: {  	v5 =	vmul.f32 $8.000000000e+00, v5;
	_ =	sdelay $0x1  }
0x3ec: {  	[tilespmem:v6+s22+$0x0] =	vst.idx.msk $0xffff, v5  }
0x3ed: {  	v5 =	vld [tilespmem:s16+$0x30];
	_ =	sdelay $0x1  }
0x3ee: {  	v4 =	vadd.s32 v3, v4;
	_ =	sdelay $0x2  }
0x3ef: {  	v5 =	vmul.f32 $8.000000000e+00, v5;
	_ =	sdelay $0x1  }
0x3f0: {  	s7 =	sadd.s32 $0x3, s19;
	[tilespmem:v4+s22+$0x0] =	vst.idx.msk $0xffff, v5  }
0x3f1: {  	v4 =	vmov s7;
	v5 =	vld [tilespmem:s16+$0x40]  }
0x3f2: {  	v4 =	vand.u32 $0x7F, v4  }
0x3f3: {  	v6 =	vadd.s32 v0, v4;
	_ =	sdelay $0x2  }
0x3f4: {  	v5 =	vmul.f32 $8.000000000e+00, v5;
	_ =	sdelay $0x1  }
0x3f5: {  	[tilespmem:v6+s22+$0x0] =	vst.idx.msk $0xffff, v5  }
0x3f6: {  	v5 =	vld [tilespmem:s16+$0x50];
	_ =	sdelay $0x1  }
0x3f7: {  	v6 =	vadd.s32 v1, v4;
	_ =	sdelay $0x2  }
0x3f8: {  	v5 =	vmul.f32 $8.000000000e+00, v5;
	_ =	sdelay $0x1  }
0x3f9: {  	[tilespmem:v6+s22+$0x0] =	vst.idx.msk $0xffff, v5  }
0x3fa: {  	v5 =	vld [tilespmem:s16+$0x60];
	_ =	sdelay $0x1  }
0x3fb: {  	v6 =	vadd.s32 v2, v4;
	_ =	sdelay $0x2  }
0x3fc: {  	v5 =	vmul.f32 $8.000000000e+00, v5;
	_ =	sdelay $0x1  }
0x3fd: {  	[tilespmem:v6+s22+$0x0] =	vst.idx.msk $0xffff, v5  }
0x3fe: {  	v5 =	vld [tilespmem:s16+$0x70]  }
.Ltmp22:
0x3ff: {  	(pc) =	sbr.rel @p0 .LBB2_35-.Ltmp22, $2  }
0x400: {  	v4 =	vadd.s32 v3, v4;
	_ =	sdelay $0x2  }
0x401: {  	v5 =	vmul.f32 $8.000000000e+00, v5  }
0x402: {  	_ =	sdelay $0x1  }
0x403: {  	s7 =	sadd.s32 s10, s11  }
0x404: {  	s7 =	sshrl.u32 s7, $0x3  }
0x405: {  	s8 =	simm.s32 $0x18C00;
	[tilespmem:v4+s22+$0x0] =	vst.idx.msk $0xffff, v5;
	s7 =	sadd.s32 s2, s7  }
0x406: {  	[hbm4b:s7+s3] =	stream.linear.scatter [tilespmem:s8], [sflag:$0xA], $0x80, $0x38;
	[tilespmem:$0x1AE00] =	vst v63  }
0x407: {  	s11 =	simm.s32 $0x18C88;
	s16 =	sadd.s32 $0x10, s7  }
0x408: {  	[hbm4b:s16+s3] =	stream.linear.scatter [tilespmem:s11], [sflag:$0xA], $0x80, $0x38;
	[tilespmem:$0x1AE00] =	vst v63  }
0x409: {  	s17 =	simm.s32 $0x18D10;
	s19 =	sadd.s32 $0x20, s7  }
0x40a: {  	[hbm4b:s19+s3] =	stream.linear.scatter [tilespmem:s17], [sflag:$0xA], $0x80, $0x38;
	[tilespmem:$0x1AE00] =	vst v63  }
0x40b: {  	s21 =	simm.s32 $0x18D98;
	s23 =	sadd.s32 $0x30, s7  }
0x40c: {  	[hbm4b:s23+s3] =	stream.linear.scatter [tilespmem:s21], [sflag:$0xA], $0x80, $0x38;
	[tilespmem:$0x1AE00] =	vst v63  }
0x40d: {  	s11 =	simm.s32 $0x18E20;
	s16 =	sadd.s32 $0x40, s7  }
0x40e: {  	[hbm4b:s16+s3] =	stream.linear.scatter [tilespmem:s11], [sflag:$0xA], $0x80, $0x38;
	[tilespmem:$0x1AE00] =	vst v63  }
0x40f: {  	s17 =	simm.s32 $0x18EA8;
	s19 =	sadd.s32 $0x50, s7;
	s21 =	simm.s32 $0x18F30  }
0x410: {  	[hbm4b:s19+s3] =	stream.linear.scatter [tilespmem:s17], [sflag:$0xA], $0x80, $0x38;
	[tilespmem:$0x1AE00] =	vst v63  }
0x411: {  	s23 =	sadd.s32 $0x60, s7;
	s11 =	simm.s32 $0x440;
	s16 =	sadd.s32 $0x1000, s7  }
0x412: {  	[hbm4b:s23+s3] =	stream.linear.scatter [tilespmem:s21], [sflag:$0xA], $0x80, $0x38;
	[tilespmem:$0x1AE00] =	vst v63  }
0x413: {  	s17 =	simm.s32 $0x2200;
	s19 =	simm.s32 $0x18FB8;
	s21 =	sadd.s32 $0x70, s7  }
.LBB2_37:
0x414: {  	[hbm4b:s21+s3] =	stream.linear.scatter [tilespmem:s19], [sflag:$0xA], $0x80, $0x38;
	[tilespmem:$0x1AE00] =	vst v63  }
0x415: {  	s7 =	smov.u32 s11;
	s8 =	smov.u32 s17  }
0x416: {  	s11 =	sshra.s32 s8, $0x2;
	s8 =	sadd.s32 $0x1100, s17;
	s19 =	sadd.s32 $0x18C00, s7  }
0x417: {  	[hbm4b:s16+s3] =	stream.linear.scatter [tilespmem:s19], [sflag:$0xA], $0x80, $0x38;
	[tilespmem:$0x1AE00] =	vst v63  }
0x418: {  	p0 =	sne.s32 s17, $0x7700;
	s17 =	sadd.s32 $0x18C88, s7;
	s19 =	sadd.s32 $0x10, s16  }
0x419: {  	[hbm4b:s19+s3] =	stream.linear.scatter [tilespmem:s17], [sflag:$0xA], $0x80, $0x38;
	[tilespmem:$0x1AE00] =	vst v63  }
0x41a: {  	s17 =	sadd.s32 $0x18D10, s7;
	s19 =	sadd.s32 $0x20, s16  }
0x41b: {  	[hbm4b:s19+s3] =	stream.linear.scatter [tilespmem:s17], [sflag:$0xA], $0x80, $0x38;
	[tilespmem:$0x1AE00] =	vst v63  }
0x41c: {  	s17 =	sadd.s32 $0x18D98, s7;
	s19 =	sadd.s32 $0x30, s16  }
0x41d: {  	[hbm4b:s19+s3] =	stream.linear.scatter [tilespmem:s17], [sflag:$0xA], $0x80, $0x38;
	[tilespmem:$0x1AE00] =	vst v63  }
0x41e: {  	s17 =	sadd.s32 $0x18E20, s7;
	s19 =	sadd.s32 $0x40, s16  }
0x41f: {  	[hbm4b:s19+s3] =	stream.linear.scatter [tilespmem:s17], [sflag:$0xA], $0x80, $0x38;
	[tilespmem:$0x1AE00] =	vst v63  }
.Ltmp23:
0x420: {  	s17 =	sadd.s32 $0x18EA8, s7;
	s19 =	sadd.s32 $0x50, s16;
	(pc) =	sbr.rel @p0 .LBB2_37-.Ltmp23, $4  }
0x421: {  	[hbm4b:s19+s3] =	stream.linear.scatter [tilespmem:s17], [sflag:$0xA], $0x80, $0x38;
	[tilespmem:$0x1AE00] =	vst v63  }
0x422: {  	s21 =	sadd.s32 $0x70, s16;
	s17 =	sadd.s32 $0x18F30, s7;
	s19 =	sadd.s32 $0x60, s16  }
0x423: {  	[hbm4b:s19+s3] =	stream.linear.scatter [tilespmem:s17], [sflag:$0xA], $0x80, $0x38;
	[tilespmem:$0x1AE00] =	vst v63  }
0x424: {  	s16 =	sadd.s32 $0x1000, s16;
	s19 =	sadd.s32 $0x18FB8, s7;
	s17 =	smov.u32 s8  }
0x425: {  	[hbm4b:s21+s3] =	stream.linear.scatter [tilespmem:s19], [sflag:$0xA], $0x80, $0x38;
	[tilespmem:$0x1AE00] =	vst v63  }
0x426: {  	s7 =	sadd.s32 $0x18C00, s11  }
0x427: {  	[hbm4b:s16+s3] =	stream.linear.scatter [tilespmem:s7], [sflag:$0xA], $0x80, $0x38;
	[tilespmem:$0x1AE00] =	vst v63  }
0x428: {  	s23 =	sadd.s32 $0x18C88, s11;
	s8 =	sadd.s32 $0x10, s16  }
0x429: {  	[hbm4b:s8+s3] =	stream.linear.scatter [tilespmem:s23], [sflag:$0xA], $0x80, $0x38;
	[tilespmem:$0x1AE00] =	vst v63  }
0x42a: {  	s17 =	sadd.s32 $0x18D10, s11;
	s19 =	sadd.s32 $0x20, s16  }
0x42b: {  	[hbm4b:s19+s3] =	stream.linear.scatter [tilespmem:s17], [sflag:$0xA], $0x80, $0x38;
	[tilespmem:$0x1AE00] =	vst v63  }
0x42c: {  	s21 =	sadd.s32 $0x18D98, s11;
	s23 =	sadd.s32 $0x30, s16  }
0x42d: {  	[hbm4b:s23+s3] =	stream.linear.scatter [tilespmem:s21], [sflag:$0xA], $0x80, $0x38;
	[tilespmem:$0x1AE00] =	vst v63  }
0x42e: {  	s17 =	sadd.s32 $0x18E20, s11;
	s19 =	sadd.s32 $0x40, s16  }
0x42f: {  	[hbm4b:s19+s3] =	stream.linear.scatter [tilespmem:s17], [sflag:$0xA], $0x80, $0x38;
	[tilespmem:$0x1AE00] =	vst v63  }
0x430: {  	p0 =	seq.s32 s14, $0x27;
	s21 =	sadd.s32 $0x18EA8, s11;
	s23 =	sadd.s32 $0x50, s16  }
0x431: {  	[hbm4b:s23+s3] =	stream.linear.scatter [tilespmem:s21], [sflag:$0xA], $0x80, $0x38;
	[tilespmem:$0x1AE00] =	vst v63  }
.Ltmp24:
0x432: {  	_ = 	snop;
	(pc) =	sbr.rel @p0 .LBB2_40-.Ltmp24, $4  }
0x433: {  	s17 =	sadd.s32 $0x18F30, s11;
	s19 =	sadd.s32 $0x60, s16  }
0x434: {  	[hbm4b:s19+s3] =	stream.linear.scatter [tilespmem:s17], [sflag:$0xA], $0x80, $0x38;
	[tilespmem:$0x1AE00] =	vst v63  }
0x435: {  	s21 =	sadd.s32 $0x18FB8, s11;
	s23 =	sadd.s32 $0x70, s16  }
0x436: {  	[hbm4b:s23+s3] =	stream.linear.scatter [tilespmem:s21], [sflag:$0xA], $0x80, $0x38;
	[tilespmem:$0x1AE00] =	vst v63  }
.Ltmp25:
0x437: {  	(pc) =	sbr.rel .LBB2_2-.Ltmp25, $4  }
0x438: {  	s6 =	sshll.u32 s6, $0x7  }
0x439: {  	s6 =	sadd.s32 $0x480, s6  }
0x43a: {  	s7 =	simm.s32 $0xE400;
	s14 =	sadd.s32 $0x1, s14;
	s6 =	sand.u32 $0x1FF80, s6  }
0x43b: {  	[tilespmem:s7], [sflag:$0x5] =	stream.indirect.gather [hbm4b:s5+s15], $0x40, s6, s15, $0xb8;
	[tilespmem:$0x1AE00] =	vst v63  }
.LBB2_41:
0x43c: {  	_ =	sfence.sel $0x180000  }
0x43d: {  	[bflag:$0x0] =	sbarrier.arrive $0xFFFF  }
0x43e: {  	_ =	strace $0x90000047  }
0x43f: {  	s0 =	stileid.u32;
	[bflag:$0x2] =	sbarrier.arrive $0xFFFF  }
0x440: {  	p0 =	sne.s32 s0, $0x0;
	s0 =	rddreg [dreg:$0x3]  }
0x441: {  	s0 =	sadd.s32 @!p0 $0x100000, s0  }
0x442: {  	[sflag:s0] =	ssyncadd.tile.s32 @!p0 $0x1;
	_ =	shalt  }
.Lfunc_end2:
_tile_overlayer_lowered:
.L_overlay_start_2:
0x443: {  	(tag) =	ssettag $0x2  }
0x444: {  	s0 =	rddreg [dreg:$0x0];
	s2 =	stileid.u32  }
0x445: {  	s1 =	rddreg [dreg:$0x1];
	p0 =	sne.s32 s2, $0x0  }
0x446: {  	s3 =	rddreg [dreg:$0x2];
	[bflag:$0x3] =	sbarrier.arrive $0xFFFF;
	s2 =	simm.s32 @!p0 $0x1C0B  }
0x447: {  	[timem:s3], [sflag:s2] =	dma.local @!p0 [hbm:s0], s1  }
0x448: {  	s0 =	simm.s32 @!p0 $0xB  }
0x449: {  	_ =	swait.ge @!p0 [sflag:s0], s1  }
0x44a: {  	s1 =	ssub.s32 @!p0 $0x0, s1;
	[sflag:s0] =	ssyncset.done @!p0 $0x0  }
0x44b: {  	[sflag:s0] =	ssyncadd.s32 @!p0 s1  }
0x44c: {  	[bflag:$0x3] =	sbarrier.arrive $0xFFFF  }
0x44d: {  	_ =	shalt  }

</sc_bundles>
